<compile_context>
chip_gen: v7x
topology: tpu7x:2x2x1
jax: 0.10.2.dev20260603
libtpu: 0.0.44.dev20260713+nightly
codegen_flags: <defaults>
</compile_context>

<pallas_src>
import functools

import jax
import jax.numpy as jnp
from jax import lax
from jax.experimental import pallas as pl
from jax.experimental.pallas import tpu as pltpu
from jax.experimental.pallas import tpu_sc as plsc

_N_ITEMS = 1_000_000
_D = 32
_L = 50
_B = 16384
_LANES = 16
_NC = 2
_NS = 16
_NW = _NC * _NS
_BW = _B // _NW
_CH = 512
_NCH = (_BW * _L) // _CH

_BB = 128
_GRID = _B // _BB


def _sc_gather_body(pos_ids, neg_ids, pref_ids_flat,
                    item_emb,
                    out_pref, out_p, out_n,
                    idbuf, pid_v, nid_v,
                    rows0, rows1, prows, nrows,
                    sem_in0, sem_in1, sem_out0, sem_out1,
                    sem_upn_in, sem_upn_out):
    wid = lax.axis_index("s") * _NC + lax.axis_index("c")
    base_b = wid * _BW
    base_r = base_b * _L

    pltpu.sync_copy(pref_ids_flat.at[pl.ds(base_r, _BW * _L)], idbuf)
    pltpu.sync_copy(pos_ids.at[pl.ds(base_b, _BW)], pid_v)
    pltpu.sync_copy(neg_ids.at[pl.ds(base_b, _BW)], nid_v)

    def clamp_body(i, _):
        off = i * _LANES
        v = idbuf[pl.ds(off, _LANES)]
        idbuf[pl.ds(off, _LANES)] = jnp.minimum(
            v, jnp.full((_LANES,), _N_ITEMS - 1, jnp.int32))
        return 0
    lax.fori_loop(0, (_BW * _L) // _LANES, clamp_body, 0)

    hp = pltpu.async_copy(item_emb.at[pid_v], prows, sem_upn_in)
    hn = pltpu.async_copy(item_emb.at[nid_v], nrows, sem_upn_in)
    hp.wait()
    hn.wait()
    op = pltpu.async_copy(prows, out_p.at[pl.ds(base_b, _BW)], sem_upn_out)
    on = pltpu.async_copy(nrows, out_n.at[pl.ds(base_b, _BW)], sem_upn_out)

    bufs = (rows0, rows1)
    sems_in = (sem_in0, sem_in1)
    sems_out = (sem_out0, sem_out1)
    h_in = [None, None]
    h_out = [None, None]
    h_in[0] = pltpu.async_copy(
        item_emb.at[idbuf.at[pl.ds(0, _CH)]], bufs[0], sems_in[0])
    for c in range(_NCH):
        cur = c % 2
        nxt = 1 - cur
        if c + 1 < _NCH:
            if h_out[nxt] is not None:
                h_out[nxt].wait()
            h_in[nxt] = pltpu.async_copy(
                item_emb.at[idbuf.at[pl.ds((c + 1) * _CH, _CH)]],
                bufs[nxt], sems_in[nxt])
        h_in[cur].wait()
        h_out[cur] = pltpu.async_copy(
            bufs[cur], out_pref.at[pl.ds(base_r + c * _CH, _CH)],
            sems_out[cur])
    h_out[(_NCH - 1) % 2].wait()

    op.wait()
    on.wait()


@jax.jit
def _sc_gather(pos_ids, neg_ids, pref_ids_flat, item_emb):
    mesh = plsc.VectorSubcoreMesh(core_axis_name="c", subcore_axis_name="s")
    f = pl.kernel(
        _sc_gather_body,
        compiler_params=pltpu.CompilerParams(use_tc_tiling_on_sc=False),
        out_type=[
            jax.ShapeDtypeStruct((_B * _L, _D), jnp.float32),
            jax.ShapeDtypeStruct((_B, _D), jnp.float32),
            jax.ShapeDtypeStruct((_B, _D), jnp.float32),
        ],
        mesh=mesh,
        scratch_types=[
            pltpu.VMEM((_BW * _L,), jnp.int32),
            pltpu.VMEM((_BW,), jnp.int32),
            pltpu.VMEM((_BW,), jnp.int32),
            pltpu.VMEM((_CH, _D), jnp.float32),
            pltpu.VMEM((_CH, _D), jnp.float32),
            pltpu.VMEM((_BW, _D), jnp.float32),
            pltpu.VMEM((_BW, _D), jnp.float32),
            pltpu.SemaphoreType.DMA,
            pltpu.SemaphoreType.DMA,
            pltpu.SemaphoreType.DMA,
            pltpu.SemaphoreType.DMA,
            pltpu.SemaphoreType.DMA,
            pltpu.SemaphoreType.DMA,
        ],
    )
    return f(pos_ids, neg_ids, pref_ids_flat, item_emb)


_BG = _BB // 4


def _tc_att_body(pref_ref, u_ref, p_ref, n_ref, vmp_ref, np_ref,
                 dpos_ref, dneg_ref):
    pref3 = pref_ref[...]
    u3 = u_ref[...]
    p3 = p_ref[...]
    n3 = n_ref[...]

    li = lax.broadcasted_iota(jnp.int32, (128, 128), 0) // _D
    lj = lax.broadcasted_iota(jnp.int32, (128, 128), 1) // _D
    seg = (li == lj).astype(jnp.float32)

    v32 = jnp.broadcast_to(vmp_ref[0][:, :, None], (_L, _BG, 128))
    shift = (lax.broadcasted_iota(jnp.int32, (_L, _BG, 128), 2) // _D) * 8
    vm3 = ((v32 >> shift) & 1).astype(jnp.float32)

    np3 = jnp.broadcast_to(np_ref[...][None], (_L, _BG, 128))
    l3 = lax.broadcasted_iota(jnp.int32, (_L, _BG, 128), 0)
    lm3 = (l3.astype(jnp.float32) < np3 + 1.0).astype(jnp.float32)

    pv = (pref3 * vm3).reshape(_L * _BG, 128)
    lm2 = lm3.reshape(_L * _BG, 128)
    vm2 = vm3.reshape(_L * _BG, 128)
    pf2 = pref3.reshape(_L * _BG, 128)

    def att_pool(t3):
        tb = jnp.broadcast_to(t3[None], (_L, _BG, 128)).reshape(_L * _BG, 128)
        w = jnp.dot(pv * tb, seg, preferred_element_type=jnp.float32)
        e = jnp.exp(w) * lm2
        s = e.reshape(_L, _BG, 128).sum(axis=0)
        en = e * vm2
        av = (pf2 * en).reshape(_L, _BG, 128).sum(axis=0)
        return av / s

    dp = jnp.square(u3 + att_pool(p3) - p3)
    dn = jnp.square(u3 + att_pool(n3) - n3)
    dpos_ref[...] = jnp.dot(dp, seg, preferred_element_type=jnp.float32)
    dneg_ref[...] = jnp.dot(dn, seg, preferred_element_type=jnp.float32)


@jax.jit
def _tc_att(pref_g, u_g, p_g, n_g, vm_pack, np_g):
    return pl.pallas_call(
        _tc_att_body,
        grid=(_GRID,),
        in_specs=[
            pl.BlockSpec((_L, _BG, 128), lambda i: (0, i, 0)),
            pl.BlockSpec((_BG, 128), lambda i: (i, 0)),
            pl.BlockSpec((_BG, 128), lambda i: (i, 0)),
            pl.BlockSpec((_BG, 128), lambda i: (i, 0)),
            pl.BlockSpec((1, _L, _BG), lambda i: (i, 0, 0)),
            pl.BlockSpec((_BG, 128), lambda i: (i, 0)),
        ],
        out_specs=[
            pl.BlockSpec((_BG, 128), lambda i: (i, 0)),
            pl.BlockSpec((_BG, 128), lambda i: (i, 0)),
        ],
        out_shape=[
            jax.ShapeDtypeStruct((_B // 4, 128), jnp.float32),
            jax.ShapeDtypeStruct((_B // 4, 128), jnp.float32),
        ],
    )(pref_g, u_g, p_g, n_g, vm_pack, np_g)


def kernel(user_ids, pos_ids, neg_ids, pref_ids, n_prefs,
           user_embeddings, item_embeddings):
    pref_flat = pref_ids.T.reshape(-1)
    pref_rows, p_rows, n_rows = _sc_gather(
        pos_ids, neg_ids, pref_flat, item_embeddings)
    pref_g = pref_rows.reshape(_L, _B // 4, 128)
    p_g = p_rows.reshape(_B // 4, 128)
    n_g = n_rows.reshape(_B // 4, 128)
    u_g = jnp.take(user_embeddings, user_ids, axis=0).reshape(_B // 4, 128)
    vmi = (pref_ids < _N_ITEMS).astype(jnp.int32).T.reshape(_L, _B // 4, 4)
    vm_pack = (vmi[..., 0] | (vmi[..., 1] << 8)
               | (vmi[..., 2] << 16) | (vmi[..., 3] << 24))
    vm_pack = vm_pack.reshape(_L, _GRID, _BG).transpose(1, 0, 2)
    np_g = jnp.broadcast_to(
        n_prefs.astype(jnp.float32).reshape(_B // 4, 4, 1),
        (_B // 4, 4, _D)).reshape(_B // 4, 128)
    dpos_g, dneg_g = _tc_att(pref_g, u_g, p_g, n_g, vm_pack, np_g)
    dpos = dpos_g.reshape(_B // 4, 4, _D)[:, :, 0].reshape(_B)
    dneg = dneg_g.reshape(_B // 4, 4, _D)[:, :, 0].reshape(_B)
    return (dpos, dneg)

# --- scband reference (transcript-rebuilt; emitter-appended) ---
"""Pipeline reference for scband-att-cml-87969520157214 (READ-ONLY COPY).

The authoritative reference and input builder live on the scoring server;
editing this copy changes nothing except your own understanding.
"""

import jax, jax.numpy as jnp
import numpy as np

N_USERS = 1000000
N_ITEMS = 1000000
D = 32
B = 16384
L = 50
BETA = 1.0


def setup_inputs(seed: int = 0) -> dict:
    key = jax.random.key(seed)
    ks = jax.random.split(key, 7)
    return {
        "user_ids": jax.random.randint(ks[0], (B,), 0, N_USERS, dtype=jnp.int64 if jax.config.jax_enable_x64 else jnp.int32).astype(jnp.int32),
        "pos_ids": jax.random.randint(ks[1], (B,), 0, N_ITEMS).astype(jnp.int32),
        "neg_ids": jax.random.randint(ks[2], (B,), 0, N_ITEMS).astype(jnp.int32),
        "pref_ids": jax.random.randint(ks[3], (B, L), 0, N_ITEMS + 1).astype(jnp.int32),
        "n_prefs": jax.random.randint(ks[4], (B,), 0, L).astype(jnp.int32),
        "user_embeddings": jax.random.normal(ks[5], (N_USERS, D), dtype=jnp.float32) * 0.05,
        "item_embeddings": jax.random.normal(ks[6], (N_ITEMS, D), dtype=jnp.float32) * 0.05,
    }


def _attentive_vectors(pref_vectors, target, n_prefs_f):
    # w_ij = sum over embedding dim of (pref_vectors * target)
    w_ij = jnp.sum(pref_vectors * target[:, None, :], axis=-1)  # [B, L]
    exp_wij = jnp.exp(w_ij)
    n_pr = pref_vectors.shape[1]
    # tf.sequence_mask(n_prefs + 1, maxlen=L)
    mask = (jnp.arange(n_pr, dtype=jnp.float32)[None, :] < (n_prefs_f + 1.0)[:, None]).astype(jnp.float32)
    exp_wij = mask * exp_wij
    exp_sum = jnp.sum(exp_wij, axis=1, keepdims=True)
    if BETA != 1.0:
        exp_sum = jnp.power(exp_sum, BETA)
    att = exp_wij / exp_sum
    att_vecs = jnp.sum(pref_vectors * att[..., None], axis=1)  # [B, D]
    return att_vecs


def reference(user_ids, pos_ids, neg_ids, pref_ids, n_prefs, user_embeddings, item_embeddings):
    d = item_embeddings.shape[1]
    # ctx_item_embeddings = concat(item_embeddings, zero_item)
    ctx_item_embeddings = jnp.concatenate([item_embeddings, jnp.zeros((1, d), jnp.float32)], axis=0)
    u_vectors = jnp.take(user_embeddings, user_ids, axis=0)     # [B, D]
    p_vectors = jnp.take(item_embeddings, pos_ids, axis=0)      # [B, D]
    n_vectors = jnp.take(item_embeddings, neg_ids, axis=0)      # [B, D]
    pref_vectors = jnp.take(ctx_item_embeddings, pref_ids, axis=0)  # [B, L, D]
    n_prefs_f = n_prefs.astype(jnp.float32)

    u_pos_att = _attentive_vectors(pref_vectors, p_vectors, n_prefs_f)
    u_pos = u_vectors + u_pos_att
    # copy=False -> separate attention for negatives
    u_neg_att = _attentive_vectors(pref_vectors, n_vectors, n_prefs_f)
    u_neg = u_vectors + u_neg_att

    pos_distances = jnp.sum(jnp.square(u_pos - p_vectors), axis=1)
    neg_distances = jnp.sum(jnp.square(u_neg - n_vectors), axis=1)
    return (pos_distances, neg_distances)

if __name__ == "__main__":
    import jax
    _d = setup_inputs()
    print(jax.jit(kernel)(*tuple(_d.values())))

</pallas_src>

<mosaic_0001>
#map = affine_map<(d0, d1) -> (0)>
#map1 = affine_map<(d0, d1) -> (0, 0)>
module attributes {stable_mosaic.version = 14 : i64} {
  func.func @_sc_gather_body(%arg0: i32, %arg1: i32, %arg2: memref<16384xi32, #tpu.memory_space<hbm>>, %arg3: memref<16384xi32, #tpu.memory_space<hbm>>, %arg4: memref<819200xi32, #tpu.memory_space<hbm>>, %arg5: memref<1000000x32xf32, #tpu.memory_space<hbm>>, %arg6: memref<819200x32xf32, #tpu.memory_space<hbm>>, %arg7: memref<16384x32xf32, #tpu.memory_space<hbm>>, %arg8: memref<16384x32xf32, #tpu.memory_space<hbm>>, %arg9: memref<25600xi32, #tpu.memory_space<vmem>>, %arg10: memref<512xi32, #tpu.memory_space<vmem>>, %arg11: memref<512xi32, #tpu.memory_space<vmem>>, %arg12: memref<512x32xf32, #tpu.memory_space<vmem>>, %arg13: memref<512x32xf32, #tpu.memory_space<vmem>>, %arg14: memref<512x32xf32, #tpu.memory_space<vmem>>, %arg15: memref<512x32xf32, #tpu.memory_space<vmem>>, %arg16: memref<!tpu.dma_semaphore, #tpu.memory_space<semaphore_mem>>, %arg17: memref<!tpu.dma_semaphore, #tpu.memory_space<semaphore_mem>>, %arg18: memref<!tpu.dma_semaphore, #tpu.memory_space<semaphore_mem>>, %arg19: memref<!tpu.dma_semaphore, #tpu.memory_space<semaphore_mem>>, %arg20: memref<!tpu.dma_semaphore, #tpu.memory_space<semaphore_mem>>, %arg21: memref<!tpu.dma_semaphore, #tpu.memory_space<semaphore_mem>>) attributes {dimension_semantics = [#tpu.dimension_semantics<core_parallel>, #tpu.dimension_semantics<subcore_parallel>], iteration_bounds = array<i64: 2, 16>, scalar_prefetch = 0 : i64, scratch_operands = 13 : i64, tpu.core_type = #tpu.core_type<sc_vector_subcore>, window_params = [{transform_indices = #map}, {transform_indices = #map}, {transform_indices = #map}, {transform_indices = #map1}, {transform_indices = #map1}, {transform_indices = #map1}, {transform_indices = #map1}]} {
    %mul3A = arith.constant 2 : i32
    %mul3A_0 = arith.muli %arg1, %mul3A : i32
    %add3A = arith.addi %mul3A_0, %arg0 : i32
    %mul3A_1 = arith.constant 512 : i32
    %mul3A_2 = arith.muli %add3A, %mul3A_1 : i32
    %mul3A_3 = arith.constant 50 : i32
    %mul3A_4 = arith.muli %mul3A_2, %mul3A_3 : i32
    "tpu.region"() ({
      %run_scoped3A = tpu.sem_alloc : memref<!tpu.dma_semaphore, #tpu.memory_space<semaphore_mem>>
      %dma_start3A_1033 = tpu.memref_slice %arg4[%mul3A_4] : memref<819200xi32, #tpu.memory_space<hbm>> -> memref<25600xi32, #tpu.memory_space<hbm>>
      %dma_start3A_1034 = tpu.memref_slice %arg4[%mul3A_4] : memref<819200xi32, #tpu.memory_space<hbm>> -> memref<25600xi32, #tpu.memory_space<hbm>>
      tpu.enqueue_dma source(%dma_start3A_1034 : memref<25600xi32, #tpu.memory_space<hbm>>) target(%arg9 : memref<25600xi32, #tpu.memory_space<vmem>>) target_semaphore(%run_scoped3A : memref<!tpu.dma_semaphore, #tpu.memory_space<semaphore_mem>>)
      %dma_wait3A_1035 = tpu.memref_slice %arg4[%mul3A_4] : memref<819200xi32, #tpu.memory_space<hbm>> -> memref<25600xi32, #tpu.memory_space<hbm>>
      %dma_wait3A_1036 = tpu.memref_slice %arg4[%mul3A_4] : memref<819200xi32, #tpu.memory_space<hbm>> -> memref<25600xi32, #tpu.memory_space<hbm>>
      tpu.wait_dma2 semaphore(%run_scoped3A : memref<!tpu.dma_semaphore, #tpu.memory_space<semaphore_mem>>) src(%dma_wait3A_1036 : memref<25600xi32, #tpu.memory_space<hbm>>) dst(%arg9 : memref<25600xi32, #tpu.memory_space<vmem>>)
      tpu.yield
    }) : () -> ()
    "tpu.region"() ({
      %run_scoped3A = tpu.sem_alloc : memref<!tpu.dma_semaphore, #tpu.memory_space<semaphore_mem>>
      %dma_start3A_1033 = tpu.memref_slice %arg2[%mul3A_2] : memref<16384xi32, #tpu.memory_space<hbm>> -> memref<512xi32, #tpu.memory_space<hbm>>
      %dma_start3A_1034 = tpu.memref_slice %arg2[%mul3A_2] : memref<16384xi32, #tpu.memory_space<hbm>> -> memref<512xi32, #tpu.memory_space<hbm>>
      tpu.enqueue_dma source(%dma_start3A_1034 : memref<512xi32, #tpu.memory_space<hbm>>) target(%arg10 : memref<512xi32, #tpu.memory_space<vmem>>) target_semaphore(%run_scoped3A : memref<!tpu.dma_semaphore, #tpu.memory_space<semaphore_mem>>)
      %dma_wait3A_1035 = tpu.memref_slice %arg2[%mul3A_2] : memref<16384xi32, #tpu.memory_space<hbm>> -> memref<512xi32, #tpu.memory_space<hbm>>
      %dma_wait3A_1036 = tpu.memref_slice %arg2[%mul3A_2] : memref<16384xi32, #tpu.memory_space<hbm>> -> memref<512xi32, #tpu.memory_space<hbm>>
      tpu.wait_dma2 semaphore(%run_scoped3A : memref<!tpu.dma_semaphore, #tpu.memory_space<semaphore_mem>>) src(%dma_wait3A_1036 : memref<512xi32, #tpu.memory_space<hbm>>) dst(%arg10 : memref<512xi32, #tpu.memory_space<vmem>>)
      tpu.yield
    }) : () -> ()
    "tpu.region"() ({
      %run_scoped3A = tpu.sem_alloc : memref<!tpu.dma_semaphore, #tpu.memory_space<semaphore_mem>>
      %dma_start3A_1033 = tpu.memref_slice %arg3[%mul3A_2] : memref<16384xi32, #tpu.memory_space<hbm>> -> memref<512xi32, #tpu.memory_space<hbm>>
      %dma_start3A_1034 = tpu.memref_slice %arg3[%mul3A_2] : memref<16384xi32, #tpu.memory_space<hbm>> -> memref<512xi32, #tpu.memory_space<hbm>>
      tpu.enqueue_dma source(%dma_start3A_1034 : memref<512xi32, #tpu.memory_space<hbm>>) target(%arg11 : memref<512xi32, #tpu.memory_space<vmem>>) target_semaphore(%run_scoped3A : memref<!tpu.dma_semaphore, #tpu.memory_space<semaphore_mem>>)
      %dma_wait3A_1035 = tpu.memref_slice %arg3[%mul3A_2] : memref<16384xi32, #tpu.memory_space<hbm>> -> memref<512xi32, #tpu.memory_space<hbm>>
      %dma_wait3A_1036 = tpu.memref_slice %arg3[%mul3A_2] : memref<16384xi32, #tpu.memory_space<hbm>> -> memref<512xi32, #tpu.memory_space<hbm>>
      tpu.wait_dma2 semaphore(%run_scoped3A : memref<!tpu.dma_semaphore, #tpu.memory_space<semaphore_mem>>) src(%dma_wait3A_1036 : memref<512xi32, #tpu.memory_space<hbm>>) dst(%arg11 : memref<512xi32, #tpu.memory_space<vmem>>)
      tpu.yield
    }) : () -> ()
    %scan3A = arith.constant 0 : i32
    %scan3A_5 = arith.constant 0 : i32
    %scan3A_6 = arith.constant 1600 : i32
    %scan3A_7 = arith.addi %scan3A_5, %scan3A_6 : i32
    %scan3A_8 = arith.constant 1 : i32
    %scan3A_9 = scf.for %scan3A_1033 = %scan3A_5 to %scan3A_7 step %scan3A_8 iter_args(%scan3A_1034 = %scan3A) -> (i32)  : i32 {
      %mul3A_1035 = arith.constant 16 : i32
      %mul3A_1036 = arith.muli %scan3A_1033, %mul3A_1035 : i32
      %get3A = arith.index_cast %mul3A_1036 : i32 to index
      %get3A_1037 = tpu.vector_load %arg9[%get3A] {strides = array<i32>} : memref<25600xi32, #tpu.memory_space<vmem>>, vector<16xi32>,
      %get3A_1038 = vector.shape_cast %get3A_1037 : vector<16xi32> to vector<16xi32>
      %broadcast_in_dim3A = arith.constant 999999 : i32
      %broadcast_in_dim3A_1039 = vector.broadcast %broadcast_in_dim3A : i32 to vector<16xi32>
      %min3A = arith.minsi %get3A_1038, %broadcast_in_dim3A_1039 : vector<16xi32>
      %swap3A = arith.index_cast %mul3A_1036 : i32 to index
      %swap3A_1040 = tpu.vector_load %arg9[%swap3A] {strides = array<i32>} : memref<25600xi32, #tpu.memory_space<vmem>>, vector<16xi32>,
      %swap3A_1041 = vector.shape_cast %swap3A_1040 : vector<16xi32> to vector<16xi32>
      %swap3A_1042 = vector.shape_cast %min3A : vector<16xi32> to vector<16xi32>
      tpu.vector_store %arg9[%swap3A], %swap3A_1042 {strides = array<i32>} : memref<25600xi32, #tpu.memory_space<vmem>>, vector<16xi32>,
      %scan3A_1043 = arith.constant 0 : i32
      scf.yield %scan3A_1043 : i32
    }
    %scan3A_10 = arith.constant 1600 : i32
    %dma_start3A = arith.constant 0 : i32
    %dma_start3A_11 = arith.constant 0 : i32
    %dma_start3A_12 = tpu.memref_slice %arg5[%dma_start3A, %dma_start3A_11] : memref<1000000x32xf32, #tpu.memory_space<hbm>> -> memref<1000000x32xf32, #tpu.memory_space<hbm>>
    tpu.enqueue_indirect_dma source(%dma_start3A_12 : memref<1000000x32xf32, #tpu.memory_space<hbm>>) target(%arg14 : memref<512x32xf32, #tpu.memory_space<vmem>>) offsets(%arg10 : memref<512xi32, #tpu.memory_space<vmem>>) semaphore(%arg20 : memref<!tpu.dma_semaphore, #tpu.memory_space<semaphore_mem>>)
    %dma_start3A_13 = arith.constant 0 : i32
    %dma_start3A_14 = arith.constant 0 : i32
    %dma_start3A_15 = tpu.memref_slice %arg5[%dma_start3A_13, %dma_start3A_14] : memref<1000000x32xf32, #tpu.memory_space<hbm>> -> memref<1000000x32xf32, #tpu.memory_space<hbm>>
    tpu.enqueue_indirect_dma source(%dma_start3A_15 : memref<1000000x32xf32, #tpu.memory_space<hbm>>) target(%arg15 : memref<512x32xf32, #tpu.memory_space<vmem>>) offsets(%arg11 : memref<512xi32, #tpu.memory_space<vmem>>) semaphore(%arg20 : memref<!tpu.dma_semaphore, #tpu.memory_space<semaphore_mem>>)
    %dma_wait3A = arith.constant 0 : i32
    %dma_wait3A_16 = arith.constant 0 : i32
    %dma_wait3A_17 = tpu.memref_slice %arg5[%dma_wait3A, %dma_wait3A_16] : memref<1000000x32xf32, #tpu.memory_space<hbm>> -> memref<1000000x32xf32, #tpu.memory_space<hbm>>
    tpu.wait_indirect_dma semaphore(%arg20 : memref<!tpu.dma_semaphore, #tpu.memory_space<semaphore_mem>>) src(%dma_wait3A_17 : memref<1000000x32xf32, #tpu.memory_space<hbm>>) dst(%arg14 : memref<512x32xf32, #tpu.memory_space<vmem>>)
    %dma_wait3A_18 = arith.constant 0 : i32
    %dma_wait3A_19 = arith.constant 0 : i32
    %dma_wait3A_20 = tpu.memref_slice %arg5[%dma_wait3A_18, %dma_wait3A_19] : memref<1000000x32xf32, #tpu.memory_space<hbm>> -> memref<1000000x32xf32, #tpu.memory_space<hbm>>
    tpu.wait_indirect_dma semaphore(%arg20 : memref<!tpu.dma_semaphore, #tpu.memory_space<semaphore_mem>>) src(%dma_wait3A_20 : memref<1000000x32xf32, #tpu.memory_space<hbm>>) dst(%arg15 : memref<512x32xf32, #tpu.memory_space<vmem>>)
    %dma_start3A_21 = arith.constant 0 : i32
    %dma_start3A_22 = tpu.memref_slice %arg7[%mul3A_2, %dma_start3A_21] : memref<16384x32xf32, #tpu.memory_space<hbm>> -> memref<512x32xf32, #tpu.memory_space<hbm>>
    %dma_start3A_23 = arith.constant 0 : i32
    %dma_start3A_24 = tpu.memref_slice %arg7[%mul3A_2, %dma_start3A_23] : memref<16384x32xf32, #tpu.memory_space<hbm>> -> memref<512x32xf32, #tpu.memory_space<hbm>>
    tpu.enqueue_dma source(%arg14 : memref<512x32xf32, #tpu.memory_space<vmem>>) target(%dma_start3A_24 : memref<512x32xf32, #tpu.memory_space<hbm>>) target_semaphore(%arg21 : memref<!tpu.dma_semaphore, #tpu.memory_space<semaphore_mem>>)
    %dma_start3A_25 = arith.constant 0 : i32
    %dma_start3A_26 = tpu.memref_slice %arg8[%mul3A_2, %dma_start3A_25] : memref<16384x32xf32, #tpu.memory_space<hbm>> -> memref<512x32xf32, #tpu.memory_space<hbm>>
    %dma_start3A_27 = arith.constant 0 : i32
    %dma_start3A_28 = tpu.memref_slice %arg8[%mul3A_2, %dma_start3A_27] : memref<16384x32xf32, #tpu.memory_space<hbm>> -> memref<512x32xf32, #tpu.memory_space<hbm>>
    tpu.enqueue_dma source(%arg15 : memref<512x32xf32, #tpu.memory_space<vmem>>) target(%dma_start3A_28 : memref<512x32xf32, #tpu.memory_space<hbm>>) target_semaphore(%arg21 : memref<!tpu.dma_semaphore, #tpu.memory_space<semaphore_mem>>)
    %dma_start3A_29 = arith.constant 0 : i32
    %dma_start3A_30 = tpu.memref_slice %arg9[%dma_start3A_29] : memref<25600xi32, #tpu.memory_space<vmem>> -> memref<512xi32, #tpu.memory_space<vmem>>
    %dma_start3A_31 = arith.constant 0 : i32
    %dma_start3A_32 = arith.constant 0 : i32
    %dma_start3A_33 = tpu.memref_slice %arg5[%dma_start3A_31, %dma_start3A_32] : memref<1000000x32xf32, #tpu.memory_space<hbm>> -> memref<1000000x32xf32, #tpu.memory_space<hbm>>
    tpu.enqueue_indirect_dma source(%dma_start3A_33 : memref<1000000x32xf32, #tpu.memory_space<hbm>>) target(%arg12 : memref<512x32xf32, #tpu.memory_space<vmem>>) offsets(%dma_start3A_30 : memref<512xi32, #tpu.memory_space<vmem>>) semaphore(%arg16 : memref<!tpu.dma_semaphore, #tpu.memory_space<semaphore_mem>>)
    %dma_start3A_34 = arith.constant 512 : i32
    %dma_start3A_35 = tpu.memref_slice %arg9[%dma_start3A_34] : memref<25600xi32, #tpu.memory_space<vmem>> -> memref<512xi32, #tpu.memory_space<vmem>>
    %dma_start3A_36 = arith.constant 0 : i32
    %dma_start3A_37 = arith.constant 0 : i32
    %dma_start3A_38 = tpu.memref_slice %arg5[%dma_start3A_36, %dma_start3A_37] : memref<1000000x32xf32, #tpu.memory_space<hbm>> -> memref<1000000x32xf32, #tpu.memory_space<hbm>>
    tpu.enqueue_indirect_dma source(%dma_start3A_38 : memref<1000000x32xf32, #tpu.memory_space<hbm>>) target(%arg13 : memref<512x32xf32, #tpu.memory_space<vmem>>) offsets(%dma_start3A_35 : memref<512xi32, #tpu.memory_space<vmem>>) semaphore(%arg17 : memref<!tpu.dma_semaphore, #tpu.memory_space<semaphore_mem>>)
    %dma_wait3A_39 = arith.constant 0 : i32
    %dma_wait3A_40 = tpu.memref_slice %arg9[%dma_wait3A_39] : memref<25600xi32, #tpu.memory_space<vmem>> -> memref<512xi32, #tpu.memory_space<vmem>>
    %dma_wait3A_41 = arith.constant 0 : i32
    %dma_wait3A_42 = arith.constant 0 : i32
    %dma_wait3A_43 = tpu.memref_slice %arg5[%dma_wait3A_41, %dma_wait3A_42] : memref<1000000x32xf32, #tpu.memory_space<hbm>> -> memref<1000000x32xf32, #tpu.memory_space<hbm>>
    tpu.wait_indirect_dma semaphore(%arg16 : memref<!tpu.dma_semaphore, #tpu.memory_space<semaphore_mem>>) src(%dma_wait3A_43 : memref<1000000x32xf32, #tpu.memory_space<hbm>>) dst(%arg12 : memref<512x32xf32, #tpu.memory_space<vmem>>)
    %add3A_44 = arith.constant 0 : i32
    %add3A_45 = arith.addi %mul3A_4, %add3A_44 : i32
    %dma_start3A_46 = arith.constant 0 : i32
    %dma_start3A_47 = tpu.memref_slice %arg6[%add3A_45, %dma_start3A_46] : memref<819200x32xf32, #tpu.memory_space<hbm>> -> memref<512x32xf32, #tpu.memory_space<hbm>>
    %dma_start3A_48 = arith.constant 0 : i32
    %dma_start3A_49 = tpu.memref_slice %arg6[%add3A_45, %dma_start3A_48] : memref<819200x32xf32, #tpu.memory_space<hbm>> -> memref<512x32xf32, #tpu.memory_space<hbm>>
    tpu.enqueue_dma source(%arg12 : memref<512x32xf32, #tpu.memory_space<vmem>>) target(%dma_start3A_49 : memref<512x32xf32, #tpu.memory_space<hbm>>) target_semaphore(%arg18 : memref<!tpu.dma_semaphore, #tpu.memory_space<semaphore_mem>>)
    %dma_wait3A_50 = arith.constant 0 : i32
    %dma_wait3A_51 = tpu.memref_slice %arg6[%add3A_45, %dma_wait3A_50] : memref<819200x32xf32, #tpu.memory_space<hbm>> -> memref<512x32xf32, #tpu.memory_space<hbm>>
    %dma_wait3A_52 = arith.constant 0 : i32
    %dma_wait3A_53 = tpu.memref_slice %arg6[%add3A_45, %dma_wait3A_52] : memref<819200x32xf32, #tpu.memory_space<hbm>> -> memref<512x32xf32, #tpu.memory_space<hbm>>
    tpu.wait_dma2 semaphore(%arg18 : memref<!tpu.dma_semaphore, #tpu.memory_space<semaphore_mem>>) src(%arg12 : memref<512x32xf32, #tpu.memory_space<vmem>>) dst(%dma_wait3A_53 : memref<512x32xf32, #tpu.memory_space<hbm>>)
    %dma_start3A_54 = arith.constant 1024 : i32
    %dma_start3A_55 = tpu.memref_slice %arg9[%dma_start3A_54] : memref<25600xi32, #tpu.memory_space<vmem>> -> memref<512xi32, #tpu.memory_space<vmem>>
    %dma_start3A_56 = arith.constant 0 : i32
    %dma_start3A_57 = arith.constant 0 : i32
    %dma_start3A_58 = tpu.memref_slice %arg5[%dma_start3A_56, %dma_start3A_57] : memref<1000000x32xf32, #tpu.memory_space<hbm>> -> memref<1000000x32xf32, #tpu.memory_space<hbm>>
    tpu.enqueue_indirect_dma source(%dma_start3A_58 : memref<1000000x32xf32, #tpu.memory_space<hbm>>) target(%arg12 : memref<512x32xf32, #tpu.memory_space<vmem>>) offsets(%dma_start3A_55 : memref<512xi32, #tpu.memory_space<vmem>>) semaphore(%arg16 : memref<!tpu.dma_semaphore, #tpu.memory_space<semaphore_mem>>)
    %dma_wait3A_59 = arith.constant 512 : i32
    %dma_wait3A_60 = tpu.memref_slice %arg9[%dma_wait3A_59] : memref<25600xi32, #tpu.memory_space<vmem>> -> memref<512xi32, #tpu.memory_space<vmem>>
    %dma_wait3A_61 = arith.constant 0 : i32
    %dma_wait3A_62 = arith.constant 0 : i32
    %dma_wait3A_63 = tpu.memref_slice %arg5[%dma_wait3A_61, %dma_wait3A_62] : memref<1000000x32xf32, #tpu.memory_space<hbm>> -> memref<1000000x32xf32, #tpu.memory_space<hbm>>
    tpu.wait_indirect_dma semaphore(%arg17 : memref<!tpu.dma_semaphore, #tpu.memory_space<semaphore_mem>>) src(%dma_wait3A_63 : memref<1000000x32xf32, #tpu.memory_space<hbm>>) dst(%arg13 : memref<512x32xf32, #tpu.memory_space<vmem>>)
    %add3A_64 = arith.constant 512 : i32
    %add3A_65 = arith.addi %mul3A_4, %add3A_64 : i32
    %dma_start3A_66 = arith.constant 0 : i32
    %dma_start3A_67 = tpu.memref_slice %arg6[%add3A_65, %dma_start3A_66] : memref<819200x32xf32, #tpu.memory_space<hbm>> -> memref<512x32xf32, #tpu.memory_space<hbm>>
    %dma_start3A_68 = arith.constant 0 : i32
    %dma_start3A_69 = tpu.memref_slice %arg6[%add3A_65, %dma_start3A_68] : memref<819200x32xf32, #tpu.memory_space<hbm>> -> memref<512x32xf32, #tpu.memory_space<hbm>>
    tpu.enqueue_dma source(%arg13 : memref<512x32xf32, #tpu.memory_space<vmem>>) target(%dma_start3A_69 : memref<512x32xf32, #tpu.memory_space<hbm>>) target_semaphore(%arg19 : memref<!tpu.dma_semaphore, #tpu.memory_space<semaphore_mem>>)
    %dma_wait3A_70 = arith.constant 0 : i32
    %dma_wait3A_71 = tpu.memref_slice %arg6[%add3A_65, %dma_wait3A_70] : memref<819200x32xf32, #tpu.memory_space<hbm>> -> memref<512x32xf32, #tpu.memory_space<hbm>>
    %dma_wait3A_72 = arith.constant 0 : i32
    %dma_wait3A_73 = tpu.memref_slice %arg6[%add3A_65, %dma_wait3A_72] : memref<819200x32xf32, #tpu.memory_space<hbm>> -> memref<512x32xf32, #tpu.memory_space<hbm>>
    tpu.wait_dma2 semaphore(%arg19 : memref<!tpu.dma_semaphore, #tpu.memory_space<semaphore_mem>>) src(%arg13 : memref<512x32xf32, #tpu.memory_space<vmem>>) dst(%dma_wait3A_73 : memref<512x32xf32, #tpu.memory_space<hbm>>)
    %dma_start3A_74 = arith.constant 1536 : i32
    %dma_start3A_75 = tpu.memref_slice %arg9[%dma_start3A_74] : memref<25600xi32, #tpu.memory_space<vmem>> -> memref<512xi32, #tpu.memory_space<vmem>>
    %dma_start3A_76 = arith.constant 0 : i32
    %dma_start3A_77 = arith.constant 0 : i32
    %dma_start3A_78 = tpu.memref_slice %arg5[%dma_start3A_76, %dma_start3A_77] : memref<1000000x32xf32, #tpu.memory_space<hbm>> -> memref<1000000x32xf32, #tpu.memory_space<hbm>>
    tpu.enqueue_indirect_dma source(%dma_start3A_78 : memref<1000000x32xf32, #tpu.memory_space<hbm>>) target(%arg13 : memref<512x32xf32, #tpu.memory_space<vmem>>) offsets(%dma_start3A_75 : memref<512xi32, #tpu.memory_space<vmem>>) semaphore(%arg17 : memref<!tpu.dma_semaphore, #tpu.memory_space<semaphore_mem>>)
    %dma_wait3A_79 = arith.constant 1024 : i32
    %dma_wait3A_80 = tpu.memref_slice %arg9[%dma_wait3A_79] : memref<25600xi32, #tpu.memory_space<vmem>> -> memref<512xi32, #tpu.memory_space<vmem>>
    %dma_wait3A_81 = arith.constant 0 : i32
    %dma_wait3A_82 = arith.constant 0 : i32
    %dma_wait3A_83 = tpu.memref_slice %arg5[%dma_wait3A_81, %dma_wait3A_82] : memref<1000000x32xf32, #tpu.memory_space<hbm>> -> memref<1000000x32xf32, #tpu.memory_space<hbm>>
    tpu.wait_indirect_dma semaphore(%arg16 : memref<!tpu.dma_semaphore, #tpu.memory_space<semaphore_mem>>) src(%dma_wait3A_83 : memref<1000000x32xf32, #tpu.memory_space<hbm>>) dst(%arg12 : memref<512x32xf32, #tpu.memory_space<vmem>>)
    %add3A_84 = arith.constant 1024 : i32
    %add3A_85 = arith.addi %mul3A_4, %add3A_84 : i32
    %dma_start3A_86 = arith.constant 0 : i32
    %dma_start3A_87 = tpu.memref_slice %arg6[%add3A_85, %dma_start3A_86] : memref<819200x32xf32, #tpu.memory_space<hbm>> -> memref<512x32xf32, #tpu.memory_space<hbm>>
    %dma_start3A_88 = arith.constant 0 : i32
    %dma_start3A_89 = tpu.memref_slice %arg6[%add3A_85, %dma_start3A_88] : memref<819200x32xf32, #tpu.memory_space<hbm>> -> memref<512x32xf32, #tpu.memory_space<hbm>>
    tpu.enqueue_dma source(%arg12 : memref<512x32xf32, #tpu.memory_space<vmem>>) target(%dma_start3A_89 : memref<512x32xf32, #tpu.memory_space<hbm>>) target_semaphore(%arg18 : memref<!tpu.dma_semaphore, #tpu.memory_space<semaphore_mem>>)
    %dma_wait3A_90 = arith.constant 0 : i32
    %dma_wait3A_91 = tpu.memref_slice %arg6[%add3A_85, %dma_wait3A_90] : memref<819200x32xf32, #tpu.memory_space<hbm>> -> memref<512x32xf32, #tpu.memory_space<hbm>>
    %dma_wait3A_92 = arith.constant 0 : i32
    %dma_wait3A_93 = tpu.memref_slice %arg6[%add3A_85, %dma_wait3A_92] : memref<819200x32xf32, #tpu.memory_space<hbm>> -> memref<512x32xf32, #tpu.memory_space<hbm>>
    tpu.wait_dma2 semaphore(%arg18 : memref<!tpu.dma_semaphore, #tpu.memory_space<semaphore_mem>>) src(%arg12 : memref<512x32xf32, #tpu.memory_space<vmem>>) dst(%dma_wait3A_93 : memref<512x32xf32, #tpu.memory_space<hbm>>)
    %dma_start3A_94 = arith.constant 2048 : i32
    %dma_start3A_95 = tpu.memref_slice %arg9[%dma_start3A_94] : memref<25600xi32, #tpu.memory_space<vmem>> -> memref<512xi32, #tpu.memory_space<vmem>>
    %dma_start3A_96 = arith.constant 0 : i32
    %dma_start3A_97 = arith.constant 0 : i32
    %dma_start3A_98 = tpu.memref_slice %arg5[%dma_start3A_96, %dma_start3A_97] : memref<1000000x32xf32, #tpu.memory_space<hbm>> -> memref<1000000x32xf32, #tpu.memory_space<hbm>>
    tpu.enqueue_indirect_dma source(%dma_start3A_98 : memref<1000000x32xf32, #tpu.memory_space<hbm>>) target(%arg12 : memref<512x32xf32, #tpu.memory_space<vmem>>) offsets(%dma_start3A_95 : memref<512xi32, #tpu.memory_space<vmem>>) semaphore(%arg16 : memref<!tpu.dma_semaphore, #tpu.memory_space<semaphore_mem>>)
    %dma_wait3A_99 = arith.constant 1536 : i32
    %dma_wait3A_100 = tpu.memref_slice %arg9[%dma_wait3A_99] : memref<25600xi32, #tpu.memory_space<vmem>> -> memref<512xi32, #tpu.memory_space<vmem>>
    %dma_wait3A_101 = arith.constant 0 : i32
    %dma_wait3A_102 = arith.constant 0 : i32
    %dma_wait3A_103 = tpu.memref_slice %arg5[%dma_wait3A_101, %dma_wait3A_102] : memref<1000000x32xf32, #tpu.memory_space<hbm>> -> memref<1000000x32xf32, #tpu.memory_space<hbm>>
    tpu.wait_indirect_dma semaphore(%arg17 : memref<!tpu.dma_semaphore, #tpu.memory_space<semaphore_mem>>) src(%dma_wait3A_103 : memref<1000000x32xf32, #tpu.memory_space<hbm>>) dst(%arg13 : memref<512x32xf32, #tpu.memory_space<vmem>>)
    %add3A_104 = arith.constant 1536 : i32
    %add3A_105 = arith.addi %mul3A_4, %add3A_104 : i32
    %dma_start3A_106 = arith.constant 0 : i32
    %dma_start3A_107 = tpu.memref_slice %arg6[%add3A_105, %dma_start3A_106] : memref<819200x32xf32, #tpu.memory_space<hbm>> -> memref<512x32xf32, #tpu.memory_space<hbm>>
    %dma_start3A_108 = arith.constant 0 : i32
    %dma_start3A_109 = tpu.memref_slice %arg6[%add3A_105, %dma_start3A_108] : memref<819200x32xf32, #tpu.memory_space<hbm>> -> memref<512x32xf32, #tpu.memory_space<hbm>>
    tpu.enqueue_dma source(%arg13 : memref<512x32xf32, #tpu.memory_space<vmem>>) target(%dma_start3A_109 : memref<512x32xf32, #tpu.memory_space<hbm>>) target_semaphore(%arg19 : memref<!tpu.dma_semaphore, #tpu.memory_space<semaphore_mem>>)
    %dma_wait3A_110 = arith.constant 0 : i32
    %dma_wait3A_111 = tpu.memref_slice %arg6[%add3A_105, %dma_wait3A_110] : memref<819200x32xf32, #tpu.memory_space<hbm>> -> memref<512x32xf32, #tpu.memory_space<hbm>>
    %dma_wait3A_112 = arith.constant 0 : i32
    %dma_wait3A_113 = tpu.memref_slice %arg6[%add3A_105, %dma_wait3A_112] : memref<819200x32xf32, #tpu.memory_space<hbm>> -> memref<512x32xf32, #tpu.memory_space<hbm>>
    tpu.wait_dma2 semaphore(%arg19 : memref<!tpu.dma_semaphore, #tpu.memory_space<semaphore_mem>>) src(%arg13 : memref<512x32xf32, #tpu.memory_space<vmem>>) dst(%dma_wait3A_113 : memref<512x32xf32, #tpu.memory_space<hbm>>)
    %dma_start3A_114 = arith.constant 2560 : i32
    %dma_start3A_115 = tpu.memref_slice %arg9[%dma_start3A_114] : memref<25600xi32, #tpu.memory_space<vmem>> -> memref<512xi32, #tpu.memory_space<vmem>>
    %dma_start3A_116 = arith.constant 0 : i32
    %dma_start3A_117 = arith.constant 0 : i32
    %dma_start3A_118 = tpu.memref_slice %arg5[%dma_start3A_116, %dma_start3A_117] : memref<1000000x32xf32, #tpu.memory_space<hbm>> -> memref<1000000x32xf32, #tpu.memory_space<hbm>>
    tpu.enqueue_indirect_dma source(%dma_start3A_118 : memref<1000000x32xf32, #tpu.memory_space<hbm>>) target(%arg13 : memref<512x32xf32, #tpu.memory_space<vmem>>) offsets(%dma_start3A_115 : memref<512xi32, #tpu.memory_space<vmem>>) semaphore(%arg17 : memref<!tpu.dma_semaphore, #tpu.memory_space<semaphore_mem>>)
    %dma_wait3A_119 = arith.constant 2048 : i32
    %dma_wait3A_120 = tpu.memref_slice %arg9[%dma_wait3A_119] : memref<25600xi32, #tpu.memory_space<vmem>> -> memref<512xi32, #tpu.memory_space<vmem>>
    %dma_wait3A_121 = arith.constant 0 : i32
    %dma_wait3A_122 = arith.constant 0 : i32
    %dma_wait3A_123 = tpu.memref_slice %arg5[%dma_wait3A_121, %dma_wait3A_122] : memref<1000000x32xf32, #tpu.memory_space<hbm>> -> memref<1000000x32xf32, #tpu.memory_space<hbm>>
    tpu.wait_indirect_dma semaphore(%arg16 : memref<!tpu.dma_semaphore, #tpu.memory_space<semaphore_mem>>) src(%dma_wait3A_123 : memref<1000000x32xf32, #tpu.memory_space<hbm>>) dst(%arg12 : memref<512x32xf32, #tpu.memory_space<vmem>>)
    %add3A_124 = arith.constant 2048 : i32
    %add3A_125 = arith.addi %mul3A_4, %add3A_124 : i32
    %dma_start3A_126 = arith.constant 0 : i32
    %dma_start3A_127 = tpu.memref_slice %arg6[%add3A_125, %dma_start3A_126] : memref<819200x32xf32, #tpu.memory_space<hbm>> -> memref<512x32xf32, #tpu.memory_space<hbm>>
    %dma_start3A_128 = arith.constant 0 : i32
    %dma_start3A_129 = tpu.memref_slice %arg6[%add3A_125, %dma_start3A_128] : memref<819200x32xf32, #tpu.memory_space<hbm>> -> memref<512x32xf32, #tpu.memory_space<hbm>>
    tpu.enqueue_dma source(%arg12 : memref<512x32xf32, #tpu.memory_space<vmem>>) target(%dma_start3A_129 : memref<512x32xf32, #tpu.memory_space<hbm>>) target_semaphore(%arg18 : memref<!tpu.dma_semaphore, #tpu.memory_space<semaphore_mem>>)
    %dma_wait3A_130 = arith.constant 0 : i32
    %dma_wait3A_131 = tpu.memref_slice %arg6[%add3A_125, %dma_wait3A_130] : memref<819200x32xf32, #tpu.memory_space<hbm>> -> memref<512x32xf32, #tpu.memory_space<hbm>>
    %dma_wait3A_132 = arith.constant 0 : i32
    %dma_wait3A_133 = tpu.memref_slice %arg6[%add3A_125, %dma_wait3A_132] : memref<819200x32xf32, #tpu.memory_space<hbm>> -> memref<512x32xf32, #tpu.memory_space<hbm>>
    tpu.wait_dma2 semaphore(%arg18 : memref<!tpu.dma_semaphore, #tpu.memory_space<semaphore_mem>>) src(%arg12 : memref<512x32xf32, #tpu.memory_space<vmem>>) dst(%dma_wait3A_133 : memref<512x32xf32, #tpu.memory_space<hbm>>)
    %dma_start3A_134 = arith.constant 3072 : i32
    %dma_start3A_135 = tpu.memref_slice %arg9[%dma_start3A_134] : memref<25600xi32, #tpu.memory_space<vmem>> -> memref<512xi32, #tpu.memory_space<vmem>>
    %dma_start3A_136 = arith.constant 0 : i32
    %dma_start3A_137 = arith.constant 0 : i32
    %dma_start3A_138 = tpu.memref_slice %arg5[%dma_start3A_136, %dma_start3A_137] : memref<1000000x32xf32, #tpu.memory_space<hbm>> -> memref<1000000x32xf32, #tpu.memory_space<hbm>>
    tpu.enqueue_indirect_dma source(%dma_start3A_138 : memref<1000000x32xf32, #tpu.memory_space<hbm>>) target(%arg12 : memref<512x32xf32, #tpu.memory_space<vmem>>) offsets(%dma_start3A_135 : memref<512xi32, #tpu.memory_space<vmem>>) semaphore(%arg16 : memref<!tpu.dma_semaphore, #tpu.memory_space<semaphore_mem>>)
    %dma_wait3A_139 = arith.constant 2560 : i32
    %dma_wait3A_140 = tpu.memref_slice %arg9[%dma_wait3A_139] : memref<25600xi32, #tpu.memory_space<vmem>> -> memref<512xi32, #tpu.memory_space<vmem>>
    %dma_wait3A_141 = arith.constant 0 : i32
    %dma_wait3A_142 = arith.constant 0 : i32
    %dma_wait3A_143 = tpu.memref_slice %arg5[%dma_wait3A_141, %dma_wait3A_142] : memref<1000000x32xf32, #tpu.memory_space<hbm>> -> memref<1000000x32xf32, #tpu.memory_space<hbm>>
    tpu.wait_indirect_dma semaphore(%arg17 : memref<!tpu.dma_semaphore, #tpu.memory_space<semaphore_mem>>) src(%dma_wait3A_143 : memref<1000000x32xf32, #tpu.memory_space<hbm>>) dst(%arg13 : memref<512x32xf32, #tpu.memory_space<vmem>>)
    %add3A_144 = arith.constant 2560 : i32
    %add3A_145 = arith.addi %mul3A_4, %add3A_144 : i32
    %dma_start3A_146 = arith.constant 0 : i32
    %dma_start3A_147 = tpu.memref_slice %arg6[%add3A_145, %dma_start3A_146] : memref<819200x32xf32, #tpu.memory_space<hbm>> -> memref<512x32xf32, #tpu.memory_space<hbm>>
    %dma_start3A_148 = arith.constant 0 : i32
    %dma_start3A_149 = tpu.memref_slice %arg6[%add3A_145, %dma_start3A_148] : memref<819200x32xf32, #tpu.memory_space<hbm>> -> memref<512x32xf32, #tpu.memory_space<hbm>>
    tpu.enqueue_dma source(%arg13 : memref<512x32xf32, #tpu.memory_space<vmem>>) target(%dma_start3A_149 : memref<512x32xf32, #tpu.memory_space<hbm>>) target_semaphore(%arg19 : memref<!tpu.dma_semaphore, #tpu.memory_space<semaphore_mem>>)
    %dma_wait3A_150 = arith.constant 0 : i32
    %dma_wait3A_151 = tpu.memref_slice %arg6[%add3A_145, %dma_wait3A_150] : memref<819200x32xf32, #tpu.memory_space<hbm>> -> memref<512x32xf32, #tpu.memory_space<hbm>>
    %dma_wait3A_152 = arith.constant 0 : i32
    %dma_wait3A_153 = tpu.memref_slice %arg6[%add3A_145, %dma_wait3A_152] : memref<819200x32xf32, #tpu.memory_space<hbm>> -> memref<512x32xf32, #tpu.memory_space<hbm>>
    tpu.wait_dma2 semaphore(%arg19 : memref<!tpu.dma_semaphore, #tpu.memory_space<semaphore_mem>>) src(%arg13 : memref<512x32xf32, #tpu.memory_space<vmem>>) dst(%dma_wait3A_153 : memref<512x32xf32, #tpu.memory_space<hbm>>)
    %dma_start3A_154 = arith.constant 3584 : i32
    %dma_start3A_155 = tpu.memref_slice %arg9[%dma_start3A_154] : memref<25600xi32, #tpu.memory_space<vmem>> -> memref<512xi32, #tpu.memory_space<vmem>>
    %dma_start3A_156 = arith.constant 0 : i32
    %dma_start3A_157 = arith.constant 0 : i32
    %dma_start3A_158 = tpu.memref_slice %arg5[%dma_start3A_156, %dma_start3A_157] : memref<1000000x32xf32, #tpu.memory_space<hbm>> -> memref<1000000x32xf32, #tpu.memory_space<hbm>>
    tpu.enqueue_indirect_dma source(%dma_start3A_158 : memref<1000000x32xf32, #tpu.memory_space<hbm>>) target(%arg13 : memref<512x32xf32, #tpu.memory_space<vmem>>) offsets(%dma_start3A_155 : memref<512xi32, #tpu.memory_space<vmem>>) semaphore(%arg17 : memref<!tpu.dma_semaphore, #tpu.memory_space<semaphore_mem>>)
    %dma_wait3A_159 = arith.constant 3072 : i32
    %dma_wait3A_160 = tpu.memref_slice %arg9[%dma_wait3A_159] : memref<25600xi32, #tpu.memory_space<vmem>> -> memref<512xi32, #tpu.memory_space<vmem>>
    %dma_wait3A_161 = arith.constant 0 : i32
    %dma_wait3A_162 = arith.constant 0 : i32
    %dma_wait3A_163 = tpu.memref_slice %arg5[%dma_wait3A_161, %dma_wait3A_162] : memref<1000000x32xf32, #tpu.memory_space<hbm>> -> memref<1000000x32xf32, #tpu.memory_space<hbm>>
    tpu.wait_indirect_dma semaphore(%arg16 : memref<!tpu.dma_semaphore, #tpu.memory_space<semaphore_mem>>) src(%dma_wait3A_163 : memref<1000000x32xf32, #tpu.memory_space<hbm>>) dst(%arg12 : memref<512x32xf32, #tpu.memory_space<vmem>>)
    %add3A_164 = arith.constant 3072 : i32
    %add3A_165 = arith.addi %mul3A_4, %add3A_164 : i32
    %dma_start3A_166 = arith.constant 0 : i32
    %dma_start3A_167 = tpu.memref_slice %arg6[%add3A_165, %dma_start3A_166] : memref<819200x32xf32, #tpu.memory_space<hbm>> -> memref<512x32xf32, #tpu.memory_space<hbm>>
    %dma_start3A_168 = arith.constant 0 : i32
    %dma_start3A_169 = tpu.memref_slice %arg6[%add3A_165, %dma_start3A_168] : memref<819200x32xf32, #tpu.memory_space<hbm>> -> memref<512x32xf32, #tpu.memory_space<hbm>>
    tpu.enqueue_dma source(%arg12 : memref<512x32xf32, #tpu.memory_space<vmem>>) target(%dma_start3A_169 : memref<512x32xf32, #tpu.memory_space<hbm>>) target_semaphore(%arg18 : memref<!tpu.dma_semaphore, #tpu.memory_space<semaphore_mem>>)
    %dma_wait3A_170 = arith.constant 0 : i32
    %dma_wait3A_171 = tpu.memref_slice %arg6[%add3A_165, %dma_wait3A_170] : memref<819200x32xf32, #tpu.memory_space<hbm>> -> memref<512x32xf32, #tpu.memory_space<hbm>>
    %dma_wait3A_172 = arith.constant 0 : i32
    %dma_wait3A_173 = tpu.memref_slice %arg6[%add3A_165, %dma_wait3A_172] : memref<819200x32xf32, #tpu.memory_space<hbm>> -> memref<512x32xf32, #tpu.memory_space<hbm>>
    tpu.wait_dma2 semaphore(%arg18 : memref<!tpu.dma_semaphore, #tpu.memory_space<semaphore_mem>>) src(%arg12 : memref<512x32xf32, #tpu.memory_space<vmem>>) dst(%dma_wait3A_173 : memref<512x32xf32, #tpu.memory_space<hbm>>)
    %dma_start3A_174 = arith.constant 4096 : i32
    %dma_start3A_175 = tpu.memref_slice %arg9[%dma_start3A_174] : memref<25600xi32, #tpu.memory_space<vmem>> -> memref<512xi32, #tpu.memory_space<vmem>>
    %dma_start3A_176 = arith.constant 0 : i32
    %dma_start3A_177 = arith.constant 0 : i32
    %dma_start3A_178 = tpu.memref_slice %arg5[%dma_start3A_176, %dma_start3A_177] : memref<1000000x32xf32, #tpu.memory_space<hbm>> -> memref<1000000x32xf32, #tpu.memory_space<hbm>>
    tpu.enqueue_indirect_dma source(%dma_start3A_178 : memref<1000000x32xf32, #tpu.memory_space<hbm>>) target(%arg12 : memref<512x32xf32, #tpu.memory_space<vmem>>) offsets(%dma_start3A_175 : memref<512xi32, #tpu.memory_space<vmem>>) semaphore(%arg16 : memref<!tpu.dma_semaphore, #tpu.memory_space<semaphore_mem>>)
    %dma_wait3A_179 = arith.constant 3584 : i32
    %dma_wait3A_180 = tpu.memref_slice %arg9[%dma_wait3A_179] : memref<25600xi32, #tpu.memory_space<vmem>> -> memref<512xi32, #tpu.memory_space<vmem>>
    %dma_wait3A_181 = arith.constant 0 : i32
    %dma_wait3A_182 = arith.constant 0 : i32
    %dma_wait3A_183 = tpu.memref_slice %arg5[%dma_wait3A_181, %dma_wait3A_182] : memref<1000000x32xf32, #tpu.memory_space<hbm>> -> memref<1000000x32xf32, #tpu.memory_space<hbm>>
    tpu.wait_indirect_dma semaphore(%arg17 : memref<!tpu.dma_semaphore, #tpu.memory_space<semaphore_mem>>) src(%dma_wait3A_183 : memref<1000000x32xf32, #tpu.memory_space<hbm>>) dst(%arg13 : memref<512x32xf32, #tpu.memory_space<vmem>>)
    %add3A_184 = arith.constant 3584 : i32
    %add3A_185 = arith.addi %mul3A_4, %add3A_184 : i32
    %dma_start3A_186 = arith.constant 0 : i32
    %dma_start3A_187 = tpu.memref_slice %arg6[%add3A_185, %dma_start3A_186] : memref<819200x32xf32, #tpu.memory_space<hbm>> -> memref<512x32xf32, #tpu.memory_space<hbm>>
    %dma_start3A_188 = arith.constant 0 : i32
    %dma_start3A_189 = tpu.memref_slice %arg6[%add3A_185, %dma_start3A_188] : memref<819200x32xf32, #tpu.memory_space<hbm>> -> memref<512x32xf32, #tpu.memory_space<hbm>>
    tpu.enqueue_dma source(%arg13 : memref<512x32xf32, #tpu.memory_space<vmem>>) target(%dma_start3A_189 : memref<512x32xf32, #tpu.memory_space<hbm>>) target_semaphore(%arg19 : memref<!tpu.dma_semaphore, #tpu.memory_space<semaphore_mem>>)
    %dma_wait3A_190 = arith.constant 0 : i32
    %dma_wait3A_191 = tpu.memref_slice %arg6[%add3A_185, %dma_wait3A_190] : memref<819200x32xf32, #tpu.memory_space<hbm>> -> memref<512x32xf32, #tpu.memory_space<hbm>>
    %dma_wait3A_192 = arith.constant 0 : i32
    %dma_wait3A_193 = tpu.memref_slice %arg6[%add3A_185, %dma_wait3A_192] : memref<819200x32xf32, #tpu.memory_space<hbm>> -> memref<512x32xf32, #tpu.memory_space<hbm>>
    tpu.wait_dma2 semaphore(%arg19 : memref<!tpu.dma_semaphore, #tpu.memory_space<semaphore_mem>>) src(%arg13 : memref<512x32xf32, #tpu.memory_space<vmem>>) dst(%dma_wait3A_193 : memref<512x32xf32, #tpu.memory_space<hbm>>)
    %dma_start3A_194 = arith.constant 4608 : i32
    %dma_start3A_195 = tpu.memref_slice %arg9[%dma_start3A_194] : memref<25600xi32, #tpu.memory_space<vmem>> -> memref<512xi32, #tpu.memory_space<vmem>>
    %dma_start3A_196 = arith.constant 0 : i32
    %dma_start3A_197 = arith.constant 0 : i32
    %dma_start3A_198 = tpu.memref_slice %arg5[%dma_start3A_196, %dma_start3A_197] : memref<1000000x32xf32, #tpu.memory_space<hbm>> -> memref<1000000x32xf32, #tpu.memory_space<hbm>>
    tpu.enqueue_indirect_dma source(%dma_start3A_198 : memref<1000000x32xf32, #tpu.memory_space<hbm>>) target(%arg13 : memref<512x32xf32, #tpu.memory_space<vmem>>) offsets(%dma_start3A_195 : memref<512xi32, #tpu.memory_space<vmem>>) semaphore(%arg17 : memref<!tpu.dma_semaphore, #tpu.memory_space<semaphore_mem>>)
    %dma_wait3A_199 = arith.constant 4096 : i32
    %dma_wait3A_200 = tpu.memref_slice %arg9[%dma_wait3A_199] : memref<25600xi32, #tpu.memory_space<vmem>> -> memref<512xi32, #tpu.memory_space<vmem>>
    %dma_wait3A_201 = arith.constant 0 : i32
    %dma_wait3A_202 = arith.constant 0 : i32
    %dma_wait3A_203 = tpu.memref_slice %arg5[%dma_wait3A_201, %dma_wait3A_202] : memref<1000000x32xf32, #tpu.memory_space<hbm>> -> memref<1000000x32xf32, #tpu.memory_space<hbm>>
    tpu.wait_indirect_dma semaphore(%arg16 : memref<!tpu.dma_semaphore, #tpu.memory_space<semaphore_mem>>) src(%dma_wait3A_203 : memref<1000000x32xf32, #tpu.memory_space<hbm>>) dst(%arg12 : memref<512x32xf32, #tpu.memory_space<vmem>>)
    %add3A_204 = arith.constant 4096 : i32
    %add3A_205 = arith.addi %mul3A_4, %add3A_204 : i32
    %dma_start3A_206 = arith.constant 0 : i32
    %dma_start3A_207 = tpu.memref_slice %arg6[%add3A_205, %dma_start3A_206] : memref<819200x32xf32, #tpu.memory_space<hbm>> -> memref<512x32xf32, #tpu.memory_space<hbm>>
    %dma_start3A_208 = arith.constant 0 : i32
    %dma_start3A_209 = tpu.memref_slice %arg6[%add3A_205, %dma_start3A_208] : memref<819200x32xf32, #tpu.memory_space<hbm>> -> memref<512x32xf32, #tpu.memory_space<hbm>>
    tpu.enqueue_dma source(%arg12 : memref<512x32xf32, #tpu.memory_space<vmem>>) target(%dma_start3A_209 : memref<512x32xf32, #tpu.memory_space<hbm>>) target_semaphore(%arg18 : memref<!tpu.dma_semaphore, #tpu.memory_space<semaphore_mem>>)
    %dma_wait3A_210 = arith.constant 0 : i32
    %dma_wait3A_211 = tpu.memref_slice %arg6[%add3A_205, %dma_wait3A_210] : memref<819200x32xf32, #tpu.memory_space<hbm>> -> memref<512x32xf32, #tpu.memory_space<hbm>>
    %dma_wait3A_212 = arith.constant 0 : i32
    %dma_wait3A_213 = tpu.memref_slice %arg6[%add3A_205, %dma_wait3A_212] : memref<819200x32xf32, #tpu.memory_space<hbm>> -> memref<512x32xf32, #tpu.memory_space<hbm>>
    tpu.wait_dma2 semaphore(%arg18 : memref<!tpu.dma_semaphore, #tpu.memory_space<semaphore_mem>>) src(%arg12 : memref<512x32xf32, #tpu.memory_space<vmem>>) dst(%dma_wait3A_213 : memref<512x32xf32, #tpu.memory_space<hbm>>)
    %dma_start3A_214 = arith.constant 5120 : i32
    %dma_start3A_215 = tpu.memref_slice %arg9[%dma_start3A_214] : memref<25600xi32, #tpu.memory_space<vmem>> -> memref<512xi32, #tpu.memory_space<vmem>>
    %dma_start3A_216 = arith.constant 0 : i32
    %dma_start3A_217 = arith.constant 0 : i32
    %dma_start3A_218 = tpu.memref_slice %arg5[%dma_start3A_216, %dma_start3A_217] : memref<1000000x32xf32, #tpu.memory_space<hbm>> -> memref<1000000x32xf32, #tpu.memory_space<hbm>>
    tpu.enqueue_indirect_dma source(%dma_start3A_218 : memref<1000000x32xf32, #tpu.memory_space<hbm>>) target(%arg12 : memref<512x32xf32, #tpu.memory_space<vmem>>) offsets(%dma_start3A_215 : memref<512xi32, #tpu.memory_space<vmem>>) semaphore(%arg16 : memref<!tpu.dma_semaphore, #tpu.memory_space<semaphore_mem>>)
    %dma_wait3A_219 = arith.constant 4608 : i32
    %dma_wait3A_220 = tpu.memref_slice %arg9[%dma_wait3A_219] : memref<25600xi32, #tpu.memory_space<vmem>> -> memref<512xi32, #tpu.memory_space<vmem>>
    %dma_wait3A_221 = arith.constant 0 : i32
    %dma_wait3A_222 = arith.constant 0 : i32
    %dma_wait3A_223 = tpu.memref_slice %arg5[%dma_wait3A_221, %dma_wait3A_222] : memref<1000000x32xf32, #tpu.memory_space<hbm>> -> memref<1000000x32xf32, #tpu.memory_space<hbm>>
    tpu.wait_indirect_dma semaphore(%arg17 : memref<!tpu.dma_semaphore, #tpu.memory_space<semaphore_mem>>) src(%dma_wait3A_223 : memref<1000000x32xf32, #tpu.memory_space<hbm>>) dst(%arg13 : memref<512x32xf32, #tpu.memory_space<vmem>>)
    %add3A_224 = arith.constant 4608 : i32
    %add3A_225 = arith.addi %mul3A_4, %add3A_224 : i32
    %dma_start3A_226 = arith.constant 0 : i32
    %dma_start3A_227 = tpu.memref_slice %arg6[%add3A_225, %dma_start3A_226] : memref<819200x32xf32, #tpu.memory_space<hbm>> -> memref<512x32xf32, #tpu.memory_space<hbm>>
    %dma_start3A_228 = arith.constant 0 : i32
    %dma_start3A_229 = tpu.memref_slice %arg6[%add3A_225, %dma_start3A_228] : memref<819200x32xf32, #tpu.memory_space<hbm>> -> memref<512x32xf32, #tpu.memory_space<hbm>>
    tpu.enqueue_dma source(%arg13 : memref<512x32xf32, #tpu.memory_space<vmem>>) target(%dma_start3A_229 : memref<512x32xf32, #tpu.memory_space<hbm>>) target_semaphore(%arg19 : memref<!tpu.dma_semaphore, #tpu.memory_space<semaphore_mem>>)
    %dma_wait3A_230 = arith.constant 0 : i32
    %dma_wait3A_231 = tpu.memref_slice %arg6[%add3A_225, %dma_wait3A_230] : memref<819200x32xf32, #tpu.memory_space<hbm>> -> memref<512x32xf32, #tpu.memory_space<hbm>>
    %dma_wait3A_232 = arith.constant 0 : i32
    %dma_wait3A_233 = tpu.memref_slice %arg6[%add3A_225, %dma_wait3A_232] : memref<819200x32xf32, #tpu.memory_space<hbm>> -> memref<512x32xf32, #tpu.memory_space<hbm>>
    tpu.wait_dma2 semaphore(%arg19 : memref<!tpu.dma_semaphore, #tpu.memory_space<semaphore_mem>>) src(%arg13 : memref<512x32xf32, #tpu.memory_space<vmem>>) dst(%dma_wait3A_233 : memref<512x32xf32, #tpu.memory_space<hbm>>)
    %dma_start3A_234 = arith.constant 5632 : i32
    %dma_start3A_235 = tpu.memref_slice %arg9[%dma_start3A_234] : memref<25600xi32, #tpu.memory_space<vmem>> -> memref<512xi32, #tpu.memory_space<vmem>>
    %dma_start3A_236 = arith.constant 0 : i32
    %dma_start3A_237 = arith.constant 0 : i32
    %dma_start3A_238 = tpu.memref_slice %arg5[%dma_start3A_236, %dma_start3A_237] : memref<1000000x32xf32, #tpu.memory_space<hbm>> -> memref<1000000x32xf32, #tpu.memory_space<hbm>>
    tpu.enqueue_indirect_dma source(%dma_start3A_238 : memref<1000000x32xf32, #tpu.memory_space<hbm>>) target(%arg13 : memref<512x32xf32, #tpu.memory_space<vmem>>) offsets(%dma_start3A_235 : memref<512xi32, #tpu.memory_space<vmem>>) semaphore(%arg17 : memref<!tpu.dma_semaphore, #tpu.memory_space<semaphore_mem>>)
    %dma_wait3A_239 = arith.constant 5120 : i32
    %dma_wait3A_240 = tpu.memref_slice %arg9[%dma_wait3A_239] : memref<25600xi32, #tpu.memory_space<vmem>> -> memref<512xi32, #tpu.memory_space<vmem>>
    %dma_wait3A_241 = arith.constant 0 : i32
    %dma_wait3A_242 = arith.constant 0 : i32
    %dma_wait3A_243 = tpu.memref_slice %arg5[%dma_wait3A_241, %dma_wait3A_242] : memref<1000000x32xf32, #tpu.memory_space<hbm>> -> memref<1000000x32xf32, #tpu.memory_space<hbm>>
    tpu.wait_indirect_dma semaphore(%arg16 : memref<!tpu.dma_semaphore, #tpu.memory_space<semaphore_mem>>) src(%dma_wait3A_243 : memref<1000000x32xf32, #tpu.memory_space<hbm>>) dst(%arg12 : memref<512x32xf32, #tpu.memory_space<vmem>>)
    %add3A_244 = arith.constant 5120 : i32
    %add3A_245 = arith.addi %mul3A_4, %add3A_244 : i32
    %dma_start3A_246 = arith.constant 0 : i32
    %dma_start3A_247 = tpu.memref_slice %arg6[%add3A_245, %dma_start3A_246] : memref<819200x32xf32, #tpu.memory_space<hbm>> -> memref<512x32xf32, #tpu.memory_space<hbm>>
    %dma_start3A_248 = arith.constant 0 : i32
    %dma_start3A_249 = tpu.memref_slice %arg6[%add3A_245, %dma_start3A_248] : memref<819200x32xf32, #tpu.memory_space<hbm>> -> memref<512x32xf32, #tpu.memory_space<hbm>>
    tpu.enqueue_dma source(%arg12 : memref<512x32xf32, #tpu.memory_space<vmem>>) target(%dma_start3A_249 : memref<512x32xf32, #tpu.memory_space<hbm>>) target_semaphore(%arg18 : memref<!tpu.dma_semaphore, #tpu.memory_space<semaphore_mem>>)
    %dma_wait3A_250 = arith.constant 0 : i32
    %dma_wait3A_251 = tpu.memref_slice %arg6[%add3A_245, %dma_wait3A_250] : memref<819200x32xf32, #tpu.memory_space<hbm>> -> memref<512x32xf32, #tpu.memory_space<hbm>>
    %dma_wait3A_252 = arith.constant 0 : i32
    %dma_wait3A_253 = tpu.memref_slice %arg6[%add3A_245, %dma_wait3A_252] : memref<819200x32xf32, #tpu.memory_space<hbm>> -> memref<512x32xf32, #tpu.memory_space<hbm>>
    tpu.wait_dma2 semaphore(%arg18 : memref<!tpu.dma_semaphore, #tpu.memory_space<semaphore_mem>>) src(%arg12 : memref<512x32xf32, #tpu.memory_space<vmem>>) dst(%dma_wait3A_253 : memref<512x32xf32, #tpu.memory_space<hbm>>)
    %dma_start3A_254 = arith.constant 6144 : i32
    %dma_start3A_255 = tpu.memref_slice %arg9[%dma_start3A_254] : memref<25600xi32, #tpu.memory_space<vmem>> -> memref<512xi32, #tpu.memory_space<vmem>>
    %dma_start3A_256 = arith.constant 0 : i32
    %dma_start3A_257 = arith.constant 0 : i32
    %dma_start3A_258 = tpu.memref_slice %arg5[%dma_start3A_256, %dma_start3A_257] : memref<1000000x32xf32, #tpu.memory_space<hbm>> -> memref<1000000x32xf32, #tpu.memory_space<hbm>>
    tpu.enqueue_indirect_dma source(%dma_start3A_258 : memref<1000000x32xf32, #tpu.memory_space<hbm>>) target(%arg12 : memref<512x32xf32, #tpu.memory_space<vmem>>) offsets(%dma_start3A_255 : memref<512xi32, #tpu.memory_space<vmem>>) semaphore(%arg16 : memref<!tpu.dma_semaphore, #tpu.memory_space<semaphore_mem>>)
    %dma_wait3A_259 = arith.constant 5632 : i32
    %dma_wait3A_260 = tpu.memref_slice %arg9[%dma_wait3A_259] : memref<25600xi32, #tpu.memory_space<vmem>> -> memref<512xi32, #tpu.memory_space<vmem>>
    %dma_wait3A_261 = arith.constant 0 : i32
    %dma_wait3A_262 = arith.constant 0 : i32
    %dma_wait3A_263 = tpu.memref_slice %arg5[%dma_wait3A_261, %dma_wait3A_262] : memref<1000000x32xf32, #tpu.memory_space<hbm>> -> memref<1000000x32xf32, #tpu.memory_space<hbm>>
    tpu.wait_indirect_dma semaphore(%arg17 : memref<!tpu.dma_semaphore, #tpu.memory_space<semaphore_mem>>) src(%dma_wait3A_263 : memref<1000000x32xf32, #tpu.memory_space<hbm>>) dst(%arg13 : memref<512x32xf32, #tpu.memory_space<vmem>>)
    %add3A_264 = arith.constant 5632 : i32
    %add3A_265 = arith.addi %mul3A_4, %add3A_264 : i32
    %dma_start3A_266 = arith.constant 0 : i32
    %dma_start3A_267 = tpu.memref_slice %arg6[%add3A_265, %dma_start3A_266] : memref<819200x32xf32, #tpu.memory_space<hbm>> -> memref<512x32xf32, #tpu.memory_space<hbm>>
    %dma_start3A_268 = arith.constant 0 : i32
    %dma_start3A_269 = tpu.memref_slice %arg6[%add3A_265, %dma_start3A_268] : memref<819200x32xf32, #tpu.memory_space<hbm>> -> memref<512x32xf32, #tpu.memory_space<hbm>>
    tpu.enqueue_dma source(%arg13 : memref<512x32xf32, #tpu.memory_space<vmem>>) target(%dma_start3A_269 : memref<512x32xf32, #tpu.memory_space<hbm>>) target_semaphore(%arg19 : memref<!tpu.dma_semaphore, #tpu.memory_space<semaphore_mem>>)
    %dma_wait3A_270 = arith.constant 0 : i32
    %dma_wait3A_271 = tpu.memref_slice %arg6[%add3A_265, %dma_wait3A_270] : memref<819200x32xf32, #tpu.memory_space<hbm>> -> memref<512x32xf32, #tpu.memory_space<hbm>>
    %dma_wait3A_272 = arith.constant 0 : i32
    %dma_wait3A_273 = tpu.memref_slice %arg6[%add3A_265, %dma_wait3A_272] : memref<819200x32xf32, #tpu.memory_space<hbm>> -> memref<512x32xf32, #tpu.memory_space<hbm>>
    tpu.wait_dma2 semaphore(%arg19 : memref<!tpu.dma_semaphore, #tpu.memory_space<semaphore_mem>>) src(%arg13 : memref<512x32xf32, #tpu.memory_space<vmem>>) dst(%dma_wait3A_273 : memref<512x32xf32, #tpu.memory_space<hbm>>)
    %dma_start3A_274 = arith.constant 6656 : i32
    %dma_start3A_275 = tpu.memref_slice %arg9[%dma_start3A_274] : memref<25600xi32, #tpu.memory_space<vmem>> -> memref<512xi32, #tpu.memory_space<vmem>>
    %dma_start3A_276 = arith.constant 0 : i32
    %dma_start3A_277 = arith.constant 0 : i32
    %dma_start3A_278 = tpu.memref_slice %arg5[%dma_start3A_276, %dma_start3A_277] : memref<1000000x32xf32, #tpu.memory_space<hbm>> -> memref<1000000x32xf32, #tpu.memory_space<hbm>>
    tpu.enqueue_indirect_dma source(%dma_start3A_278 : memref<1000000x32xf32, #tpu.memory_space<hbm>>) target(%arg13 : memref<512x32xf32, #tpu.memory_space<vmem>>) offsets(%dma_start3A_275 : memref<512xi32, #tpu.memory_space<vmem>>) semaphore(%arg17 : memref<!tpu.dma_semaphore, #tpu.memory_space<semaphore_mem>>)
    %dma_wait3A_279 = arith.constant 6144 : i32
    %dma_wait3A_280 = tpu.memref_slice %arg9[%dma_wait3A_279] : memref<25600xi32, #tpu.memory_space<vmem>> -> memref<512xi32, #tpu.memory_space<vmem>>
    %dma_wait3A_281 = arith.constant 0 : i32
    %dma_wait3A_282 = arith.constant 0 : i32
    %dma_wait3A_283 = tpu.memref_slice %arg5[%dma_wait3A_281, %dma_wait3A_282] : memref<1000000x32xf32, #tpu.memory_space<hbm>> -> memref<1000000x32xf32, #tpu.memory_space<hbm>>
    tpu.wait_indirect_dma semaphore(%arg16 : memref<!tpu.dma_semaphore, #tpu.memory_space<semaphore_mem>>) src(%dma_wait3A_283 : memref<1000000x32xf32, #tpu.memory_space<hbm>>) dst(%arg12 : memref<512x32xf32, #tpu.memory_space<vmem>>)
    %add3A_284 = arith.constant 6144 : i32
    %add3A_285 = arith.addi %mul3A_4, %add3A_284 : i32
    %dma_start3A_286 = arith.constant 0 : i32
    %dma_start3A_287 = tpu.memref_slice %arg6[%add3A_285, %dma_start3A_286] : memref<819200x32xf32, #tpu.memory_space<hbm>> -> memref<512x32xf32, #tpu.memory_space<hbm>>
    %dma_start3A_288 = arith.constant 0 : i32
    %dma_start3A_289 = tpu.memref_slice %arg6[%add3A_285, %dma_start3A_288] : memref<819200x32xf32, #tpu.memory_space<hbm>> -> memref<512x32xf32, #tpu.memory_space<hbm>>
    tpu.enqueue_dma source(%arg12 : memref<512x32xf32, #tpu.memory_space<vmem>>) target(%dma_start3A_289 : memref<512x32xf32, #tpu.memory_space<hbm>>) target_semaphore(%arg18 : memref<!tpu.dma_semaphore, #tpu.memory_space<semaphore_mem>>)
    %dma_wait3A_290 = arith.constant 0 : i32
    %dma_wait3A_291 = tpu.memref_slice %arg6[%add3A_285, %dma_wait3A_290] : memref<819200x32xf32, #tpu.memory_space<hbm>> -> memref<512x32xf32, #tpu.memory_space<hbm>>
    %dma_wait3A_292 = arith.constant 0 : i32
    %dma_wait3A_293 = tpu.memref_slice %arg6[%add3A_285, %dma_wait3A_292] : memref<819200x32xf32, #tpu.memory_space<hbm>> -> memref<512x32xf32, #tpu.memory_space<hbm>>
    tpu.wait_dma2 semaphore(%arg18 : memref<!tpu.dma_semaphore, #tpu.memory_space<semaphore_mem>>) src(%arg12 : memref<512x32xf32, #tpu.memory_space<vmem>>) dst(%dma_wait3A_293 : memref<512x32xf32, #tpu.memory_space<hbm>>)
    %dma_start3A_294 = arith.constant 7168 : i32
    %dma_start3A_295 = tpu.memref_slice %arg9[%dma_start3A_294] : memref<25600xi32, #tpu.memory_space<vmem>> -> memref<512xi32, #tpu.memory_space<vmem>>
    %dma_start3A_296 = arith.constant 0 : i32
    %dma_start3A_297 = arith.constant 0 : i32
    %dma_start3A_298 = tpu.memref_slice %arg5[%dma_start3A_296, %dma_start3A_297] : memref<1000000x32xf32, #tpu.memory_space<hbm>> -> memref<1000000x32xf32, #tpu.memory_space<hbm>>
    tpu.enqueue_indirect_dma source(%dma_start3A_298 : memref<1000000x32xf32, #tpu.memory_space<hbm>>) target(%arg12 : memref<512x32xf32, #tpu.memory_space<vmem>>) offsets(%dma_start3A_295 : memref<512xi32, #tpu.memory_space<vmem>>) semaphore(%arg16 : memref<!tpu.dma_semaphore, #tpu.memory_space<semaphore_mem>>)
    %dma_wait3A_299 = arith.constant 6656 : i32
    %dma_wait3A_300 = tpu.memref_slice %arg9[%dma_wait3A_299] : memref<25600xi32, #tpu.memory_space<vmem>> -> memref<512xi32, #tpu.memory_space<vmem>>
    %dma_wait3A_301 = arith.constant 0 : i32
    %dma_wait3A_302 = arith.constant 0 : i32
    %dma_wait3A_303 = tpu.memref_slice %arg5[%dma_wait3A_301, %dma_wait3A_302] : memref<1000000x32xf32, #tpu.memory_space<hbm>> -> memref<1000000x32xf32, #tpu.memory_space<hbm>>
    tpu.wait_indirect_dma semaphore(%arg17 : memref<!tpu.dma_semaphore, #tpu.memory_space<semaphore_mem>>) src(%dma_wait3A_303 : memref<1000000x32xf32, #tpu.memory_space<hbm>>) dst(%arg13 : memref<512x32xf32, #tpu.memory_space<vmem>>)
    %add3A_304 = arith.constant 6656 : i32
    %add3A_305 = arith.addi %mul3A_4, %add3A_304 : i32
    %dma_start3A_306 = arith.constant 0 : i32
    %dma_start3A_307 = tpu.memref_slice %arg6[%add3A_305, %dma_start3A_306] : memref<819200x32xf32, #tpu.memory_space<hbm>> -> memref<512x32xf32, #tpu.memory_space<hbm>>
    %dma_start3A_308 = arith.constant 0 : i32
    %dma_start3A_309 = tpu.memref_slice %arg6[%add3A_305, %dma_start3A_308] : memref<819200x32xf32, #tpu.memory_space<hbm>> -> memref<512x32xf32, #tpu.memory_space<hbm>>
    tpu.enqueue_dma source(%arg13 : memref<512x32xf32, #tpu.memory_space<vmem>>) target(%dma_start3A_309 : memref<512x32xf32, #tpu.memory_space<hbm>>) target_semaphore(%arg19 : memref<!tpu.dma_semaphore, #tpu.memory_space<semaphore_mem>>)
    %dma_wait3A_310 = arith.constant 0 : i32
    %dma_wait3A_311 = tpu.memref_slice %arg6[%add3A_305, %dma_wait3A_310] : memref<819200x32xf32, #tpu.memory_space<hbm>> -> memref<512x32xf32, #tpu.memory_space<hbm>>
    %dma_wait3A_312 = arith.constant 0 : i32
    %dma_wait3A_313 = tpu.memref_slice %arg6[%add3A_305, %dma_wait3A_312] : memref<819200x32xf32, #tpu.memory_space<hbm>> -> memref<512x32xf32, #tpu.memory_space<hbm>>
    tpu.wait_dma2 semaphore(%arg19 : memref<!tpu.dma_semaphore, #tpu.memory_space<semaphore_mem>>) src(%arg13 : memref<512x32xf32, #tpu.memory_space<vmem>>) dst(%dma_wait3A_313 : memref<512x32xf32, #tpu.memory_space<hbm>>)
    %dma_start3A_314 = arith.constant 7680 : i32
    %dma_start3A_315 = tpu.memref_slice %arg9[%dma_start3A_314] : memref<25600xi32, #tpu.memory_space<vmem>> -> memref<512xi32, #tpu.memory_space<vmem>>
    %dma_start3A_316 = arith.constant 0 : i32
    %dma_start3A_317 = arith.constant 0 : i32
    %dma_start3A_318 = tpu.memref_slice %arg5[%dma_start3A_316, %dma_start3A_317] : memref<1000000x32xf32, #tpu.memory_space<hbm>> -> memref<1000000x32xf32, #tpu.memory_space<hbm>>
    tpu.enqueue_indirect_dma source(%dma_start3A_318 : memref<1000000x32xf32, #tpu.memory_space<hbm>>) target(%arg13 : memref<512x32xf32, #tpu.memory_space<vmem>>) offsets(%dma_start3A_315 : memref<512xi32, #tpu.memory_space<vmem>>) semaphore(%arg17 : memref<!tpu.dma_semaphore, #tpu.memory_space<semaphore_mem>>)
    %dma_wait3A_319 = arith.constant 7168 : i32
    %dma_wait3A_320 = tpu.memref_slice %arg9[%dma_wait3A_319] : memref<25600xi32, #tpu.memory_space<vmem>> -> memref<512xi32, #tpu.memory_space<vmem>>
    %dma_wait3A_321 = arith.constant 0 : i32
    %dma_wait3A_322 = arith.constant 0 : i32
    %dma_wait3A_323 = tpu.memref_slice %arg5[%dma_wait3A_321, %dma_wait3A_322] : memref<1000000x32xf32, #tpu.memory_space<hbm>> -> memref<1000000x32xf32, #tpu.memory_space<hbm>>
    tpu.wait_indirect_dma semaphore(%arg16 : memref<!tpu.dma_semaphore, #tpu.memory_space<semaphore_mem>>) src(%dma_wait3A_323 : memref<1000000x32xf32, #tpu.memory_space<hbm>>) dst(%arg12 : memref<512x32xf32, #tpu.memory_space<vmem>>)
    %add3A_324 = arith.constant 7168 : i32
    %add3A_325 = arith.addi %mul3A_4, %add3A_324 : i32
    %dma_start3A_326 = arith.constant 0 : i32
    %dma_start3A_327 = tpu.memref_slice %arg6[%add3A_325, %dma_start3A_326] : memref<819200x32xf32, #tpu.memory_space<hbm>> -> memref<512x32xf32, #tpu.memory_space<hbm>>
    %dma_start3A_328 = arith.constant 0 : i32
    %dma_start3A_329 = tpu.memref_slice %arg6[%add3A_325, %dma_start3A_328] : memref<819200x32xf32, #tpu.memory_space<hbm>> -> memref<512x32xf32, #tpu.memory_space<hbm>>
    tpu.enqueue_dma source(%arg12 : memref<512x32xf32, #tpu.memory_space<vmem>>) target(%dma_start3A_329 : memref<512x32xf32, #tpu.memory_space<hbm>>) target_semaphore(%arg18 : memref<!tpu.dma_semaphore, #tpu.memory_space<semaphore_mem>>)
    %dma_wait3A_330 = arith.constant 0 : i32
    %dma_wait3A_331 = tpu.memref_slice %arg6[%add3A_325, %dma_wait3A_330] : memref<819200x32xf32, #tpu.memory_space<hbm>> -> memref<512x32xf32, #tpu.memory_space<hbm>>
    %dma_wait3A_332 = arith.constant 0 : i32
    %dma_wait3A_333 = tpu.memref_slice %arg6[%add3A_325, %dma_wait3A_332] : memref<819200x32xf32, #tpu.memory_space<hbm>> -> memref<512x32xf32, #tpu.memory_space<hbm>>
    tpu.wait_dma2 semaphore(%arg18 : memref<!tpu.dma_semaphore, #tpu.memory_space<semaphore_mem>>) src(%arg12 : memref<512x32xf32, #tpu.memory_space<vmem>>) dst(%dma_wait3A_333 : memref<512x32xf32, #tpu.memory_space<hbm>>)
    %dma_start3A_334 = arith.constant 8192 : i32
    %dma_start3A_335 = tpu.memref_slice %arg9[%dma_start3A_334] : memref<25600xi32, #tpu.memory_space<vmem>> -> memref<512xi32, #tpu.memory_space<vmem>>
    %dma_start3A_336 = arith.constant 0 : i32
    %dma_start3A_337 = arith.constant 0 : i32
    %dma_start3A_338 = tpu.memref_slice %arg5[%dma_start3A_336, %dma_start3A_337] : memref<1000000x32xf32, #tpu.memory_space<hbm>> -> memref<1000000x32xf32, #tpu.memory_space<hbm>>
    tpu.enqueue_indirect_dma source(%dma_start3A_338 : memref<1000000x32xf32, #tpu.memory_space<hbm>>) target(%arg12 : memref<512x32xf32, #tpu.memory_space<vmem>>) offsets(%dma_start3A_335 : memref<512xi32, #tpu.memory_space<vmem>>) semaphore(%arg16 : memref<!tpu.dma_semaphore, #tpu.memory_space<semaphore_mem>>)
    %dma_wait3A_339 = arith.constant 7680 : i32
    %dma_wait3A_340 = tpu.memref_slice %arg9[%dma_wait3A_339] : memref<25600xi32, #tpu.memory_space<vmem>> -> memref<512xi32, #tpu.memory_space<vmem>>
    %dma_wait3A_341 = arith.constant 0 : i32
    %dma_wait3A_342 = arith.constant 0 : i32
    %dma_wait3A_343 = tpu.memref_slice %arg5[%dma_wait3A_341, %dma_wait3A_342] : memref<1000000x32xf32, #tpu.memory_space<hbm>> -> memref<1000000x32xf32, #tpu.memory_space<hbm>>
    tpu.wait_indirect_dma semaphore(%arg17 : memref<!tpu.dma_semaphore, #tpu.memory_space<semaphore_mem>>) src(%dma_wait3A_343 : memref<1000000x32xf32, #tpu.memory_space<hbm>>) dst(%arg13 : memref<512x32xf32, #tpu.memory_space<vmem>>)
    %add3A_344 = arith.constant 7680 : i32
    %add3A_345 = arith.addi %mul3A_4, %add3A_344 : i32
    %dma_start3A_346 = arith.constant 0 : i32
    %dma_start3A_347 = tpu.memref_slice %arg6[%add3A_345, %dma_start3A_346] : memref<819200x32xf32, #tpu.memory_space<hbm>> -> memref<512x32xf32, #tpu.memory_space<hbm>>
    %dma_start3A_348 = arith.constant 0 : i32
    %dma_start3A_349 = tpu.memref_slice %arg6[%add3A_345, %dma_start3A_348] : memref<819200x32xf32, #tpu.memory_space<hbm>> -> memref<512x32xf32, #tpu.memory_space<hbm>>
    tpu.enqueue_dma source(%arg13 : memref<512x32xf32, #tpu.memory_space<vmem>>) target(%dma_start3A_349 : memref<512x32xf32, #tpu.memory_space<hbm>>) target_semaphore(%arg19 : memref<!tpu.dma_semaphore, #tpu.memory_space<semaphore_mem>>)
    %dma_wait3A_350 = arith.constant 0 : i32
    %dma_wait3A_351 = tpu.memref_slice %arg6[%add3A_345, %dma_wait3A_350] : memref<819200x32xf32, #tpu.memory_space<hbm>> -> memref<512x32xf32, #tpu.memory_space<hbm>>
    %dma_wait3A_352 = arith.constant 0 : i32
    %dma_wait3A_353 = tpu.memref_slice %arg6[%add3A_345, %dma_wait3A_352] : memref<819200x32xf32, #tpu.memory_space<hbm>> -> memref<512x32xf32, #tpu.memory_space<hbm>>
    tpu.wait_dma2 semaphore(%arg19 : memref<!tpu.dma_semaphore, #tpu.memory_space<semaphore_mem>>) src(%arg13 : memref<512x32xf32, #tpu.memory_space<vmem>>) dst(%dma_wait3A_353 : memref<512x32xf32, #tpu.memory_space<hbm>>)
    %dma_start3A_354 = arith.constant 8704 : i32
    %dma_start3A_355 = tpu.memref_slice %arg9[%dma_start3A_354] : memref<25600xi32, #tpu.memory_space<vmem>> -> memref<512xi32, #tpu.memory_space<vmem>>
    %dma_start3A_356 = arith.constant 0 : i32
    %dma_start3A_357 = arith.constant 0 : i32
    %dma_start3A_358 = tpu.memref_slice %arg5[%dma_start3A_356, %dma_start3A_357] : memref<1000000x32xf32, #tpu.memory_space<hbm>> -> memref<1000000x32xf32, #tpu.memory_space<hbm>>
    tpu.enqueue_indirect_dma source(%dma_start3A_358 : memref<1000000x32xf32, #tpu.memory_space<hbm>>) target(%arg13 : memref<512x32xf32, #tpu.memory_space<vmem>>) offsets(%dma_start3A_355 : memref<512xi32, #tpu.memory_space<vmem>>) semaphore(%arg17 : memref<!tpu.dma_semaphore, #tpu.memory_space<semaphore_mem>>)
    %dma_wait3A_359 = arith.constant 8192 : i32
    %dma_wait3A_360 = tpu.memref_slice %arg9[%dma_wait3A_359] : memref<25600xi32, #tpu.memory_space<vmem>> -> memref<512xi32, #tpu.memory_space<vmem>>
    %dma_wait3A_361 = arith.constant 0 : i32
    %dma_wait3A_362 = arith.constant 0 : i32
    %dma_wait3A_363 = tpu.memref_slice %arg5[%dma_wait3A_361, %dma_wait3A_362] : memref<1000000x32xf32, #tpu.memory_space<hbm>> -> memref<1000000x32xf32, #tpu.memory_space<hbm>>
    tpu.wait_indirect_dma semaphore(%arg16 : memref<!tpu.dma_semaphore, #tpu.memory_space<semaphore_mem>>) src(%dma_wait3A_363 : memref<1000000x32xf32, #tpu.memory_space<hbm>>) dst(%arg12 : memref<512x32xf32, #tpu.memory_space<vmem>>)
    %add3A_364 = arith.constant 8192 : i32
    %add3A_365 = arith.addi %mul3A_4, %add3A_364 : i32
    %dma_start3A_366 = arith.constant 0 : i32
    %dma_start3A_367 = tpu.memref_slice %arg6[%add3A_365, %dma_start3A_366] : memref<819200x32xf32, #tpu.memory_space<hbm>> -> memref<512x32xf32, #tpu.memory_space<hbm>>
    %dma_start3A_368 = arith.constant 0 : i32
    %dma_start3A_369 = tpu.memref_slice %arg6[%add3A_365, %dma_start3A_368] : memref<819200x32xf32, #tpu.memory_space<hbm>> -> memref<512x32xf32, #tpu.memory_space<hbm>>
    tpu.enqueue_dma source(%arg12 : memref<512x32xf32, #tpu.memory_space<vmem>>) target(%dma_start3A_369 : memref<512x32xf32, #tpu.memory_space<hbm>>) target_semaphore(%arg18 : memref<!tpu.dma_semaphore, #tpu.memory_space<semaphore_mem>>)
    %dma_wait3A_370 = arith.constant 0 : i32
    %dma_wait3A_371 = tpu.memref_slice %arg6[%add3A_365, %dma_wait3A_370] : memref<819200x32xf32, #tpu.memory_space<hbm>> -> memref<512x32xf32, #tpu.memory_space<hbm>>
    %dma_wait3A_372 = arith.constant 0 : i32
    %dma_wait3A_373 = tpu.memref_slice %arg6[%add3A_365, %dma_wait3A_372] : memref<819200x32xf32, #tpu.memory_space<hbm>> -> memref<512x32xf32, #tpu.memory_space<hbm>>
    tpu.wait_dma2 semaphore(%arg18 : memref<!tpu.dma_semaphore, #tpu.memory_space<semaphore_mem>>) src(%arg12 : memref<512x32xf32, #tpu.memory_space<vmem>>) dst(%dma_wait3A_373 : memref<512x32xf32, #tpu.memory_space<hbm>>)
    %dma_start3A_374 = arith.constant 9216 : i32
    %dma_start3A_375 = tpu.memref_slice %arg9[%dma_start3A_374] : memref<25600xi32, #tpu.memory_space<vmem>> -> memref<512xi32, #tpu.memory_space<vmem>>
    %dma_start3A_376 = arith.constant 0 : i32
    %dma_start3A_377 = arith.constant 0 : i32
    %dma_start3A_378 = tpu.memref_slice %arg5[%dma_start3A_376, %dma_start3A_377] : memref<1000000x32xf32, #tpu.memory_space<hbm>> -> memref<1000000x32xf32, #tpu.memory_space<hbm>>
    tpu.enqueue_indirect_dma source(%dma_start3A_378 : memref<1000000x32xf32, #tpu.memory_space<hbm>>) target(%arg12 : memref<512x32xf32, #tpu.memory_space<vmem>>) offsets(%dma_start3A_375 : memref<512xi32, #tpu.memory_space<vmem>>) semaphore(%arg16 : memref<!tpu.dma_semaphore, #tpu.memory_space<semaphore_mem>>)
    %dma_wait3A_379 = arith.constant 8704 : i32
    %dma_wait3A_380 = tpu.memref_slice %arg9[%dma_wait3A_379] : memref<25600xi32, #tpu.memory_space<vmem>> -> memref<512xi32, #tpu.memory_space<vmem>>
    %dma_wait3A_381 = arith.constant 0 : i32
    %dma_wait3A_382 = arith.constant 0 : i32
    %dma_wait3A_383 = tpu.memref_slice %arg5[%dma_wait3A_381, %dma_wait3A_382] : memref<1000000x32xf32, #tpu.memory_space<hbm>> -> memref<1000000x32xf32, #tpu.memory_space<hbm>>
    tpu.wait_indirect_dma semaphore(%arg17 : memref<!tpu.dma_semaphore, #tpu.memory_space<semaphore_mem>>) src(%dma_wait3A_383 : memref<1000000x32xf32, #tpu.memory_space<hbm>>) dst(%arg13 : memref<512x32xf32, #tpu.memory_space<vmem>>)
    %add3A_384 = arith.constant 8704 : i32
    %add3A_385 = arith.addi %mul3A_4, %add3A_384 : i32
    %dma_start3A_386 = arith.constant 0 : i32
    %dma_start3A_387 = tpu.memref_slice %arg6[%add3A_385, %dma_start3A_386] : memref<819200x32xf32, #tpu.memory_space<hbm>> -> memref<512x32xf32, #tpu.memory_space<hbm>>
    %dma_start3A_388 = arith.constant 0 : i32
    %dma_start3A_389 = tpu.memref_slice %arg6[%add3A_385, %dma_start3A_388] : memref<819200x32xf32, #tpu.memory_space<hbm>> -> memref<512x32xf32, #tpu.memory_space<hbm>>
    tpu.enqueue_dma source(%arg13 : memref<512x32xf32, #tpu.memory_space<vmem>>) target(%dma_start3A_389 : memref<512x32xf32, #tpu.memory_space<hbm>>) target_semaphore(%arg19 : memref<!tpu.dma_semaphore, #tpu.memory_space<semaphore_mem>>)
    %dma_wait3A_390 = arith.constant 0 : i32
    %dma_wait3A_391 = tpu.memref_slice %arg6[%add3A_385, %dma_wait3A_390] : memref<819200x32xf32, #tpu.memory_space<hbm>> -> memref<512x32xf32, #tpu.memory_space<hbm>>
    %dma_wait3A_392 = arith.constant 0 : i32
    %dma_wait3A_393 = tpu.memref_slice %arg6[%add3A_385, %dma_wait3A_392] : memref<819200x32xf32, #tpu.memory_space<hbm>> -> memref<512x32xf32, #tpu.memory_space<hbm>>
    tpu.wait_dma2 semaphore(%arg19 : memref<!tpu.dma_semaphore, #tpu.memory_space<semaphore_mem>>) src(%arg13 : memref<512x32xf32, #tpu.memory_space<vmem>>) dst(%dma_wait3A_393 : memref<512x32xf32, #tpu.memory_space<hbm>>)
    %dma_start3A_394 = arith.constant 9728 : i32
    %dma_start3A_395 = tpu.memref_slice %arg9[%dma_start3A_394] : memref<25600xi32, #tpu.memory_space<vmem>> -> memref<512xi32, #tpu.memory_space<vmem>>
    %dma_start3A_396 = arith.constant 0 : i32
    %dma_start3A_397 = arith.constant 0 : i32
    %dma_start3A_398 = tpu.memref_slice %arg5[%dma_start3A_396, %dma_start3A_397] : memref<1000000x32xf32, #tpu.memory_space<hbm>> -> memref<1000000x32xf32, #tpu.memory_space<hbm>>
    tpu.enqueue_indirect_dma source(%dma_start3A_398 : memref<1000000x32xf32, #tpu.memory_space<hbm>>) target(%arg13 : memref<512x32xf32, #tpu.memory_space<vmem>>) offsets(%dma_start3A_395 : memref<512xi32, #tpu.memory_space<vmem>>) semaphore(%arg17 : memref<!tpu.dma_semaphore, #tpu.memory_space<semaphore_mem>>)
    %dma_wait3A_399 = arith.constant 9216 : i32
    %dma_wait3A_400 = tpu.memref_slice %arg9[%dma_wait3A_399] : memref<25600xi32, #tpu.memory_space<vmem>> -> memref<512xi32, #tpu.memory_space<vmem>>
    %dma_wait3A_401 = arith.constant 0 : i32
    %dma_wait3A_402 = arith.constant 0 : i32
    %dma_wait3A_403 = tpu.memref_slice %arg5[%dma_wait3A_401, %dma_wait3A_402] : memref<1000000x32xf32, #tpu.memory_space<hbm>> -> memref<1000000x32xf32, #tpu.memory_space<hbm>>
    tpu.wait_indirect_dma semaphore(%arg16 : memref<!tpu.dma_semaphore, #tpu.memory_space<semaphore_mem>>) src(%dma_wait3A_403 : memref<1000000x32xf32, #tpu.memory_space<hbm>>) dst(%arg12 : memref<512x32xf32, #tpu.memory_space<vmem>>)
    %add3A_404 = arith.constant 9216 : i32
    %add3A_405 = arith.addi %mul3A_4, %add3A_404 : i32
    %dma_start3A_406 = arith.constant 0 : i32
    %dma_start3A_407 = tpu.memref_slice %arg6[%add3A_405, %dma_start3A_406] : memref<819200x32xf32, #tpu.memory_space<hbm>> -> memref<512x32xf32, #tpu.memory_space<hbm>>
    %dma_start3A_408 = arith.constant 0 : i32
    %dma_start3A_409 = tpu.memref_slice %arg6[%add3A_405, %dma_start3A_408] : memref<819200x32xf32, #tpu.memory_space<hbm>> -> memref<512x32xf32, #tpu.memory_space<hbm>>
    tpu.enqueue_dma source(%arg12 : memref<512x32xf32, #tpu.memory_space<vmem>>) target(%dma_start3A_409 : memref<512x32xf32, #tpu.memory_space<hbm>>) target_semaphore(%arg18 : memref<!tpu.dma_semaphore, #tpu.memory_space<semaphore_mem>>)
    %dma_wait3A_410 = arith.constant 0 : i32
    %dma_wait3A_411 = tpu.memref_slice %arg6[%add3A_405, %dma_wait3A_410] : memref<819200x32xf32, #tpu.memory_space<hbm>> -> memref<512x32xf32, #tpu.memory_space<hbm>>
    %dma_wait3A_412 = arith.constant 0 : i32
    %dma_wait3A_413 = tpu.memref_slice %arg6[%add3A_405, %dma_wait3A_412] : memref<819200x32xf32, #tpu.memory_space<hbm>> -> memref<512x32xf32, #tpu.memory_space<hbm>>
    tpu.wait_dma2 semaphore(%arg18 : memref<!tpu.dma_semaphore, #tpu.memory_space<semaphore_mem>>) src(%arg12 : memref<512x32xf32, #tpu.memory_space<vmem>>) dst(%dma_wait3A_413 : memref<512x32xf32, #tpu.memory_space<hbm>>)
    %dma_start3A_414 = arith.constant 10240 : i32
    %dma_start3A_415 = tpu.memref_slice %arg9[%dma_start3A_414] : memref<25600xi32, #tpu.memory_space<vmem>> -> memref<512xi32, #tpu.memory_space<vmem>>
    %dma_start3A_416 = arith.constant 0 : i32
    %dma_start3A_417 = arith.constant 0 : i32
    %dma_start3A_418 = tpu.memref_slice %arg5[%dma_start3A_416, %dma_start3A_417] : memref<1000000x32xf32, #tpu.memory_space<hbm>> -> memref<1000000x32xf32, #tpu.memory_space<hbm>>
    tpu.enqueue_indirect_dma source(%dma_start3A_418 : memref<1000000x32xf32, #tpu.memory_space<hbm>>) target(%arg12 : memref<512x32xf32, #tpu.memory_space<vmem>>) offsets(%dma_start3A_415 : memref<512xi32, #tpu.memory_space<vmem>>) semaphore(%arg16 : memref<!tpu.dma_semaphore, #tpu.memory_space<semaphore_mem>>)
    %dma_wait3A_419 = arith.constant 9728 : i32
    %dma_wait3A_420 = tpu.memref_slice %arg9[%dma_wait3A_419] : memref<25600xi32, #tpu.memory_space<vmem>> -> memref<512xi32, #tpu.memory_space<vmem>>
    %dma_wait3A_421 = arith.constant 0 : i32
    %dma_wait3A_422 = arith.constant 0 : i32
    %dma_wait3A_423 = tpu.memref_slice %arg5[%dma_wait3A_421, %dma_wait3A_422] : memref<1000000x32xf32, #tpu.memory_space<hbm>> -> memref<1000000x32xf32, #tpu.memory_space<hbm>>
    tpu.wait_indirect_dma semaphore(%arg17 : memref<!tpu.dma_semaphore, #tpu.memory_space<semaphore_mem>>) src(%dma_wait3A_423 : memref<1000000x32xf32, #tpu.memory_space<hbm>>) dst(%arg13 : memref<512x32xf32, #tpu.memory_space<vmem>>)
    %add3A_424 = arith.constant 9728 : i32
    %add3A_425 = arith.addi %mul3A_4, %add3A_424 : i32
    %dma_start3A_426 = arith.constant 0 : i32
    %dma_start3A_427 = tpu.memref_slice %arg6[%add3A_425, %dma_start3A_426] : memref<819200x32xf32, #tpu.memory_space<hbm>> -> memref<512x32xf32, #tpu.memory_space<hbm>>
    %dma_start3A_428 = arith.constant 0 : i32
    %dma_start3A_429 = tpu.memref_slice %arg6[%add3A_425, %dma_start3A_428] : memref<819200x32xf32, #tpu.memory_space<hbm>> -> memref<512x32xf32, #tpu.memory_space<hbm>>
    tpu.enqueue_dma source(%arg13 : memref<512x32xf32, #tpu.memory_space<vmem>>) target(%dma_start3A_429 : memref<512x32xf32, #tpu.memory_space<hbm>>) target_semaphore(%arg19 : memref<!tpu.dma_semaphore, #tpu.memory_space<semaphore_mem>>)
    %dma_wait3A_430 = arith.constant 0 : i32
    %dma_wait3A_431 = tpu.memref_slice %arg6[%add3A_425, %dma_wait3A_430] : memref<819200x32xf32, #tpu.memory_space<hbm>> -> memref<512x32xf32, #tpu.memory_space<hbm>>
    %dma_wait3A_432 = arith.constant 0 : i32
    %dma_wait3A_433 = tpu.memref_slice %arg6[%add3A_425, %dma_wait3A_432] : memref<819200x32xf32, #tpu.memory_space<hbm>> -> memref<512x32xf32, #tpu.memory_space<hbm>>
    tpu.wait_dma2 semaphore(%arg19 : memref<!tpu.dma_semaphore, #tpu.memory_space<semaphore_mem>>) src(%arg13 : memref<512x32xf32, #tpu.memory_space<vmem>>) dst(%dma_wait3A_433 : memref<512x32xf32, #tpu.memory_space<hbm>>)
    %dma_start3A_434 = arith.constant 10752 : i32
    %dma_start3A_435 = tpu.memref_slice %arg9[%dma_start3A_434] : memref<25600xi32, #tpu.memory_space<vmem>> -> memref<512xi32, #tpu.memory_space<vmem>>
    %dma_start3A_436 = arith.constant 0 : i32
    %dma_start3A_437 = arith.constant 0 : i32
    %dma_start3A_438 = tpu.memref_slice %arg5[%dma_start3A_436, %dma_start3A_437] : memref<1000000x32xf32, #tpu.memory_space<hbm>> -> memref<1000000x32xf32, #tpu.memory_space<hbm>>
    tpu.enqueue_indirect_dma source(%dma_start3A_438 : memref<1000000x32xf32, #tpu.memory_space<hbm>>) target(%arg13 : memref<512x32xf32, #tpu.memory_space<vmem>>) offsets(%dma_start3A_435 : memref<512xi32, #tpu.memory_space<vmem>>) semaphore(%arg17 : memref<!tpu.dma_semaphore, #tpu.memory_space<semaphore_mem>>)
    %dma_wait3A_439 = arith.constant 10240 : i32
    %dma_wait3A_440 = tpu.memref_slice %arg9[%dma_wait3A_439] : memref<25600xi32, #tpu.memory_space<vmem>> -> memref<512xi32, #tpu.memory_space<vmem>>
    %dma_wait3A_441 = arith.constant 0 : i32
    %dma_wait3A_442 = arith.constant 0 : i32
    %dma_wait3A_443 = tpu.memref_slice %arg5[%dma_wait3A_441, %dma_wait3A_442] : memref<1000000x32xf32, #tpu.memory_space<hbm>> -> memref<1000000x32xf32, #tpu.memory_space<hbm>>
    tpu.wait_indirect_dma semaphore(%arg16 : memref<!tpu.dma_semaphore, #tpu.memory_space<semaphore_mem>>) src(%dma_wait3A_443 : memref<1000000x32xf32, #tpu.memory_space<hbm>>) dst(%arg12 : memref<512x32xf32, #tpu.memory_space<vmem>>)
    %add3A_444 = arith.constant 10240 : i32
    %add3A_445 = arith.addi %mul3A_4, %add3A_444 : i32
    %dma_start3A_446 = arith.constant 0 : i32
    %dma_start3A_447 = tpu.memref_slice %arg6[%add3A_445, %dma_start3A_446] : memref<819200x32xf32, #tpu.memory_space<hbm>> -> memref<512x32xf32, #tpu.memory_space<hbm>>
    %dma_start3A_448 = arith.constant 0 : i32
    %dma_start3A_449 = tpu.memref_slice %arg6[%add3A_445, %dma_start3A_448] : memref<819200x32xf32, #tpu.memory_space<hbm>> -> memref<512x32xf32, #tpu.memory_space<hbm>>
    tpu.enqueue_dma source(%arg12 : memref<512x32xf32, #tpu.memory_space<vmem>>) target(%dma_start3A_449 : memref<512x32xf32, #tpu.memory_space<hbm>>) target_semaphore(%arg18 : memref<!tpu.dma_semaphore, #tpu.memory_space<semaphore_mem>>)
    %dma_wait3A_450 = arith.constant 0 : i32
    %dma_wait3A_451 = tpu.memref_slice %arg6[%add3A_445, %dma_wait3A_450] : memref<819200x32xf32, #tpu.memory_space<hbm>> -> memref<512x32xf32, #tpu.memory_space<hbm>>
    %dma_wait3A_452 = arith.constant 0 : i32
    %dma_wait3A_453 = tpu.memref_slice %arg6[%add3A_445, %dma_wait3A_452] : memref<819200x32xf32, #tpu.memory_space<hbm>> -> memref<512x32xf32, #tpu.memory_space<hbm>>
    tpu.wait_dma2 semaphore(%arg18 : memref<!tpu.dma_semaphore, #tpu.memory_space<semaphore_mem>>) src(%arg12 : memref<512x32xf32, #tpu.memory_space<vmem>>) dst(%dma_wait3A_453 : memref<512x32xf32, #tpu.memory_space<hbm>>)
    %dma_start3A_454 = arith.constant 11264 : i32
    %dma_start3A_455 = tpu.memref_slice %arg9[%dma_start3A_454] : memref<25600xi32, #tpu.memory_space<vmem>> -> memref<512xi32, #tpu.memory_space<vmem>>
    %dma_start3A_456 = arith.constant 0 : i32
    %dma_start3A_457 = arith.constant 0 : i32
    %dma_start3A_458 = tpu.memref_slice %arg5[%dma_start3A_456, %dma_start3A_457] : memref<1000000x32xf32, #tpu.memory_space<hbm>> -> memref<1000000x32xf32, #tpu.memory_space<hbm>>
    tpu.enqueue_indirect_dma source(%dma_start3A_458 : memref<1000000x32xf32, #tpu.memory_space<hbm>>) target(%arg12 : memref<512x32xf32, #tpu.memory_space<vmem>>) offsets(%dma_start3A_455 : memref<512xi32, #tpu.memory_space<vmem>>) semaphore(%arg16 : memref<!tpu.dma_semaphore, #tpu.memory_space<semaphore_mem>>)
    %dma_wait3A_459 = arith.constant 10752 : i32
    %dma_wait3A_460 = tpu.memref_slice %arg9[%dma_wait3A_459] : memref<25600xi32, #tpu.memory_space<vmem>> -> memref<512xi32, #tpu.memory_space<vmem>>
    %dma_wait3A_461 = arith.constant 0 : i32
    %dma_wait3A_462 = arith.constant 0 : i32
    %dma_wait3A_463 = tpu.memref_slice %arg5[%dma_wait3A_461, %dma_wait3A_462] : memref<1000000x32xf32, #tpu.memory_space<hbm>> -> memref<1000000x32xf32, #tpu.memory_space<hbm>>
    tpu.wait_indirect_dma semaphore(%arg17 : memref<!tpu.dma_semaphore, #tpu.memory_space<semaphore_mem>>) src(%dma_wait3A_463 : memref<1000000x32xf32, #tpu.memory_space<hbm>>) dst(%arg13 : memref<512x32xf32, #tpu.memory_space<vmem>>)
    %add3A_464 = arith.constant 10752 : i32
    %add3A_465 = arith.addi %mul3A_4, %add3A_464 : i32
    %dma_start3A_466 = arith.constant 0 : i32
    %dma_start3A_467 = tpu.memref_slice %arg6[%add3A_465, %dma_start3A_466] : memref<819200x32xf32, #tpu.memory_space<hbm>> -> memref<512x32xf32, #tpu.memory_space<hbm>>
    %dma_start3A_468 = arith.constant 0 : i32
    %dma_start3A_469 = tpu.memref_slice %arg6[%add3A_465, %dma_start3A_468] : memref<819200x32xf32, #tpu.memory_space<hbm>> -> memref<512x32xf32, #tpu.memory_space<hbm>>
    tpu.enqueue_dma source(%arg13 : memref<512x32xf32, #tpu.memory_space<vmem>>) target(%dma_start3A_469 : memref<512x32xf32, #tpu.memory_space<hbm>>) target_semaphore(%arg19 : memref<!tpu.dma_semaphore, #tpu.memory_space<semaphore_mem>>)
    %dma_wait3A_470 = arith.constant 0 : i32
    %dma_wait3A_471 = tpu.memref_slice %arg6[%add3A_465, %dma_wait3A_470] : memref<819200x32xf32, #tpu.memory_space<hbm>> -> memref<512x32xf32, #tpu.memory_space<hbm>>
    %dma_wait3A_472 = arith.constant 0 : i32
    %dma_wait3A_473 = tpu.memref_slice %arg6[%add3A_465, %dma_wait3A_472] : memref<819200x32xf32, #tpu.memory_space<hbm>> -> memref<512x32xf32, #tpu.memory_space<hbm>>
    tpu.wait_dma2 semaphore(%arg19 : memref<!tpu.dma_semaphore, #tpu.memory_space<semaphore_mem>>) src(%arg13 : memref<512x32xf32, #tpu.memory_space<vmem>>) dst(%dma_wait3A_473 : memref<512x32xf32, #tpu.memory_space<hbm>>)
    %dma_start3A_474 = arith.constant 11776 : i32
    %dma_start3A_475 = tpu.memref_slice %arg9[%dma_start3A_474] : memref<25600xi32, #tpu.memory_space<vmem>> -> memref<512xi32, #tpu.memory_space<vmem>>
    %dma_start3A_476 = arith.constant 0 : i32
    %dma_start3A_477 = arith.constant 0 : i32
    %dma_start3A_478 = tpu.memref_slice %arg5[%dma_start3A_476, %dma_start3A_477] : memref<1000000x32xf32, #tpu.memory_space<hbm>> -> memref<1000000x32xf32, #tpu.memory_space<hbm>>
    tpu.enqueue_indirect_dma source(%dma_start3A_478 : memref<1000000x32xf32, #tpu.memory_space<hbm>>) target(%arg13 : memref<512x32xf32, #tpu.memory_space<vmem>>) offsets(%dma_start3A_475 : memref<512xi32, #tpu.memory_space<vmem>>) semaphore(%arg17 : memref<!tpu.dma_semaphore, #tpu.memory_space<semaphore_mem>>)
    %dma_wait3A_479 = arith.constant 11264 : i32
    %dma_wait3A_480 = tpu.memref_slice %arg9[%dma_wait3A_479] : memref<25600xi32, #tpu.memory_space<vmem>> -> memref<512xi32, #tpu.memory_space<vmem>>
    %dma_wait3A_481 = arith.constant 0 : i32
    %dma_wait3A_482 = arith.constant 0 : i32
    %dma_wait3A_483 = tpu.memref_slice %arg5[%dma_wait3A_481, %dma_wait3A_482] : memref<1000000x32xf32, #tpu.memory_space<hbm>> -> memref<1000000x32xf32, #tpu.memory_space<hbm>>
    tpu.wait_indirect_dma semaphore(%arg16 : memref<!tpu.dma_semaphore, #tpu.memory_space<semaphore_mem>>) src(%dma_wait3A_483 : memref<1000000x32xf32, #tpu.memory_space<hbm>>) dst(%arg12 : memref<512x32xf32, #tpu.memory_space<vmem>>)
    %add3A_484 = arith.constant 11264 : i32
    %add3A_485 = arith.addi %mul3A_4, %add3A_484 : i32
    %dma_start3A_486 = arith.constant 0 : i32
    %dma_start3A_487 = tpu.memref_slice %arg6[%add3A_485, %dma_start3A_486] : memref<819200x32xf32, #tpu.memory_space<hbm>> -> memref<512x32xf32, #tpu.memory_space<hbm>>
    %dma_start3A_488 = arith.constant 0 : i32
    %dma_start3A_489 = tpu.memref_slice %arg6[%add3A_485, %dma_start3A_488] : memref<819200x32xf32, #tpu.memory_space<hbm>> -> memref<512x32xf32, #tpu.memory_space<hbm>>
    tpu.enqueue_dma source(%arg12 : memref<512x32xf32, #tpu.memory_space<vmem>>) target(%dma_start3A_489 : memref<512x32xf32, #tpu.memory_space<hbm>>) target_semaphore(%arg18 : memref<!tpu.dma_semaphore, #tpu.memory_space<semaphore_mem>>)
    %dma_wait3A_490 = arith.constant 0 : i32
    %dma_wait3A_491 = tpu.memref_slice %arg6[%add3A_485, %dma_wait3A_490] : memref<819200x32xf32, #tpu.memory_space<hbm>> -> memref<512x32xf32, #tpu.memory_space<hbm>>
    %dma_wait3A_492 = arith.constant 0 : i32
    %dma_wait3A_493 = tpu.memref_slice %arg6[%add3A_485, %dma_wait3A_492] : memref<819200x32xf32, #tpu.memory_space<hbm>> -> memref<512x32xf32, #tpu.memory_space<hbm>>
    tpu.wait_dma2 semaphore(%arg18 : memref<!tpu.dma_semaphore, #tpu.memory_space<semaphore_mem>>) src(%arg12 : memref<512x32xf32, #tpu.memory_space<vmem>>) dst(%dma_wait3A_493 : memref<512x32xf32, #tpu.memory_space<hbm>>)
    %dma_start3A_494 = arith.constant 12288 : i32
    %dma_start3A_495 = tpu.memref_slice %arg9[%dma_start3A_494] : memref<25600xi32, #tpu.memory_space<vmem>> -> memref<512xi32, #tpu.memory_space<vmem>>
    %dma_start3A_496 = arith.constant 0 : i32
    %dma_start3A_497 = arith.constant 0 : i32
    %dma_start3A_498 = tpu.memref_slice %arg5[%dma_start3A_496, %dma_start3A_497] : memref<1000000x32xf32, #tpu.memory_space<hbm>> -> memref<1000000x32xf32, #tpu.memory_space<hbm>>
    tpu.enqueue_indirect_dma source(%dma_start3A_498 : memref<1000000x32xf32, #tpu.memory_space<hbm>>) target(%arg12 : memref<512x32xf32, #tpu.memory_space<vmem>>) offsets(%dma_start3A_495 : memref<512xi32, #tpu.memory_space<vmem>>) semaphore(%arg16 : memref<!tpu.dma_semaphore, #tpu.memory_space<semaphore_mem>>)
    %dma_wait3A_499 = arith.constant 11776 : i32
    %dma_wait3A_500 = tpu.memref_slice %arg9[%dma_wait3A_499] : memref<25600xi32, #tpu.memory_space<vmem>> -> memref<512xi32, #tpu.memory_space<vmem>>
    %dma_wait3A_501 = arith.constant 0 : i32
    %dma_wait3A_502 = arith.constant 0 : i32
    %dma_wait3A_503 = tpu.memref_slice %arg5[%dma_wait3A_501, %dma_wait3A_502] : memref<1000000x32xf32, #tpu.memory_space<hbm>> -> memref<1000000x32xf32, #tpu.memory_space<hbm>>
    tpu.wait_indirect_dma semaphore(%arg17 : memref<!tpu.dma_semaphore, #tpu.memory_space<semaphore_mem>>) src(%dma_wait3A_503 : memref<1000000x32xf32, #tpu.memory_space<hbm>>) dst(%arg13 : memref<512x32xf32, #tpu.memory_space<vmem>>)
    %add3A_504 = arith.constant 11776 : i32
    %add3A_505 = arith.addi %mul3A_4, %add3A_504 : i32
    %dma_start3A_506 = arith.constant 0 : i32
    %dma_start3A_507 = tpu.memref_slice %arg6[%add3A_505, %dma_start3A_506] : memref<819200x32xf32, #tpu.memory_space<hbm>> -> memref<512x32xf32, #tpu.memory_space<hbm>>
    %dma_start3A_508 = arith.constant 0 : i32
    %dma_start3A_509 = tpu.memref_slice %arg6[%add3A_505, %dma_start3A_508] : memref<819200x32xf32, #tpu.memory_space<hbm>> -> memref<512x32xf32, #tpu.memory_space<hbm>>
    tpu.enqueue_dma source(%arg13 : memref<512x32xf32, #tpu.memory_space<vmem>>) target(%dma_start3A_509 : memref<512x32xf32, #tpu.memory_space<hbm>>) target_semaphore(%arg19 : memref<!tpu.dma_semaphore, #tpu.memory_space<semaphore_mem>>)
    %dma_wait3A_510 = arith.constant 0 : i32
    %dma_wait3A_511 = tpu.memref_slice %arg6[%add3A_505, %dma_wait3A_510] : memref<819200x32xf32, #tpu.memory_space<hbm>> -> memref<512x32xf32, #tpu.memory_space<hbm>>
    %dma_wait3A_512 = arith.constant 0 : i32
    %dma_wait3A_513 = tpu.memref_slice %arg6[%add3A_505, %dma_wait3A_512] : memref<819200x32xf32, #tpu.memory_space<hbm>> -> memref<512x32xf32, #tpu.memory_space<hbm>>
    tpu.wait_dma2 semaphore(%arg19 : memref<!tpu.dma_semaphore, #tpu.memory_space<semaphore_mem>>) src(%arg13 : memref<512x32xf32, #tpu.memory_space<vmem>>) dst(%dma_wait3A_513 : memref<512x32xf32, #tpu.memory_space<hbm>>)
    %dma_start3A_514 = arith.constant 12800 : i32
    %dma_start3A_515 = tpu.memref_slice %arg9[%dma_start3A_514] : memref<25600xi32, #tpu.memory_space<vmem>> -> memref<512xi32, #tpu.memory_space<vmem>>
    %dma_start3A_516 = arith.constant 0 : i32
    %dma_start3A_517 = arith.constant 0 : i32
    %dma_start3A_518 = tpu.memref_slice %arg5[%dma_start3A_516, %dma_start3A_517] : memref<1000000x32xf32, #tpu.memory_space<hbm>> -> memref<1000000x32xf32, #tpu.memory_space<hbm>>
    tpu.enqueue_indirect_dma source(%dma_start3A_518 : memref<1000000x32xf32, #tpu.memory_space<hbm>>) target(%arg13 : memref<512x32xf32, #tpu.memory_space<vmem>>) offsets(%dma_start3A_515 : memref<512xi32, #tpu.memory_space<vmem>>) semaphore(%arg17 : memref<!tpu.dma_semaphore, #tpu.memory_space<semaphore_mem>>)
    %dma_wait3A_519 = arith.constant 12288 : i32
    %dma_wait3A_520 = tpu.memref_slice %arg9[%dma_wait3A_519] : memref<25600xi32, #tpu.memory_space<vmem>> -> memref<512xi32, #tpu.memory_space<vmem>>
    %dma_wait3A_521 = arith.constant 0 : i32
    %dma_wait3A_522 = arith.constant 0 : i32
    %dma_wait3A_523 = tpu.memref_slice %arg5[%dma_wait3A_521, %dma_wait3A_522] : memref<1000000x32xf32, #tpu.memory_space<hbm>> -> memref<1000000x32xf32, #tpu.memory_space<hbm>>
    tpu.wait_indirect_dma semaphore(%arg16 : memref<!tpu.dma_semaphore, #tpu.memory_space<semaphore_mem>>) src(%dma_wait3A_523 : memref<1000000x32xf32, #tpu.memory_space<hbm>>) dst(%arg12 : memref<512x32xf32, #tpu.memory_space<vmem>>)
    %add3A_524 = arith.constant 12288 : i32
    %add3A_525 = arith.addi %mul3A_4, %add3A_524 : i32
    %dma_start3A_526 = arith.constant 0 : i32
    %dma_start3A_527 = tpu.memref_slice %arg6[%add3A_525, %dma_start3A_526] : memref<819200x32xf32, #tpu.memory_space<hbm>> -> memref<512x32xf32, #tpu.memory_space<hbm>>
    %dma_start3A_528 = arith.constant 0 : i32
    %dma_start3A_529 = tpu.memref_slice %arg6[%add3A_525, %dma_start3A_528] : memref<819200x32xf32, #tpu.memory_space<hbm>> -> memref<512x32xf32, #tpu.memory_space<hbm>>
    tpu.enqueue_dma source(%arg12 : memref<512x32xf32, #tpu.memory_space<vmem>>) target(%dma_start3A_529 : memref<512x32xf32, #tpu.memory_space<hbm>>) target_semaphore(%arg18 : memref<!tpu.dma_semaphore, #tpu.memory_space<semaphore_mem>>)
    %dma_wait3A_530 = arith.constant 0 : i32
    %dma_wait3A_531 = tpu.memref_slice %arg6[%add3A_525, %dma_wait3A_530] : memref<819200x32xf32, #tpu.memory_space<hbm>> -> memref<512x32xf32, #tpu.memory_space<hbm>>
    %dma_wait3A_532 = arith.constant 0 : i32
    %dma_wait3A_533 = tpu.memref_slice %arg6[%add3A_525, %dma_wait3A_532] : memref<819200x32xf32, #tpu.memory_space<hbm>> -> memref<512x32xf32, #tpu.memory_space<hbm>>
    tpu.wait_dma2 semaphore(%arg18 : memref<!tpu.dma_semaphore, #tpu.memory_space<semaphore_mem>>) src(%arg12 : memref<512x32xf32, #tpu.memory_space<vmem>>) dst(%dma_wait3A_533 : memref<512x32xf32, #tpu.memory_space<hbm>>)
    %dma_start3A_534 = arith.constant 13312 : i32
    %dma_start3A_535 = tpu.memref_slice %arg9[%dma_start3A_534] : memref<25600xi32, #tpu.memory_space<vmem>> -> memref<512xi32, #tpu.memory_space<vmem>>
    %dma_start3A_536 = arith.constant 0 : i32
    %dma_start3A_537 = arith.constant 0 : i32
    %dma_start3A_538 = tpu.memref_slice %arg5[%dma_start3A_536, %dma_start3A_537] : memref<1000000x32xf32, #tpu.memory_space<hbm>> -> memref<1000000x32xf32, #tpu.memory_space<hbm>>
    tpu.enqueue_indirect_dma source(%dma_start3A_538 : memref<1000000x32xf32, #tpu.memory_space<hbm>>) target(%arg12 : memref<512x32xf32, #tpu.memory_space<vmem>>) offsets(%dma_start3A_535 : memref<512xi32, #tpu.memory_space<vmem>>) semaphore(%arg16 : memref<!tpu.dma_semaphore, #tpu.memory_space<semaphore_mem>>)
    %dma_wait3A_539 = arith.constant 12800 : i32
    %dma_wait3A_540 = tpu.memref_slice %arg9[%dma_wait3A_539] : memref<25600xi32, #tpu.memory_space<vmem>> -> memref<512xi32, #tpu.memory_space<vmem>>
    %dma_wait3A_541 = arith.constant 0 : i32
    %dma_wait3A_542 = arith.constant 0 : i32
    %dma_wait3A_543 = tpu.memref_slice %arg5[%dma_wait3A_541, %dma_wait3A_542] : memref<1000000x32xf32, #tpu.memory_space<hbm>> -> memref<1000000x32xf32, #tpu.memory_space<hbm>>
    tpu.wait_indirect_dma semaphore(%arg17 : memref<!tpu.dma_semaphore, #tpu.memory_space<semaphore_mem>>) src(%dma_wait3A_543 : memref<1000000x32xf32, #tpu.memory_space<hbm>>) dst(%arg13 : memref<512x32xf32, #tpu.memory_space<vmem>>)
    %add3A_544 = arith.constant 12800 : i32
    %add3A_545 = arith.addi %mul3A_4, %add3A_544 : i32
    %dma_start3A_546 = arith.constant 0 : i32
    %dma_start3A_547 = tpu.memref_slice %arg6[%add3A_545, %dma_start3A_546] : memref<819200x32xf32, #tpu.memory_space<hbm>> -> memref<512x32xf32, #tpu.memory_space<hbm>>
    %dma_start3A_548 = arith.constant 0 : i32
    %dma_start3A_549 = tpu.memref_slice %arg6[%add3A_545, %dma_start3A_548] : memref<819200x32xf32, #tpu.memory_space<hbm>> -> memref<512x32xf32, #tpu.memory_space<hbm>>
    tpu.enqueue_dma source(%arg13 : memref<512x32xf32, #tpu.memory_space<vmem>>) target(%dma_start3A_549 : memref<512x32xf32, #tpu.memory_space<hbm>>) target_semaphore(%arg19 : memref<!tpu.dma_semaphore, #tpu.memory_space<semaphore_mem>>)
    %dma_wait3A_550 = arith.constant 0 : i32
    %dma_wait3A_551 = tpu.memref_slice %arg6[%add3A_545, %dma_wait3A_550] : memref<819200x32xf32, #tpu.memory_space<hbm>> -> memref<512x32xf32, #tpu.memory_space<hbm>>
    %dma_wait3A_552 = arith.constant 0 : i32
    %dma_wait3A_553 = tpu.memref_slice %arg6[%add3A_545, %dma_wait3A_552] : memref<819200x32xf32, #tpu.memory_space<hbm>> -> memref<512x32xf32, #tpu.memory_space<hbm>>
    tpu.wait_dma2 semaphore(%arg19 : memref<!tpu.dma_semaphore, #tpu.memory_space<semaphore_mem>>) src(%arg13 : memref<512x32xf32, #tpu.memory_space<vmem>>) dst(%dma_wait3A_553 : memref<512x32xf32, #tpu.memory_space<hbm>>)
    %dma_start3A_554 = arith.constant 13824 : i32
    %dma_start3A_555 = tpu.memref_slice %arg9[%dma_start3A_554] : memref<25600xi32, #tpu.memory_space<vmem>> -> memref<512xi32, #tpu.memory_space<vmem>>
    %dma_start3A_556 = arith.constant 0 : i32
    %dma_start3A_557 = arith.constant 0 : i32
    %dma_start3A_558 = tpu.memref_slice %arg5[%dma_start3A_556, %dma_start3A_557] : memref<1000000x32xf32, #tpu.memory_space<hbm>> -> memref<1000000x32xf32, #tpu.memory_space<hbm>>
    tpu.enqueue_indirect_dma source(%dma_start3A_558 : memref<1000000x32xf32, #tpu.memory_space<hbm>>) target(%arg13 : memref<512x32xf32, #tpu.memory_space<vmem>>) offsets(%dma_start3A_555 : memref<512xi32, #tpu.memory_space<vmem>>) semaphore(%arg17 : memref<!tpu.dma_semaphore, #tpu.memory_space<semaphore_mem>>)
    %dma_wait3A_559 = arith.constant 13312 : i32
    %dma_wait3A_560 = tpu.memref_slice %arg9[%dma_wait3A_559] : memref<25600xi32, #tpu.memory_space<vmem>> -> memref<512xi32, #tpu.memory_space<vmem>>
    %dma_wait3A_561 = arith.constant 0 : i32
    %dma_wait3A_562 = arith.constant 0 : i32
    %dma_wait3A_563 = tpu.memref_slice %arg5[%dma_wait3A_561, %dma_wait3A_562] : memref<1000000x32xf32, #tpu.memory_space<hbm>> -> memref<1000000x32xf32, #tpu.memory_space<hbm>>
    tpu.wait_indirect_dma semaphore(%arg16 : memref<!tpu.dma_semaphore, #tpu.memory_space<semaphore_mem>>) src(%dma_wait3A_563 : memref<1000000x32xf32, #tpu.memory_space<hbm>>) dst(%arg12 : memref<512x32xf32, #tpu.memory_space<vmem>>)
    %add3A_564 = arith.constant 13312 : i32
    %add3A_565 = arith.addi %mul3A_4, %add3A_564 : i32
    %dma_start3A_566 = arith.constant 0 : i32
    %dma_start3A_567 = tpu.memref_slice %arg6[%add3A_565, %dma_start3A_566] : memref<819200x32xf32, #tpu.memory_space<hbm>> -> memref<512x32xf32, #tpu.memory_space<hbm>>
    %dma_start3A_568 = arith.constant 0 : i32
    %dma_start3A_569 = tpu.memref_slice %arg6[%add3A_565, %dma_start3A_568] : memref<819200x32xf32, #tpu.memory_space<hbm>> -> memref<512x32xf32, #tpu.memory_space<hbm>>
    tpu.enqueue_dma source(%arg12 : memref<512x32xf32, #tpu.memory_space<vmem>>) target(%dma_start3A_569 : memref<512x32xf32, #tpu.memory_space<hbm>>) target_semaphore(%arg18 : memref<!tpu.dma_semaphore, #tpu.memory_space<semaphore_mem>>)
    %dma_wait3A_570 = arith.constant 0 : i32
    %dma_wait3A_571 = tpu.memref_slice %arg6[%add3A_565, %dma_wait3A_570] : memref<819200x32xf32, #tpu.memory_space<hbm>> -> memref<512x32xf32, #tpu.memory_space<hbm>>
    %dma_wait3A_572 = arith.constant 0 : i32
    %dma_wait3A_573 = tpu.memref_slice %arg6[%add3A_565, %dma_wait3A_572] : memref<819200x32xf32, #tpu.memory_space<hbm>> -> memref<512x32xf32, #tpu.memory_space<hbm>>
    tpu.wait_dma2 semaphore(%arg18 : memref<!tpu.dma_semaphore, #tpu.memory_space<semaphore_mem>>) src(%arg12 : memref<512x32xf32, #tpu.memory_space<vmem>>) dst(%dma_wait3A_573 : memref<512x32xf32, #tpu.memory_space<hbm>>)
    %dma_start3A_574 = arith.constant 14336 : i32
    %dma_start3A_575 = tpu.memref_slice %arg9[%dma_start3A_574] : memref<25600xi32, #tpu.memory_space<vmem>> -> memref<512xi32, #tpu.memory_space<vmem>>
    %dma_start3A_576 = arith.constant 0 : i32
    %dma_start3A_577 = arith.constant 0 : i32
    %dma_start3A_578 = tpu.memref_slice %arg5[%dma_start3A_576, %dma_start3A_577] : memref<1000000x32xf32, #tpu.memory_space<hbm>> -> memref<1000000x32xf32, #tpu.memory_space<hbm>>
    tpu.enqueue_indirect_dma source(%dma_start3A_578 : memref<1000000x32xf32, #tpu.memory_space<hbm>>) target(%arg12 : memref<512x32xf32, #tpu.memory_space<vmem>>) offsets(%dma_start3A_575 : memref<512xi32, #tpu.memory_space<vmem>>) semaphore(%arg16 : memref<!tpu.dma_semaphore, #tpu.memory_space<semaphore_mem>>)
    %dma_wait3A_579 = arith.constant 13824 : i32
    %dma_wait3A_580 = tpu.memref_slice %arg9[%dma_wait3A_579] : memref<25600xi32, #tpu.memory_space<vmem>> -> memref<512xi32, #tpu.memory_space<vmem>>
    %dma_wait3A_581 = arith.constant 0 : i32
    %dma_wait3A_582 = arith.constant 0 : i32
    %dma_wait3A_583 = tpu.memref_slice %arg5[%dma_wait3A_581, %dma_wait3A_582] : memref<1000000x32xf32, #tpu.memory_space<hbm>> -> memref<1000000x32xf32, #tpu.memory_space<hbm>>
    tpu.wait_indirect_dma semaphore(%arg17 : memref<!tpu.dma_semaphore, #tpu.memory_space<semaphore_mem>>) src(%dma_wait3A_583 : memref<1000000x32xf32, #tpu.memory_space<hbm>>) dst(%arg13 : memref<512x32xf32, #tpu.memory_space<vmem>>)
    %add3A_584 = arith.constant 13824 : i32
    %add3A_585 = arith.addi %mul3A_4, %add3A_584 : i32
    %dma_start3A_586 = arith.constant 0 : i32
    %dma_start3A_587 = tpu.memref_slice %arg6[%add3A_585, %dma_start3A_586] : memref<819200x32xf32, #tpu.memory_space<hbm>> -> memref<512x32xf32, #tpu.memory_space<hbm>>
    %dma_start3A_588 = arith.constant 0 : i32
    %dma_start3A_589 = tpu.memref_slice %arg6[%add3A_585, %dma_start3A_588] : memref<819200x32xf32, #tpu.memory_space<hbm>> -> memref<512x32xf32, #tpu.memory_space<hbm>>
    tpu.enqueue_dma source(%arg13 : memref<512x32xf32, #tpu.memory_space<vmem>>) target(%dma_start3A_589 : memref<512x32xf32, #tpu.memory_space<hbm>>) target_semaphore(%arg19 : memref<!tpu.dma_semaphore, #tpu.memory_space<semaphore_mem>>)
    %dma_wait3A_590 = arith.constant 0 : i32
    %dma_wait3A_591 = tpu.memref_slice %arg6[%add3A_585, %dma_wait3A_590] : memref<819200x32xf32, #tpu.memory_space<hbm>> -> memref<512x32xf32, #tpu.memory_space<hbm>>
    %dma_wait3A_592 = arith.constant 0 : i32
    %dma_wait3A_593 = tpu.memref_slice %arg6[%add3A_585, %dma_wait3A_592] : memref<819200x32xf32, #tpu.memory_space<hbm>> -> memref<512x32xf32, #tpu.memory_space<hbm>>
    tpu.wait_dma2 semaphore(%arg19 : memref<!tpu.dma_semaphore, #tpu.memory_space<semaphore_mem>>) src(%arg13 : memref<512x32xf32, #tpu.memory_space<vmem>>) dst(%dma_wait3A_593 : memref<512x32xf32, #tpu.memory_space<hbm>>)
    %dma_start3A_594 = arith.constant 14848 : i32
    %dma_start3A_595 = tpu.memref_slice %arg9[%dma_start3A_594] : memref<25600xi32, #tpu.memory_space<vmem>> -> memref<512xi32, #tpu.memory_space<vmem>>
    %dma_start3A_596 = arith.constant 0 : i32
    %dma_start3A_597 = arith.constant 0 : i32
    %dma_start3A_598 = tpu.memref_slice %arg5[%dma_start3A_596, %dma_start3A_597] : memref<1000000x32xf32, #tpu.memory_space<hbm>> -> memref<1000000x32xf32, #tpu.memory_space<hbm>>
    tpu.enqueue_indirect_dma source(%dma_start3A_598 : memref<1000000x32xf32, #tpu.memory_space<hbm>>) target(%arg13 : memref<512x32xf32, #tpu.memory_space<vmem>>) offsets(%dma_start3A_595 : memref<512xi32, #tpu.memory_space<vmem>>) semaphore(%arg17 : memref<!tpu.dma_semaphore, #tpu.memory_space<semaphore_mem>>)
    %dma_wait3A_599 = arith.constant 14336 : i32
    %dma_wait3A_600 = tpu.memref_slice %arg9[%dma_wait3A_599] : memref<25600xi32, #tpu.memory_space<vmem>> -> memref<512xi32, #tpu.memory_space<vmem>>
    %dma_wait3A_601 = arith.constant 0 : i32
    %dma_wait3A_602 = arith.constant 0 : i32
    %dma_wait3A_603 = tpu.memref_slice %arg5[%dma_wait3A_601, %dma_wait3A_602] : memref<1000000x32xf32, #tpu.memory_space<hbm>> -> memref<1000000x32xf32, #tpu.memory_space<hbm>>
    tpu.wait_indirect_dma semaphore(%arg16 : memref<!tpu.dma_semaphore, #tpu.memory_space<semaphore_mem>>) src(%dma_wait3A_603 : memref<1000000x32xf32, #tpu.memory_space<hbm>>) dst(%arg12 : memref<512x32xf32, #tpu.memory_space<vmem>>)
    %add3A_604 = arith.constant 14336 : i32
    %add3A_605 = arith.addi %mul3A_4, %add3A_604 : i32
    %dma_start3A_606 = arith.constant 0 : i32
    %dma_start3A_607 = tpu.memref_slice %arg6[%add3A_605, %dma_start3A_606] : memref<819200x32xf32, #tpu.memory_space<hbm>> -> memref<512x32xf32, #tpu.memory_space<hbm>>
    %dma_start3A_608 = arith.constant 0 : i32
    %dma_start3A_609 = tpu.memref_slice %arg6[%add3A_605, %dma_start3A_608] : memref<819200x32xf32, #tpu.memory_space<hbm>> -> memref<512x32xf32, #tpu.memory_space<hbm>>
    tpu.enqueue_dma source(%arg12 : memref<512x32xf32, #tpu.memory_space<vmem>>) target(%dma_start3A_609 : memref<512x32xf32, #tpu.memory_space<hbm>>) target_semaphore(%arg18 : memref<!tpu.dma_semaphore, #tpu.memory_space<semaphore_mem>>)
    %dma_wait3A_610 = arith.constant 0 : i32
    %dma_wait3A_611 = tpu.memref_slice %arg6[%add3A_605, %dma_wait3A_610] : memref<819200x32xf32, #tpu.memory_space<hbm>> -> memref<512x32xf32, #tpu.memory_space<hbm>>
    %dma_wait3A_612 = arith.constant 0 : i32
    %dma_wait3A_613 = tpu.memref_slice %arg6[%add3A_605, %dma_wait3A_612] : memref<819200x32xf32, #tpu.memory_space<hbm>> -> memref<512x32xf32, #tpu.memory_space<hbm>>
    tpu.wait_dma2 semaphore(%arg18 : memref<!tpu.dma_semaphore, #tpu.memory_space<semaphore_mem>>) src(%arg12 : memref<512x32xf32, #tpu.memory_space<vmem>>) dst(%dma_wait3A_613 : memref<512x32xf32, #tpu.memory_space<hbm>>)
    %dma_start3A_614 = arith.constant 15360 : i32
    %dma_start3A_615 = tpu.memref_slice %arg9[%dma_start3A_614] : memref<25600xi32, #tpu.memory_space<vmem>> -> memref<512xi32, #tpu.memory_space<vmem>>
    %dma_start3A_616 = arith.constant 0 : i32
    %dma_start3A_617 = arith.constant 0 : i32
    %dma_start3A_618 = tpu.memref_slice %arg5[%dma_start3A_616, %dma_start3A_617] : memref<1000000x32xf32, #tpu.memory_space<hbm>> -> memref<1000000x32xf32, #tpu.memory_space<hbm>>
    tpu.enqueue_indirect_dma source(%dma_start3A_618 : memref<1000000x32xf32, #tpu.memory_space<hbm>>) target(%arg12 : memref<512x32xf32, #tpu.memory_space<vmem>>) offsets(%dma_start3A_615 : memref<512xi32, #tpu.memory_space<vmem>>) semaphore(%arg16 : memref<!tpu.dma_semaphore, #tpu.memory_space<semaphore_mem>>)
    %dma_wait3A_619 = arith.constant 14848 : i32
    %dma_wait3A_620 = tpu.memref_slice %arg9[%dma_wait3A_619] : memref<25600xi32, #tpu.memory_space<vmem>> -> memref<512xi32, #tpu.memory_space<vmem>>
    %dma_wait3A_621 = arith.constant 0 : i32
    %dma_wait3A_622 = arith.constant 0 : i32
    %dma_wait3A_623 = tpu.memref_slice %arg5[%dma_wait3A_621, %dma_wait3A_622] : memref<1000000x32xf32, #tpu.memory_space<hbm>> -> memref<1000000x32xf32, #tpu.memory_space<hbm>>
    tpu.wait_indirect_dma semaphore(%arg17 : memref<!tpu.dma_semaphore, #tpu.memory_space<semaphore_mem>>) src(%dma_wait3A_623 : memref<1000000x32xf32, #tpu.memory_space<hbm>>) dst(%arg13 : memref<512x32xf32, #tpu.memory_space<vmem>>)
    %add3A_624 = arith.constant 14848 : i32
    %add3A_625 = arith.addi %mul3A_4, %add3A_624 : i32
    %dma_start3A_626 = arith.constant 0 : i32
    %dma_start3A_627 = tpu.memref_slice %arg6[%add3A_625, %dma_start3A_626] : memref<819200x32xf32, #tpu.memory_space<hbm>> -> memref<512x32xf32, #tpu.memory_space<hbm>>
    %dma_start3A_628 = arith.constant 0 : i32
    %dma_start3A_629 = tpu.memref_slice %arg6[%add3A_625, %dma_start3A_628] : memref<819200x32xf32, #tpu.memory_space<hbm>> -> memref<512x32xf32, #tpu.memory_space<hbm>>
    tpu.enqueue_dma source(%arg13 : memref<512x32xf32, #tpu.memory_space<vmem>>) target(%dma_start3A_629 : memref<512x32xf32, #tpu.memory_space<hbm>>) target_semaphore(%arg19 : memref<!tpu.dma_semaphore, #tpu.memory_space<semaphore_mem>>)
    %dma_wait3A_630 = arith.constant 0 : i32
    %dma_wait3A_631 = tpu.memref_slice %arg6[%add3A_625, %dma_wait3A_630] : memref<819200x32xf32, #tpu.memory_space<hbm>> -> memref<512x32xf32, #tpu.memory_space<hbm>>
    %dma_wait3A_632 = arith.constant 0 : i32
    %dma_wait3A_633 = tpu.memref_slice %arg6[%add3A_625, %dma_wait3A_632] : memref<819200x32xf32, #tpu.memory_space<hbm>> -> memref<512x32xf32, #tpu.memory_space<hbm>>
    tpu.wait_dma2 semaphore(%arg19 : memref<!tpu.dma_semaphore, #tpu.memory_space<semaphore_mem>>) src(%arg13 : memref<512x32xf32, #tpu.memory_space<vmem>>) dst(%dma_wait3A_633 : memref<512x32xf32, #tpu.memory_space<hbm>>)
    %dma_start3A_634 = arith.constant 15872 : i32
    %dma_start3A_635 = tpu.memref_slice %arg9[%dma_start3A_634] : memref<25600xi32, #tpu.memory_space<vmem>> -> memref<512xi32, #tpu.memory_space<vmem>>
    %dma_start3A_636 = arith.constant 0 : i32
    %dma_start3A_637 = arith.constant 0 : i32
    %dma_start3A_638 = tpu.memref_slice %arg5[%dma_start3A_636, %dma_start3A_637] : memref<1000000x32xf32, #tpu.memory_space<hbm>> -> memref<1000000x32xf32, #tpu.memory_space<hbm>>
    tpu.enqueue_indirect_dma source(%dma_start3A_638 : memref<1000000x32xf32, #tpu.memory_space<hbm>>) target(%arg13 : memref<512x32xf32, #tpu.memory_space<vmem>>) offsets(%dma_start3A_635 : memref<512xi32, #tpu.memory_space<vmem>>) semaphore(%arg17 : memref<!tpu.dma_semaphore, #tpu.memory_space<semaphore_mem>>)
    %dma_wait3A_639 = arith.constant 15360 : i32
    %dma_wait3A_640 = tpu.memref_slice %arg9[%dma_wait3A_639] : memref<25600xi32, #tpu.memory_space<vmem>> -> memref<512xi32, #tpu.memory_space<vmem>>
    %dma_wait3A_641 = arith.constant 0 : i32
    %dma_wait3A_642 = arith.constant 0 : i32
    %dma_wait3A_643 = tpu.memref_slice %arg5[%dma_wait3A_641, %dma_wait3A_642] : memref<1000000x32xf32, #tpu.memory_space<hbm>> -> memref<1000000x32xf32, #tpu.memory_space<hbm>>
    tpu.wait_indirect_dma semaphore(%arg16 : memref<!tpu.dma_semaphore, #tpu.memory_space<semaphore_mem>>) src(%dma_wait3A_643 : memref<1000000x32xf32, #tpu.memory_space<hbm>>) dst(%arg12 : memref<512x32xf32, #tpu.memory_space<vmem>>)
    %add3A_644 = arith.constant 15360 : i32
    %add3A_645 = arith.addi %mul3A_4, %add3A_644 : i32
    %dma_start3A_646 = arith.constant 0 : i32
    %dma_start3A_647 = tpu.memref_slice %arg6[%add3A_645, %dma_start3A_646] : memref<819200x32xf32, #tpu.memory_space<hbm>> -> memref<512x32xf32, #tpu.memory_space<hbm>>
    %dma_start3A_648 = arith.constant 0 : i32
    %dma_start3A_649 = tpu.memref_slice %arg6[%add3A_645, %dma_start3A_648] : memref<819200x32xf32, #tpu.memory_space<hbm>> -> memref<512x32xf32, #tpu.memory_space<hbm>>
    tpu.enqueue_dma source(%arg12 : memref<512x32xf32, #tpu.memory_space<vmem>>) target(%dma_start3A_649 : memref<512x32xf32, #tpu.memory_space<hbm>>) target_semaphore(%arg18 : memref<!tpu.dma_semaphore, #tpu.memory_space<semaphore_mem>>)
    %dma_wait3A_650 = arith.constant 0 : i32
    %dma_wait3A_651 = tpu.memref_slice %arg6[%add3A_645, %dma_wait3A_650] : memref<819200x32xf32, #tpu.memory_space<hbm>> -> memref<512x32xf32, #tpu.memory_space<hbm>>
    %dma_wait3A_652 = arith.constant 0 : i32
    %dma_wait3A_653 = tpu.memref_slice %arg6[%add3A_645, %dma_wait3A_652] : memref<819200x32xf32, #tpu.memory_space<hbm>> -> memref<512x32xf32, #tpu.memory_space<hbm>>
    tpu.wait_dma2 semaphore(%arg18 : memref<!tpu.dma_semaphore, #tpu.memory_space<semaphore_mem>>) src(%arg12 : memref<512x32xf32, #tpu.memory_space<vmem>>) dst(%dma_wait3A_653 : memref<512x32xf32, #tpu.memory_space<hbm>>)
    %dma_start3A_654 = arith.constant 16384 : i32
    %dma_start3A_655 = tpu.memref_slice %arg9[%dma_start3A_654] : memref<25600xi32, #tpu.memory_space<vmem>> -> memref<512xi32, #tpu.memory_space<vmem>>
    %dma_start3A_656 = arith.constant 0 : i32
    %dma_start3A_657 = arith.constant 0 : i32
    %dma_start3A_658 = tpu.memref_slice %arg5[%dma_start3A_656, %dma_start3A_657] : memref<1000000x32xf32, #tpu.memory_space<hbm>> -> memref<1000000x32xf32, #tpu.memory_space<hbm>>
    tpu.enqueue_indirect_dma source(%dma_start3A_658 : memref<1000000x32xf32, #tpu.memory_space<hbm>>) target(%arg12 : memref<512x32xf32, #tpu.memory_space<vmem>>) offsets(%dma_start3A_655 : memref<512xi32, #tpu.memory_space<vmem>>) semaphore(%arg16 : memref<!tpu.dma_semaphore, #tpu.memory_space<semaphore_mem>>)
    %dma_wait3A_659 = arith.constant 15872 : i32
    %dma_wait3A_660 = tpu.memref_slice %arg9[%dma_wait3A_659] : memref<25600xi32, #tpu.memory_space<vmem>> -> memref<512xi32, #tpu.memory_space<vmem>>
    %dma_wait3A_661 = arith.constant 0 : i32
    %dma_wait3A_662 = arith.constant 0 : i32
    %dma_wait3A_663 = tpu.memref_slice %arg5[%dma_wait3A_661, %dma_wait3A_662] : memref<1000000x32xf32, #tpu.memory_space<hbm>> -> memref<1000000x32xf32, #tpu.memory_space<hbm>>
    tpu.wait_indirect_dma semaphore(%arg17 : memref<!tpu.dma_semaphore, #tpu.memory_space<semaphore_mem>>) src(%dma_wait3A_663 : memref<1000000x32xf32, #tpu.memory_space<hbm>>) dst(%arg13 : memref<512x32xf32, #tpu.memory_space<vmem>>)
    %add3A_664 = arith.constant 15872 : i32
    %add3A_665 = arith.addi %mul3A_4, %add3A_664 : i32
    %dma_start3A_666 = arith.constant 0 : i32
    %dma_start3A_667 = tpu.memref_slice %arg6[%add3A_665, %dma_start3A_666] : memref<819200x32xf32, #tpu.memory_space<hbm>> -> memref<512x32xf32, #tpu.memory_space<hbm>>
    %dma_start3A_668 = arith.constant 0 : i32
    %dma_start3A_669 = tpu.memref_slice %arg6[%add3A_665, %dma_start3A_668] : memref<819200x32xf32, #tpu.memory_space<hbm>> -> memref<512x32xf32, #tpu.memory_space<hbm>>
    tpu.enqueue_dma source(%arg13 : memref<512x32xf32, #tpu.memory_space<vmem>>) target(%dma_start3A_669 : memref<512x32xf32, #tpu.memory_space<hbm>>) target_semaphore(%arg19 : memref<!tpu.dma_semaphore, #tpu.memory_space<semaphore_mem>>)
    %dma_wait3A_670 = arith.constant 0 : i32
    %dma_wait3A_671 = tpu.memref_slice %arg6[%add3A_665, %dma_wait3A_670] : memref<819200x32xf32, #tpu.memory_space<hbm>> -> memref<512x32xf32, #tpu.memory_space<hbm>>
    %dma_wait3A_672 = arith.constant 0 : i32
    %dma_wait3A_673 = tpu.memref_slice %arg6[%add3A_665, %dma_wait3A_672] : memref<819200x32xf32, #tpu.memory_space<hbm>> -> memref<512x32xf32, #tpu.memory_space<hbm>>
    tpu.wait_dma2 semaphore(%arg19 : memref<!tpu.dma_semaphore, #tpu.memory_space<semaphore_mem>>) src(%arg13 : memref<512x32xf32, #tpu.memory_space<vmem>>) dst(%dma_wait3A_673 : memref<512x32xf32, #tpu.memory_space<hbm>>)
    %dma_start3A_674 = arith.constant 16896 : i32
    %dma_start3A_675 = tpu.memref_slice %arg9[%dma_start3A_674] : memref<25600xi32, #tpu.memory_space<vmem>> -> memref<512xi32, #tpu.memory_space<vmem>>
    %dma_start3A_676 = arith.constant 0 : i32
    %dma_start3A_677 = arith.constant 0 : i32
    %dma_start3A_678 = tpu.memref_slice %arg5[%dma_start3A_676, %dma_start3A_677] : memref<1000000x32xf32, #tpu.memory_space<hbm>> -> memref<1000000x32xf32, #tpu.memory_space<hbm>>
    tpu.enqueue_indirect_dma source(%dma_start3A_678 : memref<1000000x32xf32, #tpu.memory_space<hbm>>) target(%arg13 : memref<512x32xf32, #tpu.memory_space<vmem>>) offsets(%dma_start3A_675 : memref<512xi32, #tpu.memory_space<vmem>>) semaphore(%arg17 : memref<!tpu.dma_semaphore, #tpu.memory_space<semaphore_mem>>)
    %dma_wait3A_679 = arith.constant 16384 : i32
    %dma_wait3A_680 = tpu.memref_slice %arg9[%dma_wait3A_679] : memref<25600xi32, #tpu.memory_space<vmem>> -> memref<512xi32, #tpu.memory_space<vmem>>
    %dma_wait3A_681 = arith.constant 0 : i32
    %dma_wait3A_682 = arith.constant 0 : i32
    %dma_wait3A_683 = tpu.memref_slice %arg5[%dma_wait3A_681, %dma_wait3A_682] : memref<1000000x32xf32, #tpu.memory_space<hbm>> -> memref<1000000x32xf32, #tpu.memory_space<hbm>>
    tpu.wait_indirect_dma semaphore(%arg16 : memref<!tpu.dma_semaphore, #tpu.memory_space<semaphore_mem>>) src(%dma_wait3A_683 : memref<1000000x32xf32, #tpu.memory_space<hbm>>) dst(%arg12 : memref<512x32xf32, #tpu.memory_space<vmem>>)
    %add3A_684 = arith.constant 16384 : i32
    %add3A_685 = arith.addi %mul3A_4, %add3A_684 : i32
    %dma_start3A_686 = arith.constant 0 : i32
    %dma_start3A_687 = tpu.memref_slice %arg6[%add3A_685, %dma_start3A_686] : memref<819200x32xf32, #tpu.memory_space<hbm>> -> memref<512x32xf32, #tpu.memory_space<hbm>>
    %dma_start3A_688 = arith.constant 0 : i32
    %dma_start3A_689 = tpu.memref_slice %arg6[%add3A_685, %dma_start3A_688] : memref<819200x32xf32, #tpu.memory_space<hbm>> -> memref<512x32xf32, #tpu.memory_space<hbm>>
    tpu.enqueue_dma source(%arg12 : memref<512x32xf32, #tpu.memory_space<vmem>>) target(%dma_start3A_689 : memref<512x32xf32, #tpu.memory_space<hbm>>) target_semaphore(%arg18 : memref<!tpu.dma_semaphore, #tpu.memory_space<semaphore_mem>>)
    %dma_wait3A_690 = arith.constant 0 : i32
    %dma_wait3A_691 = tpu.memref_slice %arg6[%add3A_685, %dma_wait3A_690] : memref<819200x32xf32, #tpu.memory_space<hbm>> -> memref<512x32xf32, #tpu.memory_space<hbm>>
    %dma_wait3A_692 = arith.constant 0 : i32
    %dma_wait3A_693 = tpu.memref_slice %arg6[%add3A_685, %dma_wait3A_692] : memref<819200x32xf32, #tpu.memory_space<hbm>> -> memref<512x32xf32, #tpu.memory_space<hbm>>
    tpu.wait_dma2 semaphore(%arg18 : memref<!tpu.dma_semaphore, #tpu.memory_space<semaphore_mem>>) src(%arg12 : memref<512x32xf32, #tpu.memory_space<vmem>>) dst(%dma_wait3A_693 : memref<512x32xf32, #tpu.memory_space<hbm>>)
    %dma_start3A_694 = arith.constant 17408 : i32
    %dma_start3A_695 = tpu.memref_slice %arg9[%dma_start3A_694] : memref<25600xi32, #tpu.memory_space<vmem>> -> memref<512xi32, #tpu.memory_space<vmem>>
    %dma_start3A_696 = arith.constant 0 : i32
    %dma_start3A_697 = arith.constant 0 : i32
    %dma_start3A_698 = tpu.memref_slice %arg5[%dma_start3A_696, %dma_start3A_697] : memref<1000000x32xf32, #tpu.memory_space<hbm>> -> memref<1000000x32xf32, #tpu.memory_space<hbm>>
    tpu.enqueue_indirect_dma source(%dma_start3A_698 : memref<1000000x32xf32, #tpu.memory_space<hbm>>) target(%arg12 : memref<512x32xf32, #tpu.memory_space<vmem>>) offsets(%dma_start3A_695 : memref<512xi32, #tpu.memory_space<vmem>>) semaphore(%arg16 : memref<!tpu.dma_semaphore, #tpu.memory_space<semaphore_mem>>)
    %dma_wait3A_699 = arith.constant 16896 : i32
    %dma_wait3A_700 = tpu.memref_slice %arg9[%dma_wait3A_699] : memref<25600xi32, #tpu.memory_space<vmem>> -> memref<512xi32, #tpu.memory_space<vmem>>
    %dma_wait3A_701 = arith.constant 0 : i32
    %dma_wait3A_702 = arith.constant 0 : i32
    %dma_wait3A_703 = tpu.memref_slice %arg5[%dma_wait3A_701, %dma_wait3A_702] : memref<1000000x32xf32, #tpu.memory_space<hbm>> -> memref<1000000x32xf32, #tpu.memory_space<hbm>>
    tpu.wait_indirect_dma semaphore(%arg17 : memref<!tpu.dma_semaphore, #tpu.memory_space<semaphore_mem>>) src(%dma_wait3A_703 : memref<1000000x32xf32, #tpu.memory_space<hbm>>) dst(%arg13 : memref<512x32xf32, #tpu.memory_space<vmem>>)
    %add3A_704 = arith.constant 16896 : i32
    %add3A_705 = arith.addi %mul3A_4, %add3A_704 : i32
    %dma_start3A_706 = arith.constant 0 : i32
    %dma_start3A_707 = tpu.memref_slice %arg6[%add3A_705, %dma_start3A_706] : memref<819200x32xf32, #tpu.memory_space<hbm>> -> memref<512x32xf32, #tpu.memory_space<hbm>>
    %dma_start3A_708 = arith.constant 0 : i32
    %dma_start3A_709 = tpu.memref_slice %arg6[%add3A_705, %dma_start3A_708] : memref<819200x32xf32, #tpu.memory_space<hbm>> -> memref<512x32xf32, #tpu.memory_space<hbm>>
    tpu.enqueue_dma source(%arg13 : memref<512x32xf32, #tpu.memory_space<vmem>>) target(%dma_start3A_709 : memref<512x32xf32, #tpu.memory_space<hbm>>) target_semaphore(%arg19 : memref<!tpu.dma_semaphore, #tpu.memory_space<semaphore_mem>>)
    %dma_wait3A_710 = arith.constant 0 : i32
    %dma_wait3A_711 = tpu.memref_slice %arg6[%add3A_705, %dma_wait3A_710] : memref<819200x32xf32, #tpu.memory_space<hbm>> -> memref<512x32xf32, #tpu.memory_space<hbm>>
    %dma_wait3A_712 = arith.constant 0 : i32
    %dma_wait3A_713 = tpu.memref_slice %arg6[%add3A_705, %dma_wait3A_712] : memref<819200x32xf32, #tpu.memory_space<hbm>> -> memref<512x32xf32, #tpu.memory_space<hbm>>
    tpu.wait_dma2 semaphore(%arg19 : memref<!tpu.dma_semaphore, #tpu.memory_space<semaphore_mem>>) src(%arg13 : memref<512x32xf32, #tpu.memory_space<vmem>>) dst(%dma_wait3A_713 : memref<512x32xf32, #tpu.memory_space<hbm>>)
    %dma_start3A_714 = arith.constant 17920 : i32
    %dma_start3A_715 = tpu.memref_slice %arg9[%dma_start3A_714] : memref<25600xi32, #tpu.memory_space<vmem>> -> memref<512xi32, #tpu.memory_space<vmem>>
    %dma_start3A_716 = arith.constant 0 : i32
    %dma_start3A_717 = arith.constant 0 : i32
    %dma_start3A_718 = tpu.memref_slice %arg5[%dma_start3A_716, %dma_start3A_717] : memref<1000000x32xf32, #tpu.memory_space<hbm>> -> memref<1000000x32xf32, #tpu.memory_space<hbm>>
    tpu.enqueue_indirect_dma source(%dma_start3A_718 : memref<1000000x32xf32, #tpu.memory_space<hbm>>) target(%arg13 : memref<512x32xf32, #tpu.memory_space<vmem>>) offsets(%dma_start3A_715 : memref<512xi32, #tpu.memory_space<vmem>>) semaphore(%arg17 : memref<!tpu.dma_semaphore, #tpu.memory_space<semaphore_mem>>)
    %dma_wait3A_719 = arith.constant 17408 : i32
    %dma_wait3A_720 = tpu.memref_slice %arg9[%dma_wait3A_719] : memref<25600xi32, #tpu.memory_space<vmem>> -> memref<512xi32, #tpu.memory_space<vmem>>
    %dma_wait3A_721 = arith.constant 0 : i32
    %dma_wait3A_722 = arith.constant 0 : i32
    %dma_wait3A_723 = tpu.memref_slice %arg5[%dma_wait3A_721, %dma_wait3A_722] : memref<1000000x32xf32, #tpu.memory_space<hbm>> -> memref<1000000x32xf32, #tpu.memory_space<hbm>>
    tpu.wait_indirect_dma semaphore(%arg16 : memref<!tpu.dma_semaphore, #tpu.memory_space<semaphore_mem>>) src(%dma_wait3A_723 : memref<1000000x32xf32, #tpu.memory_space<hbm>>) dst(%arg12 : memref<512x32xf32, #tpu.memory_space<vmem>>)
    %add3A_724 = arith.constant 17408 : i32
    %add3A_725 = arith.addi %mul3A_4, %add3A_724 : i32
    %dma_start3A_726 = arith.constant 0 : i32
    %dma_start3A_727 = tpu.memref_slice %arg6[%add3A_725, %dma_start3A_726] : memref<819200x32xf32, #tpu.memory_space<hbm>> -> memref<512x32xf32, #tpu.memory_space<hbm>>
    %dma_start3A_728 = arith.constant 0 : i32
    %dma_start3A_729 = tpu.memref_slice %arg6[%add3A_725, %dma_start3A_728] : memref<819200x32xf32, #tpu.memory_space<hbm>> -> memref<512x32xf32, #tpu.memory_space<hbm>>
    tpu.enqueue_dma source(%arg12 : memref<512x32xf32, #tpu.memory_space<vmem>>) target(%dma_start3A_729 : memref<512x32xf32, #tpu.memory_space<hbm>>) target_semaphore(%arg18 : memref<!tpu.dma_semaphore, #tpu.memory_space<semaphore_mem>>)
    %dma_wait3A_730 = arith.constant 0 : i32
    %dma_wait3A_731 = tpu.memref_slice %arg6[%add3A_725, %dma_wait3A_730] : memref<819200x32xf32, #tpu.memory_space<hbm>> -> memref<512x32xf32, #tpu.memory_space<hbm>>
    %dma_wait3A_732 = arith.constant 0 : i32
    %dma_wait3A_733 = tpu.memref_slice %arg6[%add3A_725, %dma_wait3A_732] : memref<819200x32xf32, #tpu.memory_space<hbm>> -> memref<512x32xf32, #tpu.memory_space<hbm>>
    tpu.wait_dma2 semaphore(%arg18 : memref<!tpu.dma_semaphore, #tpu.memory_space<semaphore_mem>>) src(%arg12 : memref<512x32xf32, #tpu.memory_space<vmem>>) dst(%dma_wait3A_733 : memref<512x32xf32, #tpu.memory_space<hbm>>)
    %dma_start3A_734 = arith.constant 18432 : i32
    %dma_start3A_735 = tpu.memref_slice %arg9[%dma_start3A_734] : memref<25600xi32, #tpu.memory_space<vmem>> -> memref<512xi32, #tpu.memory_space<vmem>>
    %dma_start3A_736 = arith.constant 0 : i32
    %dma_start3A_737 = arith.constant 0 : i32
    %dma_start3A_738 = tpu.memref_slice %arg5[%dma_start3A_736, %dma_start3A_737] : memref<1000000x32xf32, #tpu.memory_space<hbm>> -> memref<1000000x32xf32, #tpu.memory_space<hbm>>
    tpu.enqueue_indirect_dma source(%dma_start3A_738 : memref<1000000x32xf32, #tpu.memory_space<hbm>>) target(%arg12 : memref<512x32xf32, #tpu.memory_space<vmem>>) offsets(%dma_start3A_735 : memref<512xi32, #tpu.memory_space<vmem>>) semaphore(%arg16 : memref<!tpu.dma_semaphore, #tpu.memory_space<semaphore_mem>>)
    %dma_wait3A_739 = arith.constant 17920 : i32
    %dma_wait3A_740 = tpu.memref_slice %arg9[%dma_wait3A_739] : memref<25600xi32, #tpu.memory_space<vmem>> -> memref<512xi32, #tpu.memory_space<vmem>>
    %dma_wait3A_741 = arith.constant 0 : i32
    %dma_wait3A_742 = arith.constant 0 : i32
    %dma_wait3A_743 = tpu.memref_slice %arg5[%dma_wait3A_741, %dma_wait3A_742] : memref<1000000x32xf32, #tpu.memory_space<hbm>> -> memref<1000000x32xf32, #tpu.memory_space<hbm>>
    tpu.wait_indirect_dma semaphore(%arg17 : memref<!tpu.dma_semaphore, #tpu.memory_space<semaphore_mem>>) src(%dma_wait3A_743 : memref<1000000x32xf32, #tpu.memory_space<hbm>>) dst(%arg13 : memref<512x32xf32, #tpu.memory_space<vmem>>)
    %add3A_744 = arith.constant 17920 : i32
    %add3A_745 = arith.addi %mul3A_4, %add3A_744 : i32
    %dma_start3A_746 = arith.constant 0 : i32
    %dma_start3A_747 = tpu.memref_slice %arg6[%add3A_745, %dma_start3A_746] : memref<819200x32xf32, #tpu.memory_space<hbm>> -> memref<512x32xf32, #tpu.memory_space<hbm>>
    %dma_start3A_748 = arith.constant 0 : i32
    %dma_start3A_749 = tpu.memref_slice %arg6[%add3A_745, %dma_start3A_748] : memref<819200x32xf32, #tpu.memory_space<hbm>> -> memref<512x32xf32, #tpu.memory_space<hbm>>
    tpu.enqueue_dma source(%arg13 : memref<512x32xf32, #tpu.memory_space<vmem>>) target(%dma_start3A_749 : memref<512x32xf32, #tpu.memory_space<hbm>>) target_semaphore(%arg19 : memref<!tpu.dma_semaphore, #tpu.memory_space<semaphore_mem>>)
    %dma_wait3A_750 = arith.constant 0 : i32
    %dma_wait3A_751 = tpu.memref_slice %arg6[%add3A_745, %dma_wait3A_750] : memref<819200x32xf32, #tpu.memory_space<hbm>> -> memref<512x32xf32, #tpu.memory_space<hbm>>
    %dma_wait3A_752 = arith.constant 0 : i32
    %dma_wait3A_753 = tpu.memref_slice %arg6[%add3A_745, %dma_wait3A_752] : memref<819200x32xf32, #tpu.memory_space<hbm>> -> memref<512x32xf32, #tpu.memory_space<hbm>>
    tpu.wait_dma2 semaphore(%arg19 : memref<!tpu.dma_semaphore, #tpu.memory_space<semaphore_mem>>) src(%arg13 : memref<512x32xf32, #tpu.memory_space<vmem>>) dst(%dma_wait3A_753 : memref<512x32xf32, #tpu.memory_space<hbm>>)
    %dma_start3A_754 = arith.constant 18944 : i32
    %dma_start3A_755 = tpu.memref_slice %arg9[%dma_start3A_754] : memref<25600xi32, #tpu.memory_space<vmem>> -> memref<512xi32, #tpu.memory_space<vmem>>
    %dma_start3A_756 = arith.constant 0 : i32
    %dma_start3A_757 = arith.constant 0 : i32
    %dma_start3A_758 = tpu.memref_slice %arg5[%dma_start3A_756, %dma_start3A_757] : memref<1000000x32xf32, #tpu.memory_space<hbm>> -> memref<1000000x32xf32, #tpu.memory_space<hbm>>
    tpu.enqueue_indirect_dma source(%dma_start3A_758 : memref<1000000x32xf32, #tpu.memory_space<hbm>>) target(%arg13 : memref<512x32xf32, #tpu.memory_space<vmem>>) offsets(%dma_start3A_755 : memref<512xi32, #tpu.memory_space<vmem>>) semaphore(%arg17 : memref<!tpu.dma_semaphore, #tpu.memory_space<semaphore_mem>>)
    %dma_wait3A_759 = arith.constant 18432 : i32
    %dma_wait3A_760 = tpu.memref_slice %arg9[%dma_wait3A_759] : memref<25600xi32, #tpu.memory_space<vmem>> -> memref<512xi32, #tpu.memory_space<vmem>>
    %dma_wait3A_761 = arith.constant 0 : i32
    %dma_wait3A_762 = arith.constant 0 : i32
    %dma_wait3A_763 = tpu.memref_slice %arg5[%dma_wait3A_761, %dma_wait3A_762] : memref<1000000x32xf32, #tpu.memory_space<hbm>> -> memref<1000000x32xf32, #tpu.memory_space<hbm>>
    tpu.wait_indirect_dma semaphore(%arg16 : memref<!tpu.dma_semaphore, #tpu.memory_space<semaphore_mem>>) src(%dma_wait3A_763 : memref<1000000x32xf32, #tpu.memory_space<hbm>>) dst(%arg12 : memref<512x32xf32, #tpu.memory_space<vmem>>)
    %add3A_764 = arith.constant 18432 : i32
    %add3A_765 = arith.addi %mul3A_4, %add3A_764 : i32
    %dma_start3A_766 = arith.constant 0 : i32
    %dma_start3A_767 = tpu.memref_slice %arg6[%add3A_765, %dma_start3A_766] : memref<819200x32xf32, #tpu.memory_space<hbm>> -> memref<512x32xf32, #tpu.memory_space<hbm>>
    %dma_start3A_768 = arith.constant 0 : i32
    %dma_start3A_769 = tpu.memref_slice %arg6[%add3A_765, %dma_start3A_768] : memref<819200x32xf32, #tpu.memory_space<hbm>> -> memref<512x32xf32, #tpu.memory_space<hbm>>
    tpu.enqueue_dma source(%arg12 : memref<512x32xf32, #tpu.memory_space<vmem>>) target(%dma_start3A_769 : memref<512x32xf32, #tpu.memory_space<hbm>>) target_semaphore(%arg18 : memref<!tpu.dma_semaphore, #tpu.memory_space<semaphore_mem>>)
    %dma_wait3A_770 = arith.constant 0 : i32
    %dma_wait3A_771 = tpu.memref_slice %arg6[%add3A_765, %dma_wait3A_770] : memref<819200x32xf32, #tpu.memory_space<hbm>> -> memref<512x32xf32, #tpu.memory_space<hbm>>
    %dma_wait3A_772 = arith.constant 0 : i32
    %dma_wait3A_773 = tpu.memref_slice %arg6[%add3A_765, %dma_wait3A_772] : memref<819200x32xf32, #tpu.memory_space<hbm>> -> memref<512x32xf32, #tpu.memory_space<hbm>>
    tpu.wait_dma2 semaphore(%arg18 : memref<!tpu.dma_semaphore, #tpu.memory_space<semaphore_mem>>) src(%arg12 : memref<512x32xf32, #tpu.memory_space<vmem>>) dst(%dma_wait3A_773 : memref<512x32xf32, #tpu.memory_space<hbm>>)
    %dma_start3A_774 = arith.constant 19456 : i32
    %dma_start3A_775 = tpu.memref_slice %arg9[%dma_start3A_774] : memref<25600xi32, #tpu.memory_space<vmem>> -> memref<512xi32, #tpu.memory_space<vmem>>
    %dma_start3A_776 = arith.constant 0 : i32
    %dma_start3A_777 = arith.constant 0 : i32
    %dma_start3A_778 = tpu.memref_slice %arg5[%dma_start3A_776, %dma_start3A_777] : memref<1000000x32xf32, #tpu.memory_space<hbm>> -> memref<1000000x32xf32, #tpu.memory_space<hbm>>
    tpu.enqueue_indirect_dma source(%dma_start3A_778 : memref<1000000x32xf32, #tpu.memory_space<hbm>>) target(%arg12 : memref<512x32xf32, #tpu.memory_space<vmem>>) offsets(%dma_start3A_775 : memref<512xi32, #tpu.memory_space<vmem>>) semaphore(%arg16 : memref<!tpu.dma_semaphore, #tpu.memory_space<semaphore_mem>>)
    %dma_wait3A_779 = arith.constant 18944 : i32
    %dma_wait3A_780 = tpu.memref_slice %arg9[%dma_wait3A_779] : memref<25600xi32, #tpu.memory_space<vmem>> -> memref<512xi32, #tpu.memory_space<vmem>>
    %dma_wait3A_781 = arith.constant 0 : i32
    %dma_wait3A_782 = arith.constant 0 : i32
    %dma_wait3A_783 = tpu.memref_slice %arg5[%dma_wait3A_781, %dma_wait3A_782] : memref<1000000x32xf32, #tpu.memory_space<hbm>> -> memref<1000000x32xf32, #tpu.memory_space<hbm>>
    tpu.wait_indirect_dma semaphore(%arg17 : memref<!tpu.dma_semaphore, #tpu.memory_space<semaphore_mem>>) src(%dma_wait3A_783 : memref<1000000x32xf32, #tpu.memory_space<hbm>>) dst(%arg13 : memref<512x32xf32, #tpu.memory_space<vmem>>)
    %add3A_784 = arith.constant 18944 : i32
    %add3A_785 = arith.addi %mul3A_4, %add3A_784 : i32
    %dma_start3A_786 = arith.constant 0 : i32
    %dma_start3A_787 = tpu.memref_slice %arg6[%add3A_785, %dma_start3A_786] : memref<819200x32xf32, #tpu.memory_space<hbm>> -> memref<512x32xf32, #tpu.memory_space<hbm>>
    %dma_start3A_788 = arith.constant 0 : i32
    %dma_start3A_789 = tpu.memref_slice %arg6[%add3A_785, %dma_start3A_788] : memref<819200x32xf32, #tpu.memory_space<hbm>> -> memref<512x32xf32, #tpu.memory_space<hbm>>
    tpu.enqueue_dma source(%arg13 : memref<512x32xf32, #tpu.memory_space<vmem>>) target(%dma_start3A_789 : memref<512x32xf32, #tpu.memory_space<hbm>>) target_semaphore(%arg19 : memref<!tpu.dma_semaphore, #tpu.memory_space<semaphore_mem>>)
    %dma_wait3A_790 = arith.constant 0 : i32
    %dma_wait3A_791 = tpu.memref_slice %arg6[%add3A_785, %dma_wait3A_790] : memref<819200x32xf32, #tpu.memory_space<hbm>> -> memref<512x32xf32, #tpu.memory_space<hbm>>
    %dma_wait3A_792 = arith.constant 0 : i32
    %dma_wait3A_793 = tpu.memref_slice %arg6[%add3A_785, %dma_wait3A_792] : memref<819200x32xf32, #tpu.memory_space<hbm>> -> memref<512x32xf32, #tpu.memory_space<hbm>>
    tpu.wait_dma2 semaphore(%arg19 : memref<!tpu.dma_semaphore, #tpu.memory_space<semaphore_mem>>) src(%arg13 : memref<512x32xf32, #tpu.memory_space<vmem>>) dst(%dma_wait3A_793 : memref<512x32xf32, #tpu.memory_space<hbm>>)
    %dma_start3A_794 = arith.constant 19968 : i32
    %dma_start3A_795 = tpu.memref_slice %arg9[%dma_start3A_794] : memref<25600xi32, #tpu.memory_space<vmem>> -> memref<512xi32, #tpu.memory_space<vmem>>
    %dma_start3A_796 = arith.constant 0 : i32
    %dma_start3A_797 = arith.constant 0 : i32
    %dma_start3A_798 = tpu.memref_slice %arg5[%dma_start3A_796, %dma_start3A_797] : memref<1000000x32xf32, #tpu.memory_space<hbm>> -> memref<1000000x32xf32, #tpu.memory_space<hbm>>
    tpu.enqueue_indirect_dma source(%dma_start3A_798 : memref<1000000x32xf32, #tpu.memory_space<hbm>>) target(%arg13 : memref<512x32xf32, #tpu.memory_space<vmem>>) offsets(%dma_start3A_795 : memref<512xi32, #tpu.memory_space<vmem>>) semaphore(%arg17 : memref<!tpu.dma_semaphore, #tpu.memory_space<semaphore_mem>>)
    %dma_wait3A_799 = arith.constant 19456 : i32
    %dma_wait3A_800 = tpu.memref_slice %arg9[%dma_wait3A_799] : memref<25600xi32, #tpu.memory_space<vmem>> -> memref<512xi32, #tpu.memory_space<vmem>>
    %dma_wait3A_801 = arith.constant 0 : i32
    %dma_wait3A_802 = arith.constant 0 : i32
    %dma_wait3A_803 = tpu.memref_slice %arg5[%dma_wait3A_801, %dma_wait3A_802] : memref<1000000x32xf32, #tpu.memory_space<hbm>> -> memref<1000000x32xf32, #tpu.memory_space<hbm>>
    tpu.wait_indirect_dma semaphore(%arg16 : memref<!tpu.dma_semaphore, #tpu.memory_space<semaphore_mem>>) src(%dma_wait3A_803 : memref<1000000x32xf32, #tpu.memory_space<hbm>>) dst(%arg12 : memref<512x32xf32, #tpu.memory_space<vmem>>)
    %add3A_804 = arith.constant 19456 : i32
    %add3A_805 = arith.addi %mul3A_4, %add3A_804 : i32
    %dma_start3A_806 = arith.constant 0 : i32
    %dma_start3A_807 = tpu.memref_slice %arg6[%add3A_805, %dma_start3A_806] : memref<819200x32xf32, #tpu.memory_space<hbm>> -> memref<512x32xf32, #tpu.memory_space<hbm>>
    %dma_start3A_808 = arith.constant 0 : i32
    %dma_start3A_809 = tpu.memref_slice %arg6[%add3A_805, %dma_start3A_808] : memref<819200x32xf32, #tpu.memory_space<hbm>> -> memref<512x32xf32, #tpu.memory_space<hbm>>
    tpu.enqueue_dma source(%arg12 : memref<512x32xf32, #tpu.memory_space<vmem>>) target(%dma_start3A_809 : memref<512x32xf32, #tpu.memory_space<hbm>>) target_semaphore(%arg18 : memref<!tpu.dma_semaphore, #tpu.memory_space<semaphore_mem>>)
    %dma_wait3A_810 = arith.constant 0 : i32
    %dma_wait3A_811 = tpu.memref_slice %arg6[%add3A_805, %dma_wait3A_810] : memref<819200x32xf32, #tpu.memory_space<hbm>> -> memref<512x32xf32, #tpu.memory_space<hbm>>
    %dma_wait3A_812 = arith.constant 0 : i32
    %dma_wait3A_813 = tpu.memref_slice %arg6[%add3A_805, %dma_wait3A_812] : memref<819200x32xf32, #tpu.memory_space<hbm>> -> memref<512x32xf32, #tpu.memory_space<hbm>>
    tpu.wait_dma2 semaphore(%arg18 : memref<!tpu.dma_semaphore, #tpu.memory_space<semaphore_mem>>) src(%arg12 : memref<512x32xf32, #tpu.memory_space<vmem>>) dst(%dma_wait3A_813 : memref<512x32xf32, #tpu.memory_space<hbm>>)
    %dma_start3A_814 = arith.constant 20480 : i32
    %dma_start3A_815 = tpu.memref_slice %arg9[%dma_start3A_814] : memref<25600xi32, #tpu.memory_space<vmem>> -> memref<512xi32, #tpu.memory_space<vmem>>
    %dma_start3A_816 = arith.constant 0 : i32
    %dma_start3A_817 = arith.constant 0 : i32
    %dma_start3A_818 = tpu.memref_slice %arg5[%dma_start3A_816, %dma_start3A_817] : memref<1000000x32xf32, #tpu.memory_space<hbm>> -> memref<1000000x32xf32, #tpu.memory_space<hbm>>
    tpu.enqueue_indirect_dma source(%dma_start3A_818 : memref<1000000x32xf32, #tpu.memory_space<hbm>>) target(%arg12 : memref<512x32xf32, #tpu.memory_space<vmem>>) offsets(%dma_start3A_815 : memref<512xi32, #tpu.memory_space<vmem>>) semaphore(%arg16 : memref<!tpu.dma_semaphore, #tpu.memory_space<semaphore_mem>>)
    %dma_wait3A_819 = arith.constant 19968 : i32
    %dma_wait3A_820 = tpu.memref_slice %arg9[%dma_wait3A_819] : memref<25600xi32, #tpu.memory_space<vmem>> -> memref<512xi32, #tpu.memory_space<vmem>>
    %dma_wait3A_821 = arith.constant 0 : i32
    %dma_wait3A_822 = arith.constant 0 : i32
    %dma_wait3A_823 = tpu.memref_slice %arg5[%dma_wait3A_821, %dma_wait3A_822] : memref<1000000x32xf32, #tpu.memory_space<hbm>> -> memref<1000000x32xf32, #tpu.memory_space<hbm>>
    tpu.wait_indirect_dma semaphore(%arg17 : memref<!tpu.dma_semaphore, #tpu.memory_space<semaphore_mem>>) src(%dma_wait3A_823 : memref<1000000x32xf32, #tpu.memory_space<hbm>>) dst(%arg13 : memref<512x32xf32, #tpu.memory_space<vmem>>)
    %add3A_824 = arith.constant 19968 : i32
    %add3A_825 = arith.addi %mul3A_4, %add3A_824 : i32
    %dma_start3A_826 = arith.constant 0 : i32
    %dma_start3A_827 = tpu.memref_slice %arg6[%add3A_825, %dma_start3A_826] : memref<819200x32xf32, #tpu.memory_space<hbm>> -> memref<512x32xf32, #tpu.memory_space<hbm>>
    %dma_start3A_828 = arith.constant 0 : i32
    %dma_start3A_829 = tpu.memref_slice %arg6[%add3A_825, %dma_start3A_828] : memref<819200x32xf32, #tpu.memory_space<hbm>> -> memref<512x32xf32, #tpu.memory_space<hbm>>
    tpu.enqueue_dma source(%arg13 : memref<512x32xf32, #tpu.memory_space<vmem>>) target(%dma_start3A_829 : memref<512x32xf32, #tpu.memory_space<hbm>>) target_semaphore(%arg19 : memref<!tpu.dma_semaphore, #tpu.memory_space<semaphore_mem>>)
    %dma_wait3A_830 = arith.constant 0 : i32
    %dma_wait3A_831 = tpu.memref_slice %arg6[%add3A_825, %dma_wait3A_830] : memref<819200x32xf32, #tpu.memory_space<hbm>> -> memref<512x32xf32, #tpu.memory_space<hbm>>
    %dma_wait3A_832 = arith.constant 0 : i32
    %dma_wait3A_833 = tpu.memref_slice %arg6[%add3A_825, %dma_wait3A_832] : memref<819200x32xf32, #tpu.memory_space<hbm>> -> memref<512x32xf32, #tpu.memory_space<hbm>>
    tpu.wait_dma2 semaphore(%arg19 : memref<!tpu.dma_semaphore, #tpu.memory_space<semaphore_mem>>) src(%arg13 : memref<512x32xf32, #tpu.memory_space<vmem>>) dst(%dma_wait3A_833 : memref<512x32xf32, #tpu.memory_space<hbm>>)
    %dma_start3A_834 = arith.constant 20992 : i32
    %dma_start3A_835 = tpu.memref_slice %arg9[%dma_start3A_834] : memref<25600xi32, #tpu.memory_space<vmem>> -> memref<512xi32, #tpu.memory_space<vmem>>
    %dma_start3A_836 = arith.constant 0 : i32
    %dma_start3A_837 = arith.constant 0 : i32
    %dma_start3A_838 = tpu.memref_slice %arg5[%dma_start3A_836, %dma_start3A_837] : memref<1000000x32xf32, #tpu.memory_space<hbm>> -> memref<1000000x32xf32, #tpu.memory_space<hbm>>
    tpu.enqueue_indirect_dma source(%dma_start3A_838 : memref<1000000x32xf32, #tpu.memory_space<hbm>>) target(%arg13 : memref<512x32xf32, #tpu.memory_space<vmem>>) offsets(%dma_start3A_835 : memref<512xi32, #tpu.memory_space<vmem>>) semaphore(%arg17 : memref<!tpu.dma_semaphore, #tpu.memory_space<semaphore_mem>>)
    %dma_wait3A_839 = arith.constant 20480 : i32
    %dma_wait3A_840 = tpu.memref_slice %arg9[%dma_wait3A_839] : memref<25600xi32, #tpu.memory_space<vmem>> -> memref<512xi32, #tpu.memory_space<vmem>>
    %dma_wait3A_841 = arith.constant 0 : i32
    %dma_wait3A_842 = arith.constant 0 : i32
    %dma_wait3A_843 = tpu.memref_slice %arg5[%dma_wait3A_841, %dma_wait3A_842] : memref<1000000x32xf32, #tpu.memory_space<hbm>> -> memref<1000000x32xf32, #tpu.memory_space<hbm>>
    tpu.wait_indirect_dma semaphore(%arg16 : memref<!tpu.dma_semaphore, #tpu.memory_space<semaphore_mem>>) src(%dma_wait3A_843 : memref<1000000x32xf32, #tpu.memory_space<hbm>>) dst(%arg12 : memref<512x32xf32, #tpu.memory_space<vmem>>)
    %add3A_844 = arith.constant 20480 : i32
    %add3A_845 = arith.addi %mul3A_4, %add3A_844 : i32
    %dma_start3A_846 = arith.constant 0 : i32
    %dma_start3A_847 = tpu.memref_slice %arg6[%add3A_845, %dma_start3A_846] : memref<819200x32xf32, #tpu.memory_space<hbm>> -> memref<512x32xf32, #tpu.memory_space<hbm>>
    %dma_start3A_848 = arith.constant 0 : i32
    %dma_start3A_849 = tpu.memref_slice %arg6[%add3A_845, %dma_start3A_848] : memref<819200x32xf32, #tpu.memory_space<hbm>> -> memref<512x32xf32, #tpu.memory_space<hbm>>
    tpu.enqueue_dma source(%arg12 : memref<512x32xf32, #tpu.memory_space<vmem>>) target(%dma_start3A_849 : memref<512x32xf32, #tpu.memory_space<hbm>>) target_semaphore(%arg18 : memref<!tpu.dma_semaphore, #tpu.memory_space<semaphore_mem>>)
    %dma_wait3A_850 = arith.constant 0 : i32
    %dma_wait3A_851 = tpu.memref_slice %arg6[%add3A_845, %dma_wait3A_850] : memref<819200x32xf32, #tpu.memory_space<hbm>> -> memref<512x32xf32, #tpu.memory_space<hbm>>
    %dma_wait3A_852 = arith.constant 0 : i32
    %dma_wait3A_853 = tpu.memref_slice %arg6[%add3A_845, %dma_wait3A_852] : memref<819200x32xf32, #tpu.memory_space<hbm>> -> memref<512x32xf32, #tpu.memory_space<hbm>>
    tpu.wait_dma2 semaphore(%arg18 : memref<!tpu.dma_semaphore, #tpu.memory_space<semaphore_mem>>) src(%arg12 : memref<512x32xf32, #tpu.memory_space<vmem>>) dst(%dma_wait3A_853 : memref<512x32xf32, #tpu.memory_space<hbm>>)
    %dma_start3A_854 = arith.constant 21504 : i32
    %dma_start3A_855 = tpu.memref_slice %arg9[%dma_start3A_854] : memref<25600xi32, #tpu.memory_space<vmem>> -> memref<512xi32, #tpu.memory_space<vmem>>
    %dma_start3A_856 = arith.constant 0 : i32
    %dma_start3A_857 = arith.constant 0 : i32
    %dma_start3A_858 = tpu.memref_slice %arg5[%dma_start3A_856, %dma_start3A_857] : memref<1000000x32xf32, #tpu.memory_space<hbm>> -> memref<1000000x32xf32, #tpu.memory_space<hbm>>
    tpu.enqueue_indirect_dma source(%dma_start3A_858 : memref<1000000x32xf32, #tpu.memory_space<hbm>>) target(%arg12 : memref<512x32xf32, #tpu.memory_space<vmem>>) offsets(%dma_start3A_855 : memref<512xi32, #tpu.memory_space<vmem>>) semaphore(%arg16 : memref<!tpu.dma_semaphore, #tpu.memory_space<semaphore_mem>>)
    %dma_wait3A_859 = arith.constant 20992 : i32
    %dma_wait3A_860 = tpu.memref_slice %arg9[%dma_wait3A_859] : memref<25600xi32, #tpu.memory_space<vmem>> -> memref<512xi32, #tpu.memory_space<vmem>>
    %dma_wait3A_861 = arith.constant 0 : i32
    %dma_wait3A_862 = arith.constant 0 : i32
    %dma_wait3A_863 = tpu.memref_slice %arg5[%dma_wait3A_861, %dma_wait3A_862] : memref<1000000x32xf32, #tpu.memory_space<hbm>> -> memref<1000000x32xf32, #tpu.memory_space<hbm>>
    tpu.wait_indirect_dma semaphore(%arg17 : memref<!tpu.dma_semaphore, #tpu.memory_space<semaphore_mem>>) src(%dma_wait3A_863 : memref<1000000x32xf32, #tpu.memory_space<hbm>>) dst(%arg13 : memref<512x32xf32, #tpu.memory_space<vmem>>)
    %add3A_864 = arith.constant 20992 : i32
    %add3A_865 = arith.addi %mul3A_4, %add3A_864 : i32
    %dma_start3A_866 = arith.constant 0 : i32
    %dma_start3A_867 = tpu.memref_slice %arg6[%add3A_865, %dma_start3A_866] : memref<819200x32xf32, #tpu.memory_space<hbm>> -> memref<512x32xf32, #tpu.memory_space<hbm>>
    %dma_start3A_868 = arith.constant 0 : i32
    %dma_start3A_869 = tpu.memref_slice %arg6[%add3A_865, %dma_start3A_868] : memref<819200x32xf32, #tpu.memory_space<hbm>> -> memref<512x32xf32, #tpu.memory_space<hbm>>
    tpu.enqueue_dma source(%arg13 : memref<512x32xf32, #tpu.memory_space<vmem>>) target(%dma_start3A_869 : memref<512x32xf32, #tpu.memory_space<hbm>>) target_semaphore(%arg19 : memref<!tpu.dma_semaphore, #tpu.memory_space<semaphore_mem>>)
    %dma_wait3A_870 = arith.constant 0 : i32
    %dma_wait3A_871 = tpu.memref_slice %arg6[%add3A_865, %dma_wait3A_870] : memref<819200x32xf32, #tpu.memory_space<hbm>> -> memref<512x32xf32, #tpu.memory_space<hbm>>
    %dma_wait3A_872 = arith.constant 0 : i32
    %dma_wait3A_873 = tpu.memref_slice %arg6[%add3A_865, %dma_wait3A_872] : memref<819200x32xf32, #tpu.memory_space<hbm>> -> memref<512x32xf32, #tpu.memory_space<hbm>>
    tpu.wait_dma2 semaphore(%arg19 : memref<!tpu.dma_semaphore, #tpu.memory_space<semaphore_mem>>) src(%arg13 : memref<512x32xf32, #tpu.memory_space<vmem>>) dst(%dma_wait3A_873 : memref<512x32xf32, #tpu.memory_space<hbm>>)
    %dma_start3A_874 = arith.constant 22016 : i32
    %dma_start3A_875 = tpu.memref_slice %arg9[%dma_start3A_874] : memref<25600xi32, #tpu.memory_space<vmem>> -> memref<512xi32, #tpu.memory_space<vmem>>
    %dma_start3A_876 = arith.constant 0 : i32
    %dma_start3A_877 = arith.constant 0 : i32
    %dma_start3A_878 = tpu.memref_slice %arg5[%dma_start3A_876, %dma_start3A_877] : memref<1000000x32xf32, #tpu.memory_space<hbm>> -> memref<1000000x32xf32, #tpu.memory_space<hbm>>
    tpu.enqueue_indirect_dma source(%dma_start3A_878 : memref<1000000x32xf32, #tpu.memory_space<hbm>>) target(%arg13 : memref<512x32xf32, #tpu.memory_space<vmem>>) offsets(%dma_start3A_875 : memref<512xi32, #tpu.memory_space<vmem>>) semaphore(%arg17 : memref<!tpu.dma_semaphore, #tpu.memory_space<semaphore_mem>>)
    %dma_wait3A_879 = arith.constant 21504 : i32
    %dma_wait3A_880 = tpu.memref_slice %arg9[%dma_wait3A_879] : memref<25600xi32, #tpu.memory_space<vmem>> -> memref<512xi32, #tpu.memory_space<vmem>>
    %dma_wait3A_881 = arith.constant 0 : i32
    %dma_wait3A_882 = arith.constant 0 : i32
    %dma_wait3A_883 = tpu.memref_slice %arg5[%dma_wait3A_881, %dma_wait3A_882] : memref<1000000x32xf32, #tpu.memory_space<hbm>> -> memref<1000000x32xf32, #tpu.memory_space<hbm>>
    tpu.wait_indirect_dma semaphore(%arg16 : memref<!tpu.dma_semaphore, #tpu.memory_space<semaphore_mem>>) src(%dma_wait3A_883 : memref<1000000x32xf32, #tpu.memory_space<hbm>>) dst(%arg12 : memref<512x32xf32, #tpu.memory_space<vmem>>)
    %add3A_884 = arith.constant 21504 : i32
    %add3A_885 = arith.addi %mul3A_4, %add3A_884 : i32
    %dma_start3A_886 = arith.constant 0 : i32
    %dma_start3A_887 = tpu.memref_slice %arg6[%add3A_885, %dma_start3A_886] : memref<819200x32xf32, #tpu.memory_space<hbm>> -> memref<512x32xf32, #tpu.memory_space<hbm>>
    %dma_start3A_888 = arith.constant 0 : i32
    %dma_start3A_889 = tpu.memref_slice %arg6[%add3A_885, %dma_start3A_888] : memref<819200x32xf32, #tpu.memory_space<hbm>> -> memref<512x32xf32, #tpu.memory_space<hbm>>
    tpu.enqueue_dma source(%arg12 : memref<512x32xf32, #tpu.memory_space<vmem>>) target(%dma_start3A_889 : memref<512x32xf32, #tpu.memory_space<hbm>>) target_semaphore(%arg18 : memref<!tpu.dma_semaphore, #tpu.memory_space<semaphore_mem>>)
    %dma_wait3A_890 = arith.constant 0 : i32
    %dma_wait3A_891 = tpu.memref_slice %arg6[%add3A_885, %dma_wait3A_890] : memref<819200x32xf32, #tpu.memory_space<hbm>> -> memref<512x32xf32, #tpu.memory_space<hbm>>
    %dma_wait3A_892 = arith.constant 0 : i32
    %dma_wait3A_893 = tpu.memref_slice %arg6[%add3A_885, %dma_wait3A_892] : memref<819200x32xf32, #tpu.memory_space<hbm>> -> memref<512x32xf32, #tpu.memory_space<hbm>>
    tpu.wait_dma2 semaphore(%arg18 : memref<!tpu.dma_semaphore, #tpu.memory_space<semaphore_mem>>) src(%arg12 : memref<512x32xf32, #tpu.memory_space<vmem>>) dst(%dma_wait3A_893 : memref<512x32xf32, #tpu.memory_space<hbm>>)
    %dma_start3A_894 = arith.constant 22528 : i32
    %dma_start3A_895 = tpu.memref_slice %arg9[%dma_start3A_894] : memref<25600xi32, #tpu.memory_space<vmem>> -> memref<512xi32, #tpu.memory_space<vmem>>
    %dma_start3A_896 = arith.constant 0 : i32
    %dma_start3A_897 = arith.constant 0 : i32
    %dma_start3A_898 = tpu.memref_slice %arg5[%dma_start3A_896, %dma_start3A_897] : memref<1000000x32xf32, #tpu.memory_space<hbm>> -> memref<1000000x32xf32, #tpu.memory_space<hbm>>
    tpu.enqueue_indirect_dma source(%dma_start3A_898 : memref<1000000x32xf32, #tpu.memory_space<hbm>>) target(%arg12 : memref<512x32xf32, #tpu.memory_space<vmem>>) offsets(%dma_start3A_895 : memref<512xi32, #tpu.memory_space<vmem>>) semaphore(%arg16 : memref<!tpu.dma_semaphore, #tpu.memory_space<semaphore_mem>>)
    %dma_wait3A_899 = arith.constant 22016 : i32
    %dma_wait3A_900 = tpu.memref_slice %arg9[%dma_wait3A_899] : memref<25600xi32, #tpu.memory_space<vmem>> -> memref<512xi32, #tpu.memory_space<vmem>>
    %dma_wait3A_901 = arith.constant 0 : i32
    %dma_wait3A_902 = arith.constant 0 : i32
    %dma_wait3A_903 = tpu.memref_slice %arg5[%dma_wait3A_901, %dma_wait3A_902] : memref<1000000x32xf32, #tpu.memory_space<hbm>> -> memref<1000000x32xf32, #tpu.memory_space<hbm>>
    tpu.wait_indirect_dma semaphore(%arg17 : memref<!tpu.dma_semaphore, #tpu.memory_space<semaphore_mem>>) src(%dma_wait3A_903 : memref<1000000x32xf32, #tpu.memory_space<hbm>>) dst(%arg13 : memref<512x32xf32, #tpu.memory_space<vmem>>)
    %add3A_904 = arith.constant 22016 : i32
    %add3A_905 = arith.addi %mul3A_4, %add3A_904 : i32
    %dma_start3A_906 = arith.constant 0 : i32
    %dma_start3A_907 = tpu.memref_slice %arg6[%add3A_905, %dma_start3A_906] : memref<819200x32xf32, #tpu.memory_space<hbm>> -> memref<512x32xf32, #tpu.memory_space<hbm>>
    %dma_start3A_908 = arith.constant 0 : i32
    %dma_start3A_909 = tpu.memref_slice %arg6[%add3A_905, %dma_start3A_908] : memref<819200x32xf32, #tpu.memory_space<hbm>> -> memref<512x32xf32, #tpu.memory_space<hbm>>
    tpu.enqueue_dma source(%arg13 : memref<512x32xf32, #tpu.memory_space<vmem>>) target(%dma_start3A_909 : memref<512x32xf32, #tpu.memory_space<hbm>>) target_semaphore(%arg19 : memref<!tpu.dma_semaphore, #tpu.memory_space<semaphore_mem>>)
    %dma_wait3A_910 = arith.constant 0 : i32
    %dma_wait3A_911 = tpu.memref_slice %arg6[%add3A_905, %dma_wait3A_910] : memref<819200x32xf32, #tpu.memory_space<hbm>> -> memref<512x32xf32, #tpu.memory_space<hbm>>
    %dma_wait3A_912 = arith.constant 0 : i32
    %dma_wait3A_913 = tpu.memref_slice %arg6[%add3A_905, %dma_wait3A_912] : memref<819200x32xf32, #tpu.memory_space<hbm>> -> memref<512x32xf32, #tpu.memory_space<hbm>>
    tpu.wait_dma2 semaphore(%arg19 : memref<!tpu.dma_semaphore, #tpu.memory_space<semaphore_mem>>) src(%arg13 : memref<512x32xf32, #tpu.memory_space<vmem>>) dst(%dma_wait3A_913 : memref<512x32xf32, #tpu.memory_space<hbm>>)
    %dma_start3A_914 = arith.constant 23040 : i32
    %dma_start3A_915 = tpu.memref_slice %arg9[%dma_start3A_914] : memref<25600xi32, #tpu.memory_space<vmem>> -> memref<512xi32, #tpu.memory_space<vmem>>
    %dma_start3A_916 = arith.constant 0 : i32
    %dma_start3A_917 = arith.constant 0 : i32
    %dma_start3A_918 = tpu.memref_slice %arg5[%dma_start3A_916, %dma_start3A_917] : memref<1000000x32xf32, #tpu.memory_space<hbm>> -> memref<1000000x32xf32, #tpu.memory_space<hbm>>
    tpu.enqueue_indirect_dma source(%dma_start3A_918 : memref<1000000x32xf32, #tpu.memory_space<hbm>>) target(%arg13 : memref<512x32xf32, #tpu.memory_space<vmem>>) offsets(%dma_start3A_915 : memref<512xi32, #tpu.memory_space<vmem>>) semaphore(%arg17 : memref<!tpu.dma_semaphore, #tpu.memory_space<semaphore_mem>>)
    %dma_wait3A_919 = arith.constant 22528 : i32
    %dma_wait3A_920 = tpu.memref_slice %arg9[%dma_wait3A_919] : memref<25600xi32, #tpu.memory_space<vmem>> -> memref<512xi32, #tpu.memory_space<vmem>>
    %dma_wait3A_921 = arith.constant 0 : i32
    %dma_wait3A_922 = arith.constant 0 : i32
    %dma_wait3A_923 = tpu.memref_slice %arg5[%dma_wait3A_921, %dma_wait3A_922] : memref<1000000x32xf32, #tpu.memory_space<hbm>> -> memref<1000000x32xf32, #tpu.memory_space<hbm>>
    tpu.wait_indirect_dma semaphore(%arg16 : memref<!tpu.dma_semaphore, #tpu.memory_space<semaphore_mem>>) src(%dma_wait3A_923 : memref<1000000x32xf32, #tpu.memory_space<hbm>>) dst(%arg12 : memref<512x32xf32, #tpu.memory_space<vmem>>)
    %add3A_924 = arith.constant 22528 : i32
    %add3A_925 = arith.addi %mul3A_4, %add3A_924 : i32
    %dma_start3A_926 = arith.constant 0 : i32
    %dma_start3A_927 = tpu.memref_slice %arg6[%add3A_925, %dma_start3A_926] : memref<819200x32xf32, #tpu.memory_space<hbm>> -> memref<512x32xf32, #tpu.memory_space<hbm>>
    %dma_start3A_928 = arith.constant 0 : i32
    %dma_start3A_929 = tpu.memref_slice %arg6[%add3A_925, %dma_start3A_928] : memref<819200x32xf32, #tpu.memory_space<hbm>> -> memref<512x32xf32, #tpu.memory_space<hbm>>
    tpu.enqueue_dma source(%arg12 : memref<512x32xf32, #tpu.memory_space<vmem>>) target(%dma_start3A_929 : memref<512x32xf32, #tpu.memory_space<hbm>>) target_semaphore(%arg18 : memref<!tpu.dma_semaphore, #tpu.memory_space<semaphore_mem>>)
    %dma_wait3A_930 = arith.constant 0 : i32
    %dma_wait3A_931 = tpu.memref_slice %arg6[%add3A_925, %dma_wait3A_930] : memref<819200x32xf32, #tpu.memory_space<hbm>> -> memref<512x32xf32, #tpu.memory_space<hbm>>
    %dma_wait3A_932 = arith.constant 0 : i32
    %dma_wait3A_933 = tpu.memref_slice %arg6[%add3A_925, %dma_wait3A_932] : memref<819200x32xf32, #tpu.memory_space<hbm>> -> memref<512x32xf32, #tpu.memory_space<hbm>>
    tpu.wait_dma2 semaphore(%arg18 : memref<!tpu.dma_semaphore, #tpu.memory_space<semaphore_mem>>) src(%arg12 : memref<512x32xf32, #tpu.memory_space<vmem>>) dst(%dma_wait3A_933 : memref<512x32xf32, #tpu.memory_space<hbm>>)
    %dma_start3A_934 = arith.constant 23552 : i32
    %dma_start3A_935 = tpu.memref_slice %arg9[%dma_start3A_934] : memref<25600xi32, #tpu.memory_space<vmem>> -> memref<512xi32, #tpu.memory_space<vmem>>
    %dma_start3A_936 = arith.constant 0 : i32
    %dma_start3A_937 = arith.constant 0 : i32
    %dma_start3A_938 = tpu.memref_slice %arg5[%dma_start3A_936, %dma_start3A_937] : memref<1000000x32xf32, #tpu.memory_space<hbm>> -> memref<1000000x32xf32, #tpu.memory_space<hbm>>
    tpu.enqueue_indirect_dma source(%dma_start3A_938 : memref<1000000x32xf32, #tpu.memory_space<hbm>>) target(%arg12 : memref<512x32xf32, #tpu.memory_space<vmem>>) offsets(%dma_start3A_935 : memref<512xi32, #tpu.memory_space<vmem>>) semaphore(%arg16 : memref<!tpu.dma_semaphore, #tpu.memory_space<semaphore_mem>>)
    %dma_wait3A_939 = arith.constant 23040 : i32
    %dma_wait3A_940 = tpu.memref_slice %arg9[%dma_wait3A_939] : memref<25600xi32, #tpu.memory_space<vmem>> -> memref<512xi32, #tpu.memory_space<vmem>>
    %dma_wait3A_941 = arith.constant 0 : i32
    %dma_wait3A_942 = arith.constant 0 : i32
    %dma_wait3A_943 = tpu.memref_slice %arg5[%dma_wait3A_941, %dma_wait3A_942] : memref<1000000x32xf32, #tpu.memory_space<hbm>> -> memref<1000000x32xf32, #tpu.memory_space<hbm>>
    tpu.wait_indirect_dma semaphore(%arg17 : memref<!tpu.dma_semaphore, #tpu.memory_space<semaphore_mem>>) src(%dma_wait3A_943 : memref<1000000x32xf32, #tpu.memory_space<hbm>>) dst(%arg13 : memref<512x32xf32, #tpu.memory_space<vmem>>)
    %add3A_944 = arith.constant 23040 : i32
    %add3A_945 = arith.addi %mul3A_4, %add3A_944 : i32
    %dma_start3A_946 = arith.constant 0 : i32
    %dma_start3A_947 = tpu.memref_slice %arg6[%add3A_945, %dma_start3A_946] : memref<819200x32xf32, #tpu.memory_space<hbm>> -> memref<512x32xf32, #tpu.memory_space<hbm>>
    %dma_start3A_948 = arith.constant 0 : i32
    %dma_start3A_949 = tpu.memref_slice %arg6[%add3A_945, %dma_start3A_948] : memref<819200x32xf32, #tpu.memory_space<hbm>> -> memref<512x32xf32, #tpu.memory_space<hbm>>
    tpu.enqueue_dma source(%arg13 : memref<512x32xf32, #tpu.memory_space<vmem>>) target(%dma_start3A_949 : memref<512x32xf32, #tpu.memory_space<hbm>>) target_semaphore(%arg19 : memref<!tpu.dma_semaphore, #tpu.memory_space<semaphore_mem>>)
    %dma_wait3A_950 = arith.constant 0 : i32
    %dma_wait3A_951 = tpu.memref_slice %arg6[%add3A_945, %dma_wait3A_950] : memref<819200x32xf32, #tpu.memory_space<hbm>> -> memref<512x32xf32, #tpu.memory_space<hbm>>
    %dma_wait3A_952 = arith.constant 0 : i32
    %dma_wait3A_953 = tpu.memref_slice %arg6[%add3A_945, %dma_wait3A_952] : memref<819200x32xf32, #tpu.memory_space<hbm>> -> memref<512x32xf32, #tpu.memory_space<hbm>>
    tpu.wait_dma2 semaphore(%arg19 : memref<!tpu.dma_semaphore, #tpu.memory_space<semaphore_mem>>) src(%arg13 : memref<512x32xf32, #tpu.memory_space<vmem>>) dst(%dma_wait3A_953 : memref<512x32xf32, #tpu.memory_space<hbm>>)
    %dma_start3A_954 = arith.constant 24064 : i32
    %dma_start3A_955 = tpu.memref_slice %arg9[%dma_start3A_954] : memref<25600xi32, #tpu.memory_space<vmem>> -> memref<512xi32, #tpu.memory_space<vmem>>
    %dma_start3A_956 = arith.constant 0 : i32
    %dma_start3A_957 = arith.constant 0 : i32
    %dma_start3A_958 = tpu.memref_slice %arg5[%dma_start3A_956, %dma_start3A_957] : memref<1000000x32xf32, #tpu.memory_space<hbm>> -> memref<1000000x32xf32, #tpu.memory_space<hbm>>
    tpu.enqueue_indirect_dma source(%dma_start3A_958 : memref<1000000x32xf32, #tpu.memory_space<hbm>>) target(%arg13 : memref<512x32xf32, #tpu.memory_space<vmem>>) offsets(%dma_start3A_955 : memref<512xi32, #tpu.memory_space<vmem>>) semaphore(%arg17 : memref<!tpu.dma_semaphore, #tpu.memory_space<semaphore_mem>>)
    %dma_wait3A_959 = arith.constant 23552 : i32
    %dma_wait3A_960 = tpu.memref_slice %arg9[%dma_wait3A_959] : memref<25600xi32, #tpu.memory_space<vmem>> -> memref<512xi32, #tpu.memory_space<vmem>>
    %dma_wait3A_961 = arith.constant 0 : i32
    %dma_wait3A_962 = arith.constant 0 : i32
    %dma_wait3A_963 = tpu.memref_slice %arg5[%dma_wait3A_961, %dma_wait3A_962] : memref<1000000x32xf32, #tpu.memory_space<hbm>> -> memref<1000000x32xf32, #tpu.memory_space<hbm>>
    tpu.wait_indirect_dma semaphore(%arg16 : memref<!tpu.dma_semaphore, #tpu.memory_space<semaphore_mem>>) src(%dma_wait3A_963 : memref<1000000x32xf32, #tpu.memory_space<hbm>>) dst(%arg12 : memref<512x32xf32, #tpu.memory_space<vmem>>)
    %add3A_964 = arith.constant 23552 : i32
    %add3A_965 = arith.addi %mul3A_4, %add3A_964 : i32
    %dma_start3A_966 = arith.constant 0 : i32
    %dma_start3A_967 = tpu.memref_slice %arg6[%add3A_965, %dma_start3A_966] : memref<819200x32xf32, #tpu.memory_space<hbm>> -> memref<512x32xf32, #tpu.memory_space<hbm>>
    %dma_start3A_968 = arith.constant 0 : i32
    %dma_start3A_969 = tpu.memref_slice %arg6[%add3A_965, %dma_start3A_968] : memref<819200x32xf32, #tpu.memory_space<hbm>> -> memref<512x32xf32, #tpu.memory_space<hbm>>
    tpu.enqueue_dma source(%arg12 : memref<512x32xf32, #tpu.memory_space<vmem>>) target(%dma_start3A_969 : memref<512x32xf32, #tpu.memory_space<hbm>>) target_semaphore(%arg18 : memref<!tpu.dma_semaphore, #tpu.memory_space<semaphore_mem>>)
    %dma_wait3A_970 = arith.constant 0 : i32
    %dma_wait3A_971 = tpu.memref_slice %arg6[%add3A_965, %dma_wait3A_970] : memref<819200x32xf32, #tpu.memory_space<hbm>> -> memref<512x32xf32, #tpu.memory_space<hbm>>
    %dma_wait3A_972 = arith.constant 0 : i32
    %dma_wait3A_973 = tpu.memref_slice %arg6[%add3A_965, %dma_wait3A_972] : memref<819200x32xf32, #tpu.memory_space<hbm>> -> memref<512x32xf32, #tpu.memory_space<hbm>>
    tpu.wait_dma2 semaphore(%arg18 : memref<!tpu.dma_semaphore, #tpu.memory_space<semaphore_mem>>) src(%arg12 : memref<512x32xf32, #tpu.memory_space<vmem>>) dst(%dma_wait3A_973 : memref<512x32xf32, #tpu.memory_space<hbm>>)
    %dma_start3A_974 = arith.constant 24576 : i32
    %dma_start3A_975 = tpu.memref_slice %arg9[%dma_start3A_974] : memref<25600xi32, #tpu.memory_space<vmem>> -> memref<512xi32, #tpu.memory_space<vmem>>
    %dma_start3A_976 = arith.constant 0 : i32
    %dma_start3A_977 = arith.constant 0 : i32
    %dma_start3A_978 = tpu.memref_slice %arg5[%dma_start3A_976, %dma_start3A_977] : memref<1000000x32xf32, #tpu.memory_space<hbm>> -> memref<1000000x32xf32, #tpu.memory_space<hbm>>
    tpu.enqueue_indirect_dma source(%dma_start3A_978 : memref<1000000x32xf32, #tpu.memory_space<hbm>>) target(%arg12 : memref<512x32xf32, #tpu.memory_space<vmem>>) offsets(%dma_start3A_975 : memref<512xi32, #tpu.memory_space<vmem>>) semaphore(%arg16 : memref<!tpu.dma_semaphore, #tpu.memory_space<semaphore_mem>>)
    %dma_wait3A_979 = arith.constant 24064 : i32
    %dma_wait3A_980 = tpu.memref_slice %arg9[%dma_wait3A_979] : memref<25600xi32, #tpu.memory_space<vmem>> -> memref<512xi32, #tpu.memory_space<vmem>>
    %dma_wait3A_981 = arith.constant 0 : i32
    %dma_wait3A_982 = arith.constant 0 : i32
    %dma_wait3A_983 = tpu.memref_slice %arg5[%dma_wait3A_981, %dma_wait3A_982] : memref<1000000x32xf32, #tpu.memory_space<hbm>> -> memref<1000000x32xf32, #tpu.memory_space<hbm>>
    tpu.wait_indirect_dma semaphore(%arg17 : memref<!tpu.dma_semaphore, #tpu.memory_space<semaphore_mem>>) src(%dma_wait3A_983 : memref<1000000x32xf32, #tpu.memory_space<hbm>>) dst(%arg13 : memref<512x32xf32, #tpu.memory_space<vmem>>)
    %add3A_984 = arith.constant 24064 : i32
    %add3A_985 = arith.addi %mul3A_4, %add3A_984 : i32
    %dma_start3A_986 = arith.constant 0 : i32
    %dma_start3A_987 = tpu.memref_slice %arg6[%add3A_985, %dma_start3A_986] : memref<819200x32xf32, #tpu.memory_space<hbm>> -> memref<512x32xf32, #tpu.memory_space<hbm>>
    %dma_start3A_988 = arith.constant 0 : i32
    %dma_start3A_989 = tpu.memref_slice %arg6[%add3A_985, %dma_start3A_988] : memref<819200x32xf32, #tpu.memory_space<hbm>> -> memref<512x32xf32, #tpu.memory_space<hbm>>
    tpu.enqueue_dma source(%arg13 : memref<512x32xf32, #tpu.memory_space<vmem>>) target(%dma_start3A_989 : memref<512x32xf32, #tpu.memory_space<hbm>>) target_semaphore(%arg19 : memref<!tpu.dma_semaphore, #tpu.memory_space<semaphore_mem>>)
    %dma_wait3A_990 = arith.constant 0 : i32
    %dma_wait3A_991 = tpu.memref_slice %arg6[%add3A_985, %dma_wait3A_990] : memref<819200x32xf32, #tpu.memory_space<hbm>> -> memref<512x32xf32, #tpu.memory_space<hbm>>
    %dma_wait3A_992 = arith.constant 0 : i32
    %dma_wait3A_993 = tpu.memref_slice %arg6[%add3A_985, %dma_wait3A_992] : memref<819200x32xf32, #tpu.memory_space<hbm>> -> memref<512x32xf32, #tpu.memory_space<hbm>>
    tpu.wait_dma2 semaphore(%arg19 : memref<!tpu.dma_semaphore, #tpu.memory_space<semaphore_mem>>) src(%arg13 : memref<512x32xf32, #tpu.memory_space<vmem>>) dst(%dma_wait3A_993 : memref<512x32xf32, #tpu.memory_space<hbm>>)
    %dma_start3A_994 = arith.constant 25088 : i32
    %dma_start3A_995 = tpu.memref_slice %arg9[%dma_start3A_994] : memref<25600xi32, #tpu.memory_space<vmem>> -> memref<512xi32, #tpu.memory_space<vmem>>
    %dma_start3A_996 = arith.constant 0 : i32
    %dma_start3A_997 = arith.constant 0 : i32
    %dma_start3A_998 = tpu.memref_slice %arg5[%dma_start3A_996, %dma_start3A_997] : memref<1000000x32xf32, #tpu.memory_space<hbm>> -> memref<1000000x32xf32, #tpu.memory_space<hbm>>
    tpu.enqueue_indirect_dma source(%dma_start3A_998 : memref<1000000x32xf32, #tpu.memory_space<hbm>>) target(%arg13 : memref<512x32xf32, #tpu.memory_space<vmem>>) offsets(%dma_start3A_995 : memref<512xi32, #tpu.memory_space<vmem>>) semaphore(%arg17 : memref<!tpu.dma_semaphore, #tpu.memory_space<semaphore_mem>>)
    %dma_wait3A_999 = arith.constant 24576 : i32
    %dma_wait3A_1000 = tpu.memref_slice %arg9[%dma_wait3A_999] : memref<25600xi32, #tpu.memory_space<vmem>> -> memref<512xi32, #tpu.memory_space<vmem>>
    %dma_wait3A_1001 = arith.constant 0 : i32
    %dma_wait3A_1002 = arith.constant 0 : i32
    %dma_wait3A_1003 = tpu.memref_slice %arg5[%dma_wait3A_1001, %dma_wait3A_1002] : memref<1000000x32xf32, #tpu.memory_space<hbm>> -> memref<1000000x32xf32, #tpu.memory_space<hbm>>
    tpu.wait_indirect_dma semaphore(%arg16 : memref<!tpu.dma_semaphore, #tpu.memory_space<semaphore_mem>>) src(%dma_wait3A_1003 : memref<1000000x32xf32, #tpu.memory_space<hbm>>) dst(%arg12 : memref<512x32xf32, #tpu.memory_space<vmem>>)
    %add3A_1004 = arith.constant 24576 : i32
    %add3A_1005 = arith.addi %mul3A_4, %add3A_1004 : i32
    %dma_start3A_1006 = arith.constant 0 : i32
    %dma_start3A_1007 = tpu.memref_slice %arg6[%add3A_1005, %dma_start3A_1006] : memref<819200x32xf32, #tpu.memory_space<hbm>> -> memref<512x32xf32, #tpu.memory_space<hbm>>
    %dma_start3A_1008 = arith.constant 0 : i32
    %dma_start3A_1009 = tpu.memref_slice %arg6[%add3A_1005, %dma_start3A_1008] : memref<819200x32xf32, #tpu.memory_space<hbm>> -> memref<512x32xf32, #tpu.memory_space<hbm>>
    tpu.enqueue_dma source(%arg12 : memref<512x32xf32, #tpu.memory_space<vmem>>) target(%dma_start3A_1009 : memref<512x32xf32, #tpu.memory_space<hbm>>) target_semaphore(%arg18 : memref<!tpu.dma_semaphore, #tpu.memory_space<semaphore_mem>>)
    %dma_wait3A_1010 = arith.constant 25088 : i32
    %dma_wait3A_1011 = tpu.memref_slice %arg9[%dma_wait3A_1010] : memref<25600xi32, #tpu.memory_space<vmem>> -> memref<512xi32, #tpu.memory_space<vmem>>
    %dma_wait3A_1012 = arith.constant 0 : i32
    %dma_wait3A_1013 = arith.constant 0 : i32
    %dma_wait3A_1014 = tpu.memref_slice %arg5[%dma_wait3A_1012, %dma_wait3A_1013] : memref<1000000x32xf32, #tpu.memory_space<hbm>> -> memref<1000000x32xf32, #tpu.memory_space<hbm>>
    tpu.wait_indirect_dma semaphore(%arg17 : memref<!tpu.dma_semaphore, #tpu.memory_space<semaphore_mem>>) src(%dma_wait3A_1014 : memref<1000000x32xf32, #tpu.memory_space<hbm>>) dst(%arg13 : memref<512x32xf32, #tpu.memory_space<vmem>>)
    %add3A_1015 = arith.constant 25088 : i32
    %add3A_1016 = arith.addi %mul3A_4, %add3A_1015 : i32
    %dma_start3A_1017 = arith.constant 0 : i32
    %dma_start3A_1018 = tpu.memref_slice %arg6[%add3A_1016, %dma_start3A_1017] : memref<819200x32xf32, #tpu.memory_space<hbm>> -> memref<512x32xf32, #tpu.memory_space<hbm>>
    %dma_start3A_1019 = arith.constant 0 : i32
    %dma_start3A_1020 = tpu.memref_slice %arg6[%add3A_1016, %dma_start3A_1019] : memref<819200x32xf32, #tpu.memory_space<hbm>> -> memref<512x32xf32, #tpu.memory_space<hbm>>
    tpu.enqueue_dma source(%arg13 : memref<512x32xf32, #tpu.memory_space<vmem>>) target(%dma_start3A_1020 : memref<512x32xf32, #tpu.memory_space<hbm>>) target_semaphore(%arg19 : memref<!tpu.dma_semaphore, #tpu.memory_space<semaphore_mem>>)
    %dma_wait3A_1021 = arith.constant 0 : i32
    %dma_wait3A_1022 = tpu.memref_slice %arg6[%add3A_1016, %dma_wait3A_1021] : memref<819200x32xf32, #tpu.memory_space<hbm>> -> memref<512x32xf32, #tpu.memory_space<hbm>>
    %dma_wait3A_1023 = arith.constant 0 : i32
    %dma_wait3A_1024 = tpu.memref_slice %arg6[%add3A_1016, %dma_wait3A_1023] : memref<819200x32xf32, #tpu.memory_space<hbm>> -> memref<512x32xf32, #tpu.memory_space<hbm>>
    tpu.wait_dma2 semaphore(%arg19 : memref<!tpu.dma_semaphore, #tpu.memory_space<semaphore_mem>>) src(%arg13 : memref<512x32xf32, #tpu.memory_space<vmem>>) dst(%dma_wait3A_1024 : memref<512x32xf32, #tpu.memory_space<hbm>>)
    %dma_wait3A_1025 = arith.constant 0 : i32
    %dma_wait3A_1026 = tpu.memref_slice %arg7[%mul3A_2, %dma_wait3A_1025] : memref<16384x32xf32, #tpu.memory_space<hbm>> -> memref<512x32xf32, #tpu.memory_space<hbm>>
    %dma_wait3A_1027 = arith.constant 0 : i32
    %dma_wait3A_1028 = tpu.memref_slice %arg7[%mul3A_2, %dma_wait3A_1027] : memref<16384x32xf32, #tpu.memory_space<hbm>> -> memref<512x32xf32, #tpu.memory_space<hbm>>
    tpu.wait_dma2 semaphore(%arg21 : memref<!tpu.dma_semaphore, #tpu.memory_space<semaphore_mem>>) src(%arg14 : memref<512x32xf32, #tpu.memory_space<vmem>>) dst(%dma_wait3A_1028 : memref<512x32xf32, #tpu.memory_space<hbm>>)
    %dma_wait3A_1029 = arith.constant 0 : i32
    %dma_wait3A_1030 = tpu.memref_slice %arg8[%mul3A_2, %dma_wait3A_1029] : memref<16384x32xf32, #tpu.memory_space<hbm>> -> memref<512x32xf32, #tpu.memory_space<hbm>>
    %dma_wait3A_1031 = arith.constant 0 : i32
    %dma_wait3A_1032 = tpu.memref_slice %arg8[%mul3A_2, %dma_wait3A_1031] : memref<16384x32xf32, #tpu.memory_space<hbm>> -> memref<512x32xf32, #tpu.memory_space<hbm>>
    tpu.wait_dma2 semaphore(%arg21 : memref<!tpu.dma_semaphore, #tpu.memory_space<semaphore_mem>>) src(%arg15 : memref<512x32xf32, #tpu.memory_space<vmem>>) dst(%dma_wait3A_1032 : memref<512x32xf32, #tpu.memory_space<hbm>>)
    return
  }
}

</mosaic_0001>

<sc_bundles>
// kernel: _sc_gather.3.cloned.1.call-start
scs
__scs_entry_jumppad:
0x0: {  	(pc) =	sbr.rel $0x88, $3  }
0x1: {  	(tag) =	ssettag $0x0;
	lr =	simm.s32 $0x1  }
0x2: {  	[smem:$0x3F9D] =	sst lr;
	_ =	strace $0xD0000000  }
0x3: {  	_ = 	snop  }
0x4: {  	_ = 	snop  }
0x5: {  	_ = 	snop  }
0x6: {  	_ = 	snop  }
0x7: {  	_ = 	snop  }
__scs_overlays_trampoline_lowered:
0x8: {  	[smem:$0x3FAC] =	sst s0  }
0x9: {  	[smem:$0x3FAD] =	sst s1  }
0xa: {  	[smem:$0x3FAE] =	sst s2  }
0xb: {  	[smem:$0x3FAF] =	sst s3  }
0xc: {  	[smem:$0x3FB0] =	sst s4  }
0xd: {  	[smem:$0x3FB1] =	sst s5  }
0xe: {  	[smem:$0x3FB2] =	sst s6  }
0xf: {  	[smem:$0x3FB3] =	sst s7  }
0x10: {  	[smem:$0x3FB4] =	sst s8  }
0x11: {  	[smem:$0x3FB5] =	sst s9;
	s0 =	simm.s32 @!p0 $0x0  }
0x12: {  	s1 =	sld [smem:$0x3F9B];
	s0 =	simm.s32 @p0 $0x1  }
0x13: {  	[smem:$0x3FB6] =	sst s0;
	s0 =	simm.s32 @!p1 $0x0  }
0x14: {  	s2 =	sld [smem:$0x3F9A];
	s0 =	simm.s32 @p1 $0x1  }
0x15: {  	[smem:$0x3FB7] =	sst s0;
	s0 =	simm.s32 @!p2 $0x0  }
0x16: {  	s3 =	sld [smem:$0x3FDB];
	s0 =	simm.s32 @p2 $0x1  }
0x17: {  	s4 =	simm.s32 $0x1BF5;
	[smem:$0x3FB9] =	sst s0  }
0x18: {  	s0 =	sld [smem:$0x3F9C];
	_ =	swait.ge [sflag:s4], $0x0  }
0x19: {  	s7 =	sld [smem:$0x3F9D]  }
0x1a: {  	s8 =	sadd.s32 $0xFFFFE003, lr  }
0x1b: {  	s9 =	sadd.s32 $0xFFFFFEF7, lr;
	s5 =	simm.s32 $0xFFFFFFFF;
	p2 =	slt.u32 s8, $0xFFFFF086  }
0x1c: {  	p1 =	slt.u32 s9, $0xF7A;
	s5 =	simm.s32 @!p2 $0x0  }
0x1d: {  	s5 =	simm.s32 @p1 $0x1;
	p0 =	seq.s32 s7, s2  }
0x1e: {  	s7 =	smul.u32 @!p0 $0xF7A, s2;
	p2 =	seq.s32 @!p0 s5, $0x0  }
0x1f: {  	s9 =	smul.u32 $0xF7A, s1;
	s8 =	simm.s32 @!p0 $0x1BF5;
	p2 =	por !p2, p0  }
0x20: {  	[sflag:s8] =	ssyncset.s32 @!p0 $0xFFFFF086;
	s6 =	sadd.s32 @!p0 s3, s7;
	s7 =	simm.s32 @!p0 $0x108  }
0x21: {  	s3 =	sadd.s32 s3, s9;
	s6 =	sadd.s32 @!p0 $0x88, s6;
	s7 =	simm.s32 @p2 $0x1082  }
0x22: {  	[simem:s7], [sflag:s8] =	dma.local @!p0 [hbm:s6], $0xF7A  }
0x23: {  	s9 =	sor.u32 $0xD0000000, s2;
	s6 =	simm.s32 $0x108;
	_ =	swait.ge @!p0 [sflag:s8], $0x0  }
0x24: {  	s3 =	sadd.s32 $0x88, s3;
	s6 =	simm.s32 @!p1 $0x1082;
	[sflag:s4] =	ssyncset.s32 $0xFFFFF086  }
0x25: {  	[simem:s6], [sflag:s4] =	dma.local [hbm:s3], $0xF7A  }
0x26: {  	[smem:$0x3F9D] =	sst s1;
	(tag) =	ssettag s2;
	_ =	strace s9  }
0x27: {  	s1 =	sld [smem:$0x3FAD]  }
0x28: {  	s2 =	sld [smem:$0x3FAE]  }
0x29: {  	s4 =	sld [smem:$0x3FB0]  }
0x2a: {  	p0 =	seq.s32 s5, $0x0;
	s5 =	sld [smem:$0x3FB1]  }
0x2b: {  	s6 =	sld [smem:$0x3FB2]  }
0x2c: {  	s7 =	sld [smem:$0x3FB3]  }
0x2d: {  	s3 =	simm.s32 $0x108;
	s8 =	sld [smem:$0x3FB4]  }
0x2e: {  	s3 =	simm.s32 @!p0 $0x1082;
	s9 =	sld [smem:$0x3FB5]  }
0x2f: {  	lr =	sadd.s32 s0, s3;
	s0 =	sld [smem:$0x3FAC]  }
0x30: {  	s3 =	sld [smem:$0x3FAF]  }
0x31: {  	[smem:$0x3FB8] =	sst s10  }
0x32: {  	s10 =	sld [smem:$0x3FB6];
	_ =	sdelay $0x3  }
0x33: {  	p0 =	seq.s32 s10, $0x1;
	s10 =	sld [smem:$0x3FB8];
	_ =	sdelay $0x3  }
0x34: {  	[smem:$0x3FB8] =	sst s10  }
0x35: {  	s10 =	sld [smem:$0x3FB7];
	_ =	sdelay $0x3  }
0x36: {  	p1 =	seq.s32 s10, $0x1;
	s10 =	sld [smem:$0x3FB8];
	_ =	sdelay $0x3  }
0x37: {  	[smem:$0x3FB8] =	sst s10  }
0x38: {  	s10 =	sld [smem:$0x3FB9]  }
0x39: {  	_ = 	snop;
	(pc) =	sbr.ind lr, $3  }
0x3a: {  	_ = 	snop  }
0x3b: {  	_ = 	snop  }
0x3c: {  	p2 =	seq.s32 s10, $0x1;
	s10 =	sld [smem:$0x3FB8]  }
0x3d: {  	_ =	shalt  }
0x3e: {  	_ =	shalt  }
0x3f: {  	_ =	shalt  }
0x40: {  	_ =	shalt  }
0x41: {  	_ =	shalt  }
0x42: {  	_ =	shalt  }
0x43: {  	_ =	shalt  }
0x44: {  	_ =	shalt  }
0x45: {  	_ =	shalt  }
0x46: {  	_ =	shalt  }
0x47: {  	_ =	shalt  }
0x48: {  	_ =	shalt  }
0x49: {  	_ =	shalt  }
0x4a: {  	_ =	shalt  }
0x4b: {  	_ =	shalt  }
0x4c: {  	_ =	shalt  }
0x4d: {  	_ =	shalt  }
0x4e: {  	_ =	shalt  }
0x4f: {  	_ =	shalt  }
0x50: {  	_ =	shalt  }
0x51: {  	_ =	shalt  }
0x52: {  	_ =	shalt  }
0x53: {  	_ =	shalt  }
0x54: {  	_ =	shalt  }
0x55: {  	_ =	shalt  }
0x56: {  	_ =	shalt  }
0x57: {  	_ =	shalt  }
0x58: {  	_ =	shalt  }
0x59: {  	_ =	shalt  }
0x5a: {  	_ =	shalt  }
0x5b: {  	_ =	shalt  }
0x5c: {  	_ =	shalt  }
0x5d: {  	_ =	shalt  }
0x5e: {  	_ =	shalt  }
0x5f: {  	_ =	shalt  }
0x60: {  	_ =	shalt  }
0x61: {  	_ =	shalt  }
0x62: {  	_ =	shalt  }
0x63: {  	_ =	shalt  }
0x64: {  	_ =	shalt  }
0x65: {  	_ =	shalt  }
0x66: {  	_ =	shalt  }
0x67: {  	_ =	shalt  }
0x68: {  	_ =	shalt  }
0x69: {  	_ =	shalt  }
0x6a: {  	_ =	shalt  }
0x6b: {  	_ =	shalt  }
0x6c: {  	_ =	shalt  }
0x6d: {  	_ =	shalt  }
0x6e: {  	_ =	shalt  }
0x6f: {  	_ =	shalt  }
0x70: {  	_ =	shalt  }
0x71: {  	_ =	shalt  }
0x72: {  	_ =	shalt  }
0x73: {  	_ =	shalt  }
0x74: {  	_ =	shalt  }
0x75: {  	_ =	shalt  }
0x76: {  	_ =	shalt  }
0x77: {  	_ =	shalt  }
0x78: {  	_ =	shalt  }
0x79: {  	_ =	shalt  }
0x7a: {  	_ =	shalt  }
0x7b: {  	_ =	shalt  }
0x7c: {  	_ =	shalt  }
0x7d: {  	_ =	shalt  }
0x7e: {  	_ =	shalt  }
0x7f: {  	_ =	shalt  }
0x80: {  	_ =	shalt  }
0x81: {  	_ =	shalt  }
0x82: {  	_ =	shalt  }
0x83: {  	_ =	shalt  }
0x84: {  	_ =	shalt  }
0x85: {  	_ =	shalt  }
0x86: {  	_ =	shalt  }
0x87: {  	_ =	shalt  }
.Lfunc_end0:
.L_simem_size_0:
called_computation.1_lowered:
.L_overlay_start_0:
0x88: {  	s2 =	sld [smem:$0x3FD9]  }
0x89: {  	s3 =	sld [smem:$0x3FFE];
	_ =	sdelay $0x1  }
0x8a: {  	s1 =	srdreg.scid  }
0x8b: {  	s0 =	sand.u32 $0x1, s1  }
0x8c: {  	s14 =	sshll.u32 s0, $0xA;
	s2 =	sadd.s32 s3, s2  }
0x8d: {  	s2 =	sadd.s32 s2, s14  }
0x8e: {  	[smem:$0x3FC4] =	sst s2  }
0x8f: {  	_ = 	snop  }
0x90: {  	s2 =	sld [smem:$0x3FD0]  }
0x91: {  	s15 =	sld [smem:$0x3FC9]  }
0x92: {  	s4 =	sld [smem:$0x3FC8]  }
0x93: {  	s6 =	simm.s32 $0xA;
	s7 =	simm.s32 $0x10;
	s5 =	sld [smem:$0x3FC7]  }
0x94: {  	[smem:s7], [sflag:s6] =	dma.local [hbm:s2], $0x1  }
0x95: {  	_ =	swait.eq [sflag:s6], $0x1  }
0x96: {  	[sflag:s6] =	ssyncset.done $0x0  }
0x97: {  	s16 =	sld [smem:$0x10];
	[sflag:s6] =	ssyncadd.s32 $0xFFFFFFFF  }
0x98: {  	s17 =	sld [smem:$0x12];
	(tm) =	ssettm $0x1  }
0x99: {  	s18 =	sld [smem:$0x3FFB];
	_ =	sdelay $0x3  }
0x9a: {  	_ =	strace s18  }
0x9b: {  	s7 =	sld [smem:$0x3FFC];
	_ =	sdelay $0x3  }
0x9c: {  	_ =	strace s7  }
0x9d: {  	s7 =	sld [smem:$0x3FFD];
	_ =	sdelay $0x3  }
0x9e: {  	_ =	strace s7  }
0x9f: {  	_ =	strace $0x8FFFFFFF  }
0xa0: {  	s19 =	sld [smem:$0x3FDB];
	_ =	sdelay $0x1  }
0xa1: {  	s8 =	simm.s32 $_scs_section_size  }
0xa2: {  	s9 =	simm.s32 $_size__tile_overlayer_lowered;
	s10 =	simm.s32 $_tile_overlayer_lowered  }
0xa3: {  	s22 =	simm.s32 $0x1BFF;
	s21 =	sshll.u32 s10, $0x1;
	s7 =	sadd.s32 s8, s19  }
0xa4: {  	s11 =	simm.s32 $0x0;
	s20 =	sshll.u32 s9, $0x1;
	s9 =	sadd.s32 s21, s7  }
0xa5: {  	[timem:s11], [sflag:s22] =	dma.local [hbm:s9], s20  }
0xa6: {  	_ =	swait.ge [sflag:s22], s20  }
0xa7: {  	s8 =	ssub.s32 $0x0, s20;
	[sflag:s22] =	ssyncset.done $0x0  }
0xa8: {  	[sflag:s22] =	ssyncadd.s32 s8;
	_ =	sdelay $0x1  }
0xa9: {  	s23 =	simm.s32 $0x1B8B  }
0xaa: {  	_ =	swait.ge [sflag:s23], $0x1  }
0xab: {  	[sflag:s23] =	ssyncset.done $0x0  }
0xac: {  	s25 =	simm.s32 $0x1B8E;
	s24 =	sld [smem:$0x3FFE];
	[sflag:s23] =	ssyncadd.s32 $0xFFFFFFFF  }
0xad: {  	s26 =	simm.s32 $execute0_lowered;
	[smem:$0x3FD2] =	sst s25  }
0xae: {  	s9 =	sshll.u32 s26, $0x1;
	_ =	strace $0x80000046;
	[dreg:$0x1] =	wrdreg $0xFFFFFFFF  }
0xaf: {  	s28 =	simm.s32 $_size_execute0_lowered;
	s7 =	sadd.s32 s7, s9;
	[dreg:$0x0] =	wrdreg $0x0  }
0xb0: {  	s9 =	sshll.u32 s28, $0x1;
	[dreg:$0x2] =	wrdreg s7  }
0xb1: {  	[dreg:$0x3] =	wrdreg s9  }
0xb2: {  	[dreg:$0x4] =	wrdreg $0xC0  }
0xb3: {  	_ =	task [dreg:s11], $0x5FFFF  }
0xb4: {  	[dreg:$0x1] =	wrdreg $0xFFFFFFFF  }
0xb5: {  	[dreg:$0x0] =	wrdreg $0x60  }
0xb6: {  	[dreg:$0x2] =	wrdreg s15  }
0xb7: {  	[dreg:$0x3] =	wrdreg s4  }
0xb8: {  	[dreg:$0x4] =	wrdreg s5  }
0xb9: {  	[dreg:$0x5] =	wrdreg s24  }
0xba: {  	[dreg:$0x6] =	wrdreg s16  }
0xbb: {  	[dreg:$0x7] =	wrdreg s17  }
0xbc: {  	[dreg:$0x8] =	wrdreg $0x9  }
0xbd: {  	_ =	task.clear_ibuf [dreg:s11], $0x9FFFF;
	_ =	strace $0x90000046  }
0xbe: {  	s29 =	simm.s32 $0x9;
	_ =	strace $0x80000048  }
0xbf: {  	_ =	swait.ge [sflag:s29], $0x1  }
0xc0: {  	[sflag:s29] =	ssyncadd.s32 $0xFFFFFFFF  }
0xc1: {  	_ =	strace $0x90000048  }
0xc2: {  	_ =	sfence  }
0xc3: {  	s30 =	sld [smem:$0x0];
	_ =	sdelay $0x2  }
0xc4: {  	s31 =	sshll.u32 s1, $0xD;
	s1 =	sshrl.u32 s1, $0x2  }
0xc5: {  	s3 =	sand.u32 $0x4000, s31;
	s1 =	sadd.s32 s1, s30  }
0xc6: {  	s0 =	sor.u32 s3, s0;
	s1 =	sshll.u32 s1, $0x11  }
0xc7: {  	s0 =	sor.u32 s1, s0  }
0xc8: {  	s0 =	sadd.s32 $0x8F2B, s0  }
0xc9: {  	[sflag:s0] =	ssyncadd.remote.s32 $0x1  }
0xca: {  	_ =	sfence.sel $0xFFFF  }
0xcb: {  	[dreg:$0x0] =	wrdreg $0xFFFFFFFF;
	(pc) =	sbr.abs _section_cstart, $3  }
0xcc: {  	[dreg:$0x1] =	wrdreg $0xFFFFFFFF  }
0xcd: {  	_ =	task.clear_ibuf [dreg:s11], $0x2FFFF;
	_ =	strace $0x9FFFFFFF  }
0xce: {  	(tm) =	ssettm $0x7FFFFFFF  }
0xcf: {  	_ =	shalt  }
tec
execute0_lowered:
.L_overlay_start_1:
0x0: {  	(tag) =	ssettag $0x1  }
0x1: {  	s0 =	rddreg [dreg:$0x0]  }
0x2: {  	s1 =	rddreg [dreg:$0x1]  }
0x3: {  	s4 =	rddreg [dreg:$0x2]  }
0x4: {  	s5 =	rddreg [dreg:$0x3]  }
0x5: {  	s6 =	rddreg [dreg:$0x4]  }
0x6: {  	s7 =	rddreg [dreg:$0x5]  }
0x7: {  	s3 =	srdreg.scid;
	s9 =	stileid.u32  }
0x8: {  	s2 =	simm.s32 $0x0;
	s8 =	sand.u32 $0x1, s3;
	s22 =	sshll.u32 s9, $0x1  }
0x9: {  	[smem:$0x7FF] =	sst s2;
	s9 =	sor.u32 s8, s22  }
0xa: {  	s3 =	sadd.s32 $0xF43400, s5;
	_ =	strace $0x80000047;
	s13 =	sshll.u32 s9, $0x6  }
0xb: {  	s10 =	sshll.u32 s9, $0xB;
	s11 =	smul.u32 $0xC80, s9;
	s0 =	sadd.s32 s0, s13  }
0xc: {  	s14 =	smul.u32 $0xC8000, s9;
	s23 =	sadd.s32 s1, s13;
	[dreg:$0x8] =	wrdreg s0  }
0xd: {  	s5 =	sadd.s32 s10, s5;
	s26 =	sadd.s32 s7, s10;
	[dreg:$0x9] =	wrdreg s23  }
0xe: {  	s4 =	sadd.s32 s4, s11;
	s25 =	sshrl.u32 s14, $0x3;
	[dreg:$0xa] =	wrdreg s26  }
0xf: {  	s7 =	sadd.s32 $0x1000, s5;
	[dreg:$0x7] =	wrdreg s4;
	s1 =	sadd.s32 s6, s25  }
0x10: {  	s24 =	smul.u32 $0x19000, s9;
	[dreg:$0xb] =	wrdreg s7;
	s9 =	sadd.s32 $0x1000, s1  }
0x11: {  	s8 =	ssub.s32 $0x2, s8;
	s10 =	sadd.s32 $0x1800, s1;
	[dreg:$0xc] =	wrdreg s9  }
0x12: {  	s12 =	sshrl.u32 s8, $0x1;
	s11 =	sadd.s32 $0x2000, s1;
	[dreg:$0xd] =	wrdreg s10  }
0x13: {  	s8 =	ssub.s32 s8, s12;
	s12 =	sadd.s32 $0x2800, s1;
	[dreg:$0xe] =	wrdreg s11  }
0x14: {  	s13 =	sadd.s32 $0x3000, s1;
	[dreg:$0xf] =	wrdreg s12  }
0x15: {  	s14 =	sadd.s32 $0x3800, s1;
	[dreg:$0x10] =	wrdreg s13  }
0x16: {  	s15 =	sadd.s32 $0x4000, s1;
	[dreg:$0x11] =	wrdreg s14  }
0x17: {  	s16 =	sadd.s32 $0x4800, s1;
	[dreg:$0x12] =	wrdreg s15  }
0x18: {  	s17 =	sadd.s32 $0x5000, s1;
	[dreg:$0x13] =	wrdreg s16  }
0x19: {  	s18 =	sadd.s32 $0x5800, s1;
	[dreg:$0x14] =	wrdreg s17  }
0x1a: {  	s19 =	sadd.s32 $0x6000, s1;
	[dreg:$0x15] =	wrdreg s18  }
0x1b: {  	s20 =	sadd.s32 $0x6800, s1;
	[dreg:$0x16] =	wrdreg s19  }
0x1c: {  	s21 =	sadd.s32 $0x7000, s1;
	[dreg:$0x17] =	wrdreg s20  }
0x1d: {  	s22 =	sadd.s32 $0x7800, s1;
	[dreg:$0x18] =	wrdreg s21  }
0x1e: {  	s23 =	sadd.s32 $0x8000, s1;
	[dreg:$0x19] =	wrdreg s22  }
0x1f: {  	s0 =	sadd.s32 s6, s24;
	s24 =	sadd.s32 $0x8800, s1;
	[dreg:$0x1a] =	wrdreg s23  }
0x20: {  	s25 =	sadd.s32 $0x9000, s1;
	[dreg:$0x1b] =	wrdreg s24  }
0x21: {  	s26 =	sadd.s32 $0x9800, s1;
	[dreg:$0x1c] =	wrdreg s25  }
0x22: {  	s5 =	sadd.s32 $0xA000, s1;
	[dreg:$0x1d] =	wrdreg s26  }
0x23: {  	s6 =	sadd.s32 $0xA800, s1;
	[dreg:$0x1e] =	wrdreg s5  }
0x24: {  	s7 =	sadd.s32 $0xB000, s1;
	[dreg:$0x1f] =	wrdreg s6  }
0x25: {  	[smem:$0x7EB] =	sst s7;
	s9 =	sadd.s32 $0xB800, s1  }
0x26: {  	s10 =	sadd.s32 $0xC000, s1;
	[smem:$0x7EC] =	sst s9  }
0x27: {  	s11 =	sadd.s32 $0xC800, s1;
	[smem:$0x7ED] =	sst s10  }
0x28: {  	s12 =	sadd.s32 $0xD000, s1;
	[smem:$0x7EE] =	sst s11  }
0x29: {  	s13 =	sadd.s32 $0xD800, s1;
	[smem:$0x7EF] =	sst s12  }
0x2a: {  	s14 =	sadd.s32 $0xE000, s1;
	[smem:$0x7F0] =	sst s13  }
0x2b: {  	s15 =	sadd.s32 $0xE800, s1;
	[smem:$0x7F1] =	sst s14  }
0x2c: {  	s16 =	sadd.s32 $0xF000, s1;
	[smem:$0x7F2] =	sst s15  }
0x2d: {  	s17 =	sadd.s32 $0xF800, s1;
	[smem:$0x7F3] =	sst s16  }
0x2e: {  	s18 =	sadd.s32 $0x10000, s1;
	[smem:$0x7F4] =	sst s17  }
0x2f: {  	s19 =	sadd.s32 $0x10800, s1;
	[smem:$0x7F5] =	sst s18  }
0x30: {  	s30 =	smax.u32 s8, $0x1;
	s20 =	sadd.s32 $0x11000, s1;
	[smem:$0x7F6] =	sst s19  }
0x31: {  	s8 =	simm.s32 $0x5;
	s21 =	sadd.s32 $0x11800, s1;
	[smem:$0x7F7] =	sst s20  }
0x32: {  	s31 =	sadd.s32 $0x800, s0;
	s22 =	sadd.s32 $0x12000, s1;
	[smem:$0x7F8] =	sst s21  }
0x33: {  	s4 =	simm.s32 $0x6600;
	s23 =	sadd.s32 $0x12800, s1;
	[smem:$0x7F9] =	sst s22  }
0x34: {  	s28 =	sadd.s32 $0x18000, s1;
	s24 =	sadd.s32 $0x13000, s1;
	[smem:$0x7FA] =	sst s23  }
0x35: {  	s29 =	sadd.s32 $0x18800, s1;
	s25 =	sadd.s32 $0x13800, s1;
	[smem:$0x7FB] =	sst s24  }
0x36: {  	s26 =	sadd.s32 $0x14000, s1;
	s5 =	simm.s32 $0x200;
	[smem:$0x7FC] =	sst s25  }
0x37: {  	s6 =	simm.s32 $0xE800;
	s7 =	simm.s32 $0x12800;
	[smem:$0x7FD] =	sst s26  }
0x38: {  	s21 =	sadd.s32 $0x14800, s1;
	s22 =	sadd.s32 $0x15000, s1;
	s23 =	sadd.s32 $0x15800, s1  }
0x39: {  	s24 =	sadd.s32 $0x16000, s1;
	s25 =	sadd.s32 $0x16800, s1;
	s26 =	sadd.s32 $0x17000, s1  }
0x3a: {  	s9 =	sadd.s32 $0x17800, s1;
	s20 =	smov.u32 s0;
	s0 =	simm.s32 $0x7  }
0x3b: {  	s1 =	simm.s32 $0x6400;
	s10 =	simm.s32 $0x6800;
	s11 =	simm.s32 $0xA800  }
0x3c: {  	s12 =	simm.s32 $0x1;
	s13 =	simm.s32 $0x3;
	s14 =	simm.s32 $0x2  }
0x3d: {  	s15 =	simm.s32 $0x4;
	s16 =	simm.s32 $0x6;
	s17 =	simm.s32 $0x0  }
.LBB2_1:
0x3e: {  	s18 =	rddreg [dreg:$0x7]  }
0x3f: {  	[tilespmem:s2], [sflag:$0x7] =	stream.linear.gather [hbm4b:s18+s2], $0x6400, $0x38;
	[tilespmem:$0x16800] =	vst v63  }
0x40: {  	_ =	swait.ge [sflag:s0], $0x6400  }
0x41: {  	[sflag:s0] =	ssyncset.done $0x0  }
0x42: {  	s19 =	rddreg [dreg:$0x8];
	[sflag:s0] =	ssyncadd.s32 $0xFFFF9C00  }
0x43: {  	[tilespmem:s1], [sflag:$0x7] =	stream.linear.gather [hbm4b:s19+s2], $0x200, $0x38;
	[tilespmem:$0x16800] =	vst v63  }
0x44: {  	_ =	swait.ge [sflag:s0], $0x200  }
0x45: {  	[sflag:s0] =	ssyncset.done $0x0  }
0x46: {  	s19 =	rddreg [dreg:$0x9];
	[sflag:s0] =	ssyncadd.s32 $0xFFFFFE00  }
0x47: {  	[tilespmem:s4], [sflag:$0x7] =	stream.linear.gather [hbm4b:s19+s2], $0x200, $0x38;
	[tilespmem:$0x16800] =	vst v63  }
0x48: {  	_ =	swait.ge [sflag:s0], $0x200  }
0x49: {  	[sflag:s0] =	ssyncset.done $0x0  }
0x4a: {  	s18 =	simm.s32 $0x0;
	s19 =	simm.s32 $0x40;
	[sflag:s0] =	ssyncadd.s32 $0xFFFFFE00  }
.LBB2_2:
0x4b: {  	p0 =	sne.s32 s19, $0x18FC0;
	v0 =	vld [tilespmem:s18+$0x0];
	_ =	sdelay $0x2  }
.Ltmp0:
0x4c: {  	(pc) =	sbr.rel @p0 .LBB2_2-.Ltmp0, $4  }
0x4d: {  	_ = 	snop  }
0x4e: {  	vm0 =	vlt.s32 v0, $0xF423F  }
0x4f: {  	v0 =	vnsel vm0, $0xF423F, v0  }
0x50: {  	[tilespmem:s18+$0x0] =	vst v0;
	s18 =	sshra.s32 s19, $0x2;
	s19 =	sadd.s32 $0x40, s19  }
0x51: {  	v0 =	vld [tilespmem:s18+$0x0];
	_ =	sdelay $0x4  }
0x52: {  	vm0 =	vlt.s32 v0, $0xF423F  }
0x53: {  	v0 =	vnsel vm0, $0xF423F, v0  }
0x54: {  	[tilespmem:s18+$0x0] =	vst v0  }
0x55: {  	[tilespmem:s6], [sflag:$0x5] =	stream.indirect.gather [hbm4b:s3+s5], $0x20, s1, s5, $0xb8;
	[tilespmem:$0x16800] =	vst v63  }
0x56: {  	_ = 	snop  }
0x57: {  	[tilespmem:s7], [sflag:$0x5] =	stream.indirect.gather [hbm4b:s3+s5], $0x20, s4, s5, $0xb8;
	[tilespmem:$0x16800] =	vst v63  }
0x58: {  	_ =	swait.ge [sflag:s8], $0x4000  }
0x59: {  	[sflag:s8] =	ssyncset.done $0x0  }
0x5a: {  	[sflag:s8] =	ssyncadd.s32 $0xFFFFC000  }
0x5b: {  	_ =	swait.ge [sflag:s8], $0x4000  }
0x5c: {  	[sflag:s8] =	ssyncset.done $0x0  }
0x5d: {  	s19 =	rddreg [dreg:$0xa];
	[sflag:s8] =	ssyncadd.s32 $0xFFFFC000  }
0x5e: {  	[hbm4b:s19+s2] =	stream.linear.scatter [tilespmem:s6], [sflag:$0x6], $0x4000, $0x38;
	[tilespmem:$0x16800] =	vst v63  }
0x5f: {  	s19 =	rddreg [dreg:$0xb]  }
0x60: {  	[hbm4b:s19+s2] =	stream.linear.scatter [tilespmem:s7], [sflag:$0x6], $0x4000, $0x38;
	[tilespmem:$0x16800] =	vst v63  }
0x61: {  	_ = 	snop  }
0x62: {  	[tilespmem:s10], [sflag:$0x1] =	stream.indirect.gather [hbm4b:s3+s5], $0x20, s2, s5, $0xb8;
	[tilespmem:$0x16800] =	vst v63  }
0x63: {  	_ = 	snop  }
0x64: {  	[tilespmem:s11], [sflag:$0x2] =	stream.indirect.gather [hbm4b:s3+s5], $0x20, s5, s5, $0xb8;
	[tilespmem:$0x16800] =	vst v63  }
0x65: {  	_ =	swait.ge [sflag:s12], $0x4000  }
0x66: {  	[sflag:s12] =	ssyncset.done $0x0  }
0x67: {  	[sflag:s12] =	ssyncadd.s32 $0xFFFFC000  }
0x68: {  	[hbm4b:s20+s2] =	stream.linear.scatter [tilespmem:s10], [sflag:$0x3], $0x4000, $0x38;
	[tilespmem:$0x16800] =	vst v63  }
0x69: {  	_ =	swait.ge [sflag:s13], $0x4000  }
0x6a: {  	[sflag:s13] =	ssyncset.done $0x0  }
0x6b: {  	s19 =	simm.s32 $0x400;
	[sflag:s13] =	ssyncadd.s32 $0xFFFFC000  }
0x6c: {  	[tilespmem:s10], [sflag:$0x1] =	stream.indirect.gather [hbm4b:s3+s5], $0x20, s19, s5, $0xb8;
	[tilespmem:$0x16800] =	vst v63  }
0x6d: {  	_ =	swait.ge [sflag:s14], $0x4000  }
0x6e: {  	[sflag:s14] =	ssyncset.done $0x0  }
0x6f: {  	[sflag:s14] =	ssyncadd.s32 $0xFFFFC000  }
0x70: {  	[hbm4b:s31+s2] =	stream.linear.scatter [tilespmem:s11], [sflag:$0x4], $0x4000, $0x38;
	[tilespmem:$0x16800] =	vst v63  }
0x71: {  	_ =	swait.ge [sflag:s15], $0x4000  }
0x72: {  	[sflag:s15] =	ssyncset.done $0x0  }
0x73: {  	s19 =	simm.s32 $0x600;
	[sflag:s15] =	ssyncadd.s32 $0xFFFFC000  }
0x74: {  	[tilespmem:s11], [sflag:$0x2] =	stream.indirect.gather [hbm4b:s3+s5], $0x20, s19, s5, $0xb8;
	[tilespmem:$0x16800] =	vst v63  }
0x75: {  	_ =	swait.ge [sflag:s12], $0x4000  }
0x76: {  	[sflag:s12] =	ssyncset.done $0x0  }
0x77: {  	s19 =	rddreg [dreg:$0xc];
	[sflag:s12] =	ssyncadd.s32 $0xFFFFC000  }
0x78: {  	[hbm4b:s19+s2] =	stream.linear.scatter [tilespmem:s10], [sflag:$0x3], $0x4000, $0x38;
	[tilespmem:$0x16800] =	vst v63  }
0x79: {  	_ =	swait.ge [sflag:s13], $0x4000  }
0x7a: {  	[sflag:s13] =	ssyncset.done $0x0  }
0x7b: {  	s19 =	simm.s32 $0x800;
	[sflag:s13] =	ssyncadd.s32 $0xFFFFC000  }
0x7c: {  	[tilespmem:s10], [sflag:$0x1] =	stream.indirect.gather [hbm4b:s3+s5], $0x20, s19, s5, $0xb8;
	[tilespmem:$0x16800] =	vst v63  }
0x7d: {  	_ =	swait.ge [sflag:s14], $0x4000  }
0x7e: {  	[sflag:s14] =	ssyncset.done $0x0  }
0x7f: {  	s19 =	rddreg [dreg:$0xd];
	[sflag:s14] =	ssyncadd.s32 $0xFFFFC000  }
0x80: {  	[hbm4b:s19+s2] =	stream.linear.scatter [tilespmem:s11], [sflag:$0x4], $0x4000, $0x38;
	[tilespmem:$0x16800] =	vst v63  }
0x81: {  	_ =	swait.ge [sflag:s15], $0x4000  }
0x82: {  	[sflag:s15] =	ssyncset.done $0x0  }
0x83: {  	s19 =	simm.s32 $0xA00;
	[sflag:s15] =	ssyncadd.s32 $0xFFFFC000  }
0x84: {  	[tilespmem:s11], [sflag:$0x2] =	stream.indirect.gather [hbm4b:s3+s5], $0x20, s19, s5, $0xb8;
	[tilespmem:$0x16800] =	vst v63  }
0x85: {  	_ =	swait.ge [sflag:s12], $0x4000  }
0x86: {  	[sflag:s12] =	ssyncset.done $0x0  }
0x87: {  	s19 =	rddreg [dreg:$0xe];
	[sflag:s12] =	ssyncadd.s32 $0xFFFFC000  }
0x88: {  	[hbm4b:s19+s2] =	stream.linear.scatter [tilespmem:s10], [sflag:$0x3], $0x4000, $0x38;
	[tilespmem:$0x16800] =	vst v63  }
0x89: {  	_ =	swait.ge [sflag:s13], $0x4000  }
0x8a: {  	[sflag:s13] =	ssyncset.done $0x0  }
0x8b: {  	s19 =	simm.s32 $0xC00;
	[sflag:s13] =	ssyncadd.s32 $0xFFFFC000  }
0x8c: {  	[tilespmem:s10], [sflag:$0x1] =	stream.indirect.gather [hbm4b:s3+s5], $0x20, s19, s5, $0xb8;
	[tilespmem:$0x16800] =	vst v63  }
0x8d: {  	_ =	swait.ge [sflag:s14], $0x4000  }
0x8e: {  	[sflag:s14] =	ssyncset.done $0x0  }
0x8f: {  	s19 =	rddreg [dreg:$0xf];
	[sflag:s14] =	ssyncadd.s32 $0xFFFFC000  }
0x90: {  	[hbm4b:s19+s2] =	stream.linear.scatter [tilespmem:s11], [sflag:$0x4], $0x4000, $0x38;
	[tilespmem:$0x16800] =	vst v63  }
0x91: {  	_ =	swait.ge [sflag:s15], $0x4000  }
0x92: {  	[sflag:s15] =	ssyncset.done $0x0  }
0x93: {  	s19 =	simm.s32 $0xE00;
	[sflag:s15] =	ssyncadd.s32 $0xFFFFC000  }
0x94: {  	[tilespmem:s11], [sflag:$0x2] =	stream.indirect.gather [hbm4b:s3+s5], $0x20, s19, s5, $0xb8;
	[tilespmem:$0x16800] =	vst v63  }
0x95: {  	_ =	swait.ge [sflag:s12], $0x4000  }
0x96: {  	[sflag:s12] =	ssyncset.done $0x0  }
0x97: {  	s19 =	rddreg [dreg:$0x10];
	[sflag:s12] =	ssyncadd.s32 $0xFFFFC000  }
0x98: {  	[hbm4b:s19+s2] =	stream.linear.scatter [tilespmem:s10], [sflag:$0x3], $0x4000, $0x38;
	[tilespmem:$0x16800] =	vst v63  }
0x99: {  	_ =	swait.ge [sflag:s13], $0x4000  }
0x9a: {  	[sflag:s13] =	ssyncset.done $0x0  }
0x9b: {  	s19 =	simm.s32 $0x1000;
	[sflag:s13] =	ssyncadd.s32 $0xFFFFC000  }
0x9c: {  	[tilespmem:s10], [sflag:$0x1] =	stream.indirect.gather [hbm4b:s3+s5], $0x20, s19, s5, $0xb8;
	[tilespmem:$0x16800] =	vst v63  }
0x9d: {  	_ =	swait.ge [sflag:s14], $0x4000  }
0x9e: {  	[sflag:s14] =	ssyncset.done $0x0  }
0x9f: {  	s19 =	rddreg [dreg:$0x11];
	[sflag:s14] =	ssyncadd.s32 $0xFFFFC000  }
0xa0: {  	[hbm4b:s19+s2] =	stream.linear.scatter [tilespmem:s11], [sflag:$0x4], $0x4000, $0x38;
	[tilespmem:$0x16800] =	vst v63  }
0xa1: {  	_ =	swait.ge [sflag:s15], $0x4000  }
0xa2: {  	[sflag:s15] =	ssyncset.done $0x0  }
0xa3: {  	s19 =	simm.s32 $0x1200;
	[sflag:s15] =	ssyncadd.s32 $0xFFFFC000  }
0xa4: {  	[tilespmem:s11], [sflag:$0x2] =	stream.indirect.gather [hbm4b:s3+s5], $0x20, s19, s5, $0xb8;
	[tilespmem:$0x16800] =	vst v63  }
0xa5: {  	_ =	swait.ge [sflag:s12], $0x4000  }
0xa6: {  	[sflag:s12] =	ssyncset.done $0x0  }
0xa7: {  	s19 =	rddreg [dreg:$0x12];
	[sflag:s12] =	ssyncadd.s32 $0xFFFFC000  }
0xa8: {  	[hbm4b:s19+s2] =	stream.linear.scatter [tilespmem:s10], [sflag:$0x3], $0x4000, $0x38;
	[tilespmem:$0x16800] =	vst v63  }
0xa9: {  	_ =	swait.ge [sflag:s13], $0x4000  }
0xaa: {  	[sflag:s13] =	ssyncset.done $0x0  }
0xab: {  	s19 =	simm.s32 $0x1400;
	[sflag:s13] =	ssyncadd.s32 $0xFFFFC000  }
0xac: {  	[tilespmem:s10], [sflag:$0x1] =	stream.indirect.gather [hbm4b:s3+s5], $0x20, s19, s5, $0xb8;
	[tilespmem:$0x16800] =	vst v63  }
0xad: {  	_ =	swait.ge [sflag:s14], $0x4000  }
0xae: {  	[sflag:s14] =	ssyncset.done $0x0  }
0xaf: {  	s19 =	rddreg [dreg:$0x13];
	[sflag:s14] =	ssyncadd.s32 $0xFFFFC000  }
0xb0: {  	[hbm4b:s19+s2] =	stream.linear.scatter [tilespmem:s11], [sflag:$0x4], $0x4000, $0x38;
	[tilespmem:$0x16800] =	vst v63  }
0xb1: {  	_ =	swait.ge [sflag:s15], $0x4000  }
0xb2: {  	[sflag:s15] =	ssyncset.done $0x0  }
0xb3: {  	s19 =	simm.s32 $0x1600;
	[sflag:s15] =	ssyncadd.s32 $0xFFFFC000  }
0xb4: {  	[tilespmem:s11], [sflag:$0x2] =	stream.indirect.gather [hbm4b:s3+s5], $0x20, s19, s5, $0xb8;
	[tilespmem:$0x16800] =	vst v63  }
0xb5: {  	_ =	swait.ge [sflag:s12], $0x4000  }
0xb6: {  	[sflag:s12] =	ssyncset.done $0x0  }
0xb7: {  	s19 =	rddreg [dreg:$0x14];
	[sflag:s12] =	ssyncadd.s32 $0xFFFFC000  }
0xb8: {  	[hbm4b:s19+s2] =	stream.linear.scatter [tilespmem:s10], [sflag:$0x3], $0x4000, $0x38;
	[tilespmem:$0x16800] =	vst v63  }
0xb9: {  	_ =	swait.ge [sflag:s13], $0x4000  }
0xba: {  	[sflag:s13] =	ssyncset.done $0x0  }
0xbb: {  	s19 =	simm.s32 $0x1800;
	[sflag:s13] =	ssyncadd.s32 $0xFFFFC000  }
0xbc: {  	[tilespmem:s10], [sflag:$0x1] =	stream.indirect.gather [hbm4b:s3+s5], $0x20, s19, s5, $0xb8;
	[tilespmem:$0x16800] =	vst v63  }
0xbd: {  	_ =	swait.ge [sflag:s14], $0x4000  }
0xbe: {  	[sflag:s14] =	ssyncset.done $0x0  }
0xbf: {  	s19 =	rddreg [dreg:$0x15];
	[sflag:s14] =	ssyncadd.s32 $0xFFFFC000  }
0xc0: {  	[hbm4b:s19+s2] =	stream.linear.scatter [tilespmem:s11], [sflag:$0x4], $0x4000, $0x38;
	[tilespmem:$0x16800] =	vst v63  }
0xc1: {  	_ =	swait.ge [sflag:s15], $0x4000  }
0xc2: {  	[sflag:s15] =	ssyncset.done $0x0  }
0xc3: {  	s19 =	simm.s32 $0x1A00;
	[sflag:s15] =	ssyncadd.s32 $0xFFFFC000  }
0xc4: {  	[tilespmem:s11], [sflag:$0x2] =	stream.indirect.gather [hbm4b:s3+s5], $0x20, s19, s5, $0xb8;
	[tilespmem:$0x16800] =	vst v63  }
0xc5: {  	_ =	swait.ge [sflag:s12], $0x4000  }
0xc6: {  	[sflag:s12] =	ssyncset.done $0x0  }
0xc7: {  	s19 =	rddreg [dreg:$0x16];
	[sflag:s12] =	ssyncadd.s32 $0xFFFFC000  }
0xc8: {  	[hbm4b:s19+s2] =	stream.linear.scatter [tilespmem:s10], [sflag:$0x3], $0x4000, $0x38;
	[tilespmem:$0x16800] =	vst v63  }
0xc9: {  	_ =	swait.ge [sflag:s13], $0x4000  }
0xca: {  	[sflag:s13] =	ssyncset.done $0x0  }
0xcb: {  	s19 =	simm.s32 $0x1C00;
	[sflag:s13] =	ssyncadd.s32 $0xFFFFC000  }
0xcc: {  	[tilespmem:s10], [sflag:$0x1] =	stream.indirect.gather [hbm4b:s3+s5], $0x20, s19, s5, $0xb8;
	[tilespmem:$0x16800] =	vst v63  }
0xcd: {  	_ =	swait.ge [sflag:s14], $0x4000  }
0xce: {  	[sflag:s14] =	ssyncset.done $0x0  }
0xcf: {  	s19 =	rddreg [dreg:$0x17];
	[sflag:s14] =	ssyncadd.s32 $0xFFFFC000  }
0xd0: {  	[hbm4b:s19+s2] =	stream.linear.scatter [tilespmem:s11], [sflag:$0x4], $0x4000, $0x38;
	[tilespmem:$0x16800] =	vst v63  }
0xd1: {  	_ =	swait.ge [sflag:s15], $0x4000  }
0xd2: {  	[sflag:s15] =	ssyncset.done $0x0  }
0xd3: {  	s19 =	simm.s32 $0x1E00;
	[sflag:s15] =	ssyncadd.s32 $0xFFFFC000  }
0xd4: {  	[tilespmem:s11], [sflag:$0x2] =	stream.indirect.gather [hbm4b:s3+s5], $0x20, s19, s5, $0xb8;
	[tilespmem:$0x16800] =	vst v63  }
0xd5: {  	_ =	swait.ge [sflag:s12], $0x4000  }
0xd6: {  	[sflag:s12] =	ssyncset.done $0x0  }
0xd7: {  	s19 =	rddreg [dreg:$0x18];
	[sflag:s12] =	ssyncadd.s32 $0xFFFFC000  }
0xd8: {  	[hbm4b:s19+s2] =	stream.linear.scatter [tilespmem:s10], [sflag:$0x3], $0x4000, $0x38;
	[tilespmem:$0x16800] =	vst v63  }
0xd9: {  	_ =	swait.ge [sflag:s13], $0x4000  }
0xda: {  	[sflag:s13] =	ssyncset.done $0x0  }
0xdb: {  	s19 =	simm.s32 $0x2000;
	[sflag:s13] =	ssyncadd.s32 $0xFFFFC000  }
0xdc: {  	[tilespmem:s10], [sflag:$0x1] =	stream.indirect.gather [hbm4b:s3+s5], $0x20, s19, s5, $0xb8;
	[tilespmem:$0x16800] =	vst v63  }
0xdd: {  	_ =	swait.ge [sflag:s14], $0x4000  }
0xde: {  	[sflag:s14] =	ssyncset.done $0x0  }
0xdf: {  	s19 =	rddreg [dreg:$0x19];
	[sflag:s14] =	ssyncadd.s32 $0xFFFFC000  }
0xe0: {  	[hbm4b:s19+s2] =	stream.linear.scatter [tilespmem:s11], [sflag:$0x4], $0x4000, $0x38;
	[tilespmem:$0x16800] =	vst v63  }
0xe1: {  	_ =	swait.ge [sflag:s15], $0x4000  }
0xe2: {  	[sflag:s15] =	ssyncset.done $0x0  }
0xe3: {  	s19 =	simm.s32 $0x2200;
	[sflag:s15] =	ssyncadd.s32 $0xFFFFC000  }
0xe4: {  	[tilespmem:s11], [sflag:$0x2] =	stream.indirect.gather [hbm4b:s3+s5], $0x20, s19, s5, $0xb8;
	[tilespmem:$0x16800] =	vst v63  }
0xe5: {  	_ =	swait.ge [sflag:s12], $0x4000  }
0xe6: {  	[sflag:s12] =	ssyncset.done $0x0  }
0xe7: {  	s19 =	rddreg [dreg:$0x1a];
	[sflag:s12] =	ssyncadd.s32 $0xFFFFC000  }
0xe8: {  	[hbm4b:s19+s2] =	stream.linear.scatter [tilespmem:s10], [sflag:$0x3], $0x4000, $0x38;
	[tilespmem:$0x16800] =	vst v63  }
0xe9: {  	_ =	swait.ge [sflag:s13], $0x4000  }
0xea: {  	[sflag:s13] =	ssyncset.done $0x0  }
0xeb: {  	s19 =	simm.s32 $0x2400;
	[sflag:s13] =	ssyncadd.s32 $0xFFFFC000  }
0xec: {  	[tilespmem:s10], [sflag:$0x1] =	stream.indirect.gather [hbm4b:s3+s5], $0x20, s19, s5, $0xb8;
	[tilespmem:$0x16800] =	vst v63  }
0xed: {  	_ =	swait.ge [sflag:s14], $0x4000  }
0xee: {  	[sflag:s14] =	ssyncset.done $0x0  }
0xef: {  	s19 =	rddreg [dreg:$0x1b];
	[sflag:s14] =	ssyncadd.s32 $0xFFFFC000  }
0xf0: {  	[hbm4b:s19+s2] =	stream.linear.scatter [tilespmem:s11], [sflag:$0x4], $0x4000, $0x38;
	[tilespmem:$0x16800] =	vst v63  }
0xf1: {  	_ =	swait.ge [sflag:s15], $0x4000  }
0xf2: {  	[sflag:s15] =	ssyncset.done $0x0  }
0xf3: {  	s19 =	simm.s32 $0x2600;
	[sflag:s15] =	ssyncadd.s32 $0xFFFFC000  }
0xf4: {  	[tilespmem:s11], [sflag:$0x2] =	stream.indirect.gather [hbm4b:s3+s5], $0x20, s19, s5, $0xb8;
	[tilespmem:$0x16800] =	vst v63  }
0xf5: {  	_ =	swait.ge [sflag:s12], $0x4000  }
0xf6: {  	[sflag:s12] =	ssyncset.done $0x0  }
0xf7: {  	s19 =	rddreg [dreg:$0x1c];
	[sflag:s12] =	ssyncadd.s32 $0xFFFFC000  }
0xf8: {  	[hbm4b:s19+s2] =	stream.linear.scatter [tilespmem:s10], [sflag:$0x3], $0x4000, $0x38;
	[tilespmem:$0x16800] =	vst v63  }
0xf9: {  	_ =	swait.ge [sflag:s13], $0x4000  }
0xfa: {  	[sflag:s13] =	ssyncset.done $0x0  }
0xfb: {  	s19 =	simm.s32 $0x2800;
	[sflag:s13] =	ssyncadd.s32 $0xFFFFC000  }
0xfc: {  	[tilespmem:s10], [sflag:$0x1] =	stream.indirect.gather [hbm4b:s3+s5], $0x20, s19, s5, $0xb8;
	[tilespmem:$0x16800] =	vst v63  }
0xfd: {  	_ =	swait.ge [sflag:s14], $0x4000  }
0xfe: {  	[sflag:s14] =	ssyncset.done $0x0  }
0xff: {  	s19 =	rddreg [dreg:$0x1d];
	[sflag:s14] =	ssyncadd.s32 $0xFFFFC000  }
0x100: {  	[hbm4b:s19+s2] =	stream.linear.scatter [tilespmem:s11], [sflag:$0x4], $0x4000, $0x38;
	[tilespmem:$0x16800] =	vst v63  }
0x101: {  	_ =	swait.ge [sflag:s15], $0x4000  }
0x102: {  	[sflag:s15] =	ssyncset.done $0x0  }
0x103: {  	s19 =	simm.s32 $0x2A00;
	[sflag:s15] =	ssyncadd.s32 $0xFFFFC000  }
0x104: {  	[tilespmem:s11], [sflag:$0x2] =	stream.indirect.gather [hbm4b:s3+s5], $0x20, s19, s5, $0xb8;
	[tilespmem:$0x16800] =	vst v63  }
0x105: {  	_ =	swait.ge [sflag:s12], $0x4000  }
0x106: {  	[sflag:s12] =	ssyncset.done $0x0  }
0x107: {  	s19 =	rddreg [dreg:$0x1e];
	[sflag:s12] =	ssyncadd.s32 $0xFFFFC000  }
0x108: {  	[hbm4b:s19+s2] =	stream.linear.scatter [tilespmem:s10], [sflag:$0x3], $0x4000, $0x38;
	[tilespmem:$0x16800] =	vst v63  }
0x109: {  	_ =	swait.ge [sflag:s13], $0x4000  }
0x10a: {  	[sflag:s13] =	ssyncset.done $0x0  }
0x10b: {  	s19 =	simm.s32 $0x2C00;
	[sflag:s13] =	ssyncadd.s32 $0xFFFFC000  }
0x10c: {  	[tilespmem:s10], [sflag:$0x1] =	stream.indirect.gather [hbm4b:s3+s5], $0x20, s19, s5, $0xb8;
	[tilespmem:$0x16800] =	vst v63  }
0x10d: {  	_ =	swait.ge [sflag:s14], $0x4000  }
0x10e: {  	[sflag:s14] =	ssyncset.done $0x0  }
0x10f: {  	s19 =	rddreg [dreg:$0x1f];
	[sflag:s14] =	ssyncadd.s32 $0xFFFFC000  }
0x110: {  	[hbm4b:s19+s2] =	stream.linear.scatter [tilespmem:s11], [sflag:$0x4], $0x4000, $0x38;
	[tilespmem:$0x16800] =	vst v63  }
0x111: {  	_ =	swait.ge [sflag:s15], $0x4000  }
0x112: {  	[sflag:s15] =	ssyncset.done $0x0  }
0x113: {  	s19 =	simm.s32 $0x2E00;
	[sflag:s15] =	ssyncadd.s32 $0xFFFFC000  }
0x114: {  	[tilespmem:s11], [sflag:$0x2] =	stream.indirect.gather [hbm4b:s3+s5], $0x20, s19, s5, $0xb8;
	[tilespmem:$0x16800] =	vst v63  }
0x115: {  	_ =	swait.ge [sflag:s12], $0x4000  }
0x116: {  	s19 =	sld [smem:$0x7EB]  }
0x117: {  	[sflag:s12] =	ssyncset.done $0x0  }
0x118: {  	[sflag:s12] =	ssyncadd.s32 $0xFFFFC000  }
0x119: {  	[hbm4b:s19+s2] =	stream.linear.scatter [tilespmem:s10], [sflag:$0x3], $0x4000, $0x38;
	[tilespmem:$0x16800] =	vst v63  }
0x11a: {  	_ =	swait.ge [sflag:s13], $0x4000  }
0x11b: {  	[sflag:s13] =	ssyncset.done $0x0  }
0x11c: {  	s19 =	simm.s32 $0x3000;
	[sflag:s13] =	ssyncadd.s32 $0xFFFFC000  }
0x11d: {  	[tilespmem:s10], [sflag:$0x1] =	stream.indirect.gather [hbm4b:s3+s5], $0x20, s19, s5, $0xb8;
	[tilespmem:$0x16800] =	vst v63  }
0x11e: {  	_ =	swait.ge [sflag:s14], $0x4000  }
0x11f: {  	s19 =	sld [smem:$0x7EC]  }
0x120: {  	[sflag:s14] =	ssyncset.done $0x0  }
0x121: {  	[sflag:s14] =	ssyncadd.s32 $0xFFFFC000  }
0x122: {  	[hbm4b:s19+s2] =	stream.linear.scatter [tilespmem:s11], [sflag:$0x4], $0x4000, $0x38;
	[tilespmem:$0x16800] =	vst v63  }
0x123: {  	_ =	swait.ge [sflag:s15], $0x4000  }
0x124: {  	[sflag:s15] =	ssyncset.done $0x0  }
0x125: {  	s19 =	simm.s32 $0x3200;
	[sflag:s15] =	ssyncadd.s32 $0xFFFFC000  }
0x126: {  	[tilespmem:s11], [sflag:$0x2] =	stream.indirect.gather [hbm4b:s3+s5], $0x20, s19, s5, $0xb8;
	[tilespmem:$0x16800] =	vst v63  }
0x127: {  	_ =	swait.ge [sflag:s12], $0x4000  }
0x128: {  	s19 =	sld [smem:$0x7ED]  }
0x129: {  	[sflag:s12] =	ssyncset.done $0x0  }
0x12a: {  	[sflag:s12] =	ssyncadd.s32 $0xFFFFC000  }
0x12b: {  	[hbm4b:s19+s2] =	stream.linear.scatter [tilespmem:s10], [sflag:$0x3], $0x4000, $0x38;
	[tilespmem:$0x16800] =	vst v63  }
0x12c: {  	_ =	swait.ge [sflag:s13], $0x4000  }
0x12d: {  	[sflag:s13] =	ssyncset.done $0x0  }
0x12e: {  	s19 =	simm.s32 $0x3400;
	[sflag:s13] =	ssyncadd.s32 $0xFFFFC000  }
0x12f: {  	[tilespmem:s10], [sflag:$0x1] =	stream.indirect.gather [hbm4b:s3+s5], $0x20, s19, s5, $0xb8;
	[tilespmem:$0x16800] =	vst v63  }
0x130: {  	_ =	swait.ge [sflag:s14], $0x4000  }
0x131: {  	s19 =	sld [smem:$0x7EE]  }
0x132: {  	[sflag:s14] =	ssyncset.done $0x0  }
0x133: {  	[sflag:s14] =	ssyncadd.s32 $0xFFFFC000  }
0x134: {  	[hbm4b:s19+s2] =	stream.linear.scatter [tilespmem:s11], [sflag:$0x4], $0x4000, $0x38;
	[tilespmem:$0x16800] =	vst v63  }
0x135: {  	_ =	swait.ge [sflag:s15], $0x4000  }
0x136: {  	[sflag:s15] =	ssyncset.done $0x0  }
0x137: {  	s19 =	simm.s32 $0x3600;
	[sflag:s15] =	ssyncadd.s32 $0xFFFFC000  }
0x138: {  	[tilespmem:s11], [sflag:$0x2] =	stream.indirect.gather [hbm4b:s3+s5], $0x20, s19, s5, $0xb8;
	[tilespmem:$0x16800] =	vst v63  }
0x139: {  	_ =	swait.ge [sflag:s12], $0x4000  }
0x13a: {  	s19 =	sld [smem:$0x7EF]  }
0x13b: {  	[sflag:s12] =	ssyncset.done $0x0  }
0x13c: {  	[sflag:s12] =	ssyncadd.s32 $0xFFFFC000  }
0x13d: {  	[hbm4b:s19+s2] =	stream.linear.scatter [tilespmem:s10], [sflag:$0x3], $0x4000, $0x38;
	[tilespmem:$0x16800] =	vst v63  }
0x13e: {  	_ =	swait.ge [sflag:s13], $0x4000  }
0x13f: {  	[sflag:s13] =	ssyncset.done $0x0  }
0x140: {  	s19 =	simm.s32 $0x3800;
	[sflag:s13] =	ssyncadd.s32 $0xFFFFC000  }
0x141: {  	[tilespmem:s10], [sflag:$0x1] =	stream.indirect.gather [hbm4b:s3+s5], $0x20, s19, s5, $0xb8;
	[tilespmem:$0x16800] =	vst v63  }
0x142: {  	_ =	swait.ge [sflag:s14], $0x4000  }
0x143: {  	s19 =	sld [smem:$0x7F0]  }
0x144: {  	[sflag:s14] =	ssyncset.done $0x0  }
0x145: {  	[sflag:s14] =	ssyncadd.s32 $0xFFFFC000  }
0x146: {  	[hbm4b:s19+s2] =	stream.linear.scatter [tilespmem:s11], [sflag:$0x4], $0x4000, $0x38;
	[tilespmem:$0x16800] =	vst v63  }
0x147: {  	_ =	swait.ge [sflag:s15], $0x4000  }
0x148: {  	[sflag:s15] =	ssyncset.done $0x0  }
0x149: {  	s19 =	simm.s32 $0x3A00;
	[sflag:s15] =	ssyncadd.s32 $0xFFFFC000  }
0x14a: {  	[tilespmem:s11], [sflag:$0x2] =	stream.indirect.gather [hbm4b:s3+s5], $0x20, s19, s5, $0xb8;
	[tilespmem:$0x16800] =	vst v63  }
0x14b: {  	_ =	swait.ge [sflag:s12], $0x4000  }
0x14c: {  	s19 =	sld [smem:$0x7F1]  }
0x14d: {  	[sflag:s12] =	ssyncset.done $0x0  }
0x14e: {  	[sflag:s12] =	ssyncadd.s32 $0xFFFFC000  }
0x14f: {  	[hbm4b:s19+s2] =	stream.linear.scatter [tilespmem:s10], [sflag:$0x3], $0x4000, $0x38;
	[tilespmem:$0x16800] =	vst v63  }
0x150: {  	_ =	swait.ge [sflag:s13], $0x4000  }
0x151: {  	[sflag:s13] =	ssyncset.done $0x0  }
0x152: {  	s19 =	simm.s32 $0x3C00;
	[sflag:s13] =	ssyncadd.s32 $0xFFFFC000  }
0x153: {  	[tilespmem:s10], [sflag:$0x1] =	stream.indirect.gather [hbm4b:s3+s5], $0x20, s19, s5, $0xb8;
	[tilespmem:$0x16800] =	vst v63  }
0x154: {  	_ =	swait.ge [sflag:s14], $0x4000  }
0x155: {  	s19 =	sld [smem:$0x7F2]  }
0x156: {  	[sflag:s14] =	ssyncset.done $0x0  }
0x157: {  	[sflag:s14] =	ssyncadd.s32 $0xFFFFC000  }
0x158: {  	[hbm4b:s19+s2] =	stream.linear.scatter [tilespmem:s11], [sflag:$0x4], $0x4000, $0x38;
	[tilespmem:$0x16800] =	vst v63  }
0x159: {  	_ =	swait.ge [sflag:s15], $0x4000  }
0x15a: {  	[sflag:s15] =	ssyncset.done $0x0  }
0x15b: {  	s19 =	simm.s32 $0x3E00;
	[sflag:s15] =	ssyncadd.s32 $0xFFFFC000  }
0x15c: {  	[tilespmem:s11], [sflag:$0x2] =	stream.indirect.gather [hbm4b:s3+s5], $0x20, s19, s5, $0xb8;
	[tilespmem:$0x16800] =	vst v63  }
0x15d: {  	_ =	swait.ge [sflag:s12], $0x4000  }
0x15e: {  	s19 =	sld [smem:$0x7F3]  }
0x15f: {  	[sflag:s12] =	ssyncset.done $0x0  }
0x160: {  	[sflag:s12] =	ssyncadd.s32 $0xFFFFC000  }
0x161: {  	[hbm4b:s19+s2] =	stream.linear.scatter [tilespmem:s10], [sflag:$0x3], $0x4000, $0x38;
	[tilespmem:$0x16800] =	vst v63  }
0x162: {  	_ =	swait.ge [sflag:s13], $0x4000  }
0x163: {  	[sflag:s13] =	ssyncset.done $0x0  }
0x164: {  	s19 =	simm.s32 $0x4000;
	[sflag:s13] =	ssyncadd.s32 $0xFFFFC000  }
0x165: {  	[tilespmem:s10], [sflag:$0x1] =	stream.indirect.gather [hbm4b:s3+s5], $0x20, s19, s5, $0xb8;
	[tilespmem:$0x16800] =	vst v63  }
0x166: {  	_ =	swait.ge [sflag:s14], $0x4000  }
0x167: {  	s19 =	sld [smem:$0x7F4]  }
0x168: {  	[sflag:s14] =	ssyncset.done $0x0  }
0x169: {  	[sflag:s14] =	ssyncadd.s32 $0xFFFFC000  }
0x16a: {  	[hbm4b:s19+s2] =	stream.linear.scatter [tilespmem:s11], [sflag:$0x4], $0x4000, $0x38;
	[tilespmem:$0x16800] =	vst v63  }
0x16b: {  	_ =	swait.ge [sflag:s15], $0x4000  }
0x16c: {  	[sflag:s15] =	ssyncset.done $0x0  }
0x16d: {  	s19 =	simm.s32 $0x4200;
	[sflag:s15] =	ssyncadd.s32 $0xFFFFC000  }
0x16e: {  	[tilespmem:s11], [sflag:$0x2] =	stream.indirect.gather [hbm4b:s3+s5], $0x20, s19, s5, $0xb8;
	[tilespmem:$0x16800] =	vst v63  }
0x16f: {  	_ =	swait.ge [sflag:s12], $0x4000  }
0x170: {  	s19 =	sld [smem:$0x7F5]  }
0x171: {  	[sflag:s12] =	ssyncset.done $0x0  }
0x172: {  	[sflag:s12] =	ssyncadd.s32 $0xFFFFC000  }
0x173: {  	[hbm4b:s19+s2] =	stream.linear.scatter [tilespmem:s10], [sflag:$0x3], $0x4000, $0x38;
	[tilespmem:$0x16800] =	vst v63  }
0x174: {  	_ =	swait.ge [sflag:s13], $0x4000  }
0x175: {  	[sflag:s13] =	ssyncset.done $0x0  }
0x176: {  	s19 =	simm.s32 $0x4400;
	[sflag:s13] =	ssyncadd.s32 $0xFFFFC000  }
0x177: {  	[tilespmem:s10], [sflag:$0x1] =	stream.indirect.gather [hbm4b:s3+s5], $0x20, s19, s5, $0xb8;
	[tilespmem:$0x16800] =	vst v63  }
0x178: {  	_ =	swait.ge [sflag:s14], $0x4000  }
0x179: {  	s19 =	sld [smem:$0x7F6]  }
0x17a: {  	[sflag:s14] =	ssyncset.done $0x0  }
0x17b: {  	[sflag:s14] =	ssyncadd.s32 $0xFFFFC000  }
0x17c: {  	[hbm4b:s19+s2] =	stream.linear.scatter [tilespmem:s11], [sflag:$0x4], $0x4000, $0x38;
	[tilespmem:$0x16800] =	vst v63  }
0x17d: {  	_ =	swait.ge [sflag:s15], $0x4000  }
0x17e: {  	[sflag:s15] =	ssyncset.done $0x0  }
0x17f: {  	s19 =	simm.s32 $0x4600;
	[sflag:s15] =	ssyncadd.s32 $0xFFFFC000  }
0x180: {  	[tilespmem:s11], [sflag:$0x2] =	stream.indirect.gather [hbm4b:s3+s5], $0x20, s19, s5, $0xb8;
	[tilespmem:$0x16800] =	vst v63  }
0x181: {  	_ =	swait.ge [sflag:s12], $0x4000  }
0x182: {  	s19 =	sld [smem:$0x7F7]  }
0x183: {  	[sflag:s12] =	ssyncset.done $0x0  }
0x184: {  	[sflag:s12] =	ssyncadd.s32 $0xFFFFC000  }
0x185: {  	[hbm4b:s19+s2] =	stream.linear.scatter [tilespmem:s10], [sflag:$0x3], $0x4000, $0x38;
	[tilespmem:$0x16800] =	vst v63  }
0x186: {  	_ =	swait.ge [sflag:s13], $0x4000  }
0x187: {  	[sflag:s13] =	ssyncset.done $0x0  }
0x188: {  	s19 =	simm.s32 $0x4800;
	[sflag:s13] =	ssyncadd.s32 $0xFFFFC000  }
0x189: {  	[tilespmem:s10], [sflag:$0x1] =	stream.indirect.gather [hbm4b:s3+s5], $0x20, s19, s5, $0xb8;
	[tilespmem:$0x16800] =	vst v63  }
0x18a: {  	_ =	swait.ge [sflag:s14], $0x4000  }
0x18b: {  	s19 =	sld [smem:$0x7F8]  }
0x18c: {  	[sflag:s14] =	ssyncset.done $0x0  }
0x18d: {  	[sflag:s14] =	ssyncadd.s32 $0xFFFFC000  }
0x18e: {  	[hbm4b:s19+s2] =	stream.linear.scatter [tilespmem:s11], [sflag:$0x4], $0x4000, $0x38;
	[tilespmem:$0x16800] =	vst v63  }
0x18f: {  	_ =	swait.ge [sflag:s15], $0x4000  }
0x190: {  	[sflag:s15] =	ssyncset.done $0x0  }
0x191: {  	s19 =	simm.s32 $0x4A00;
	[sflag:s15] =	ssyncadd.s32 $0xFFFFC000  }
0x192: {  	[tilespmem:s11], [sflag:$0x2] =	stream.indirect.gather [hbm4b:s3+s5], $0x20, s19, s5, $0xb8;
	[tilespmem:$0x16800] =	vst v63  }
0x193: {  	_ =	swait.ge [sflag:s12], $0x4000  }
0x194: {  	s19 =	sld [smem:$0x7F9]  }
0x195: {  	[sflag:s12] =	ssyncset.done $0x0  }
0x196: {  	[sflag:s12] =	ssyncadd.s32 $0xFFFFC000  }
0x197: {  	[hbm4b:s19+s2] =	stream.linear.scatter [tilespmem:s10], [sflag:$0x3], $0x4000, $0x38;
	[tilespmem:$0x16800] =	vst v63  }
0x198: {  	_ =	swait.ge [sflag:s13], $0x4000  }
0x199: {  	[sflag:s13] =	ssyncset.done $0x0  }
0x19a: {  	s19 =	simm.s32 $0x4C00;
	[sflag:s13] =	ssyncadd.s32 $0xFFFFC000  }
0x19b: {  	[tilespmem:s10], [sflag:$0x1] =	stream.indirect.gather [hbm4b:s3+s5], $0x20, s19, s5, $0xb8;
	[tilespmem:$0x16800] =	vst v63  }
0x19c: {  	_ =	swait.ge [sflag:s14], $0x4000  }
0x19d: {  	s19 =	sld [smem:$0x7FA]  }
0x19e: {  	[sflag:s14] =	ssyncset.done $0x0  }
0x19f: {  	[sflag:s14] =	ssyncadd.s32 $0xFFFFC000  }
0x1a0: {  	[hbm4b:s19+s2] =	stream.linear.scatter [tilespmem:s11], [sflag:$0x4], $0x4000, $0x38;
	[tilespmem:$0x16800] =	vst v63  }
0x1a1: {  	_ =	swait.ge [sflag:s15], $0x4000  }
0x1a2: {  	[sflag:s15] =	ssyncset.done $0x0  }
0x1a3: {  	s19 =	simm.s32 $0x4E00;
	[sflag:s15] =	ssyncadd.s32 $0xFFFFC000  }
0x1a4: {  	[tilespmem:s11], [sflag:$0x2] =	stream.indirect.gather [hbm4b:s3+s5], $0x20, s19, s5, $0xb8;
	[tilespmem:$0x16800] =	vst v63  }
0x1a5: {  	_ =	swait.ge [sflag:s12], $0x4000  }
0x1a6: {  	s19 =	sld [smem:$0x7FB]  }
0x1a7: {  	[sflag:s12] =	ssyncset.done $0x0  }
0x1a8: {  	[sflag:s12] =	ssyncadd.s32 $0xFFFFC000  }
0x1a9: {  	[hbm4b:s19+s2] =	stream.linear.scatter [tilespmem:s10], [sflag:$0x3], $0x4000, $0x38;
	[tilespmem:$0x16800] =	vst v63  }
0x1aa: {  	_ =	swait.ge [sflag:s13], $0x4000  }
0x1ab: {  	[sflag:s13] =	ssyncset.done $0x0  }
0x1ac: {  	s19 =	simm.s32 $0x5000;
	[sflag:s13] =	ssyncadd.s32 $0xFFFFC000  }
0x1ad: {  	[tilespmem:s10], [sflag:$0x1] =	stream.indirect.gather [hbm4b:s3+s5], $0x20, s19, s5, $0xb8;
	[tilespmem:$0x16800] =	vst v63  }
0x1ae: {  	_ =	swait.ge [sflag:s14], $0x4000  }
0x1af: {  	s19 =	sld [smem:$0x7FC]  }
0x1b0: {  	[sflag:s14] =	ssyncset.done $0x0  }
0x1b1: {  	[sflag:s14] =	ssyncadd.s32 $0xFFFFC000  }
0x1b2: {  	[hbm4b:s19+s2] =	stream.linear.scatter [tilespmem:s11], [sflag:$0x4], $0x4000, $0x38;
	[tilespmem:$0x16800] =	vst v63  }
0x1b3: {  	_ =	swait.ge [sflag:s15], $0x4000  }
0x1b4: {  	[sflag:s15] =	ssyncset.done $0x0  }
0x1b5: {  	s19 =	simm.s32 $0x5200;
	[sflag:s15] =	ssyncadd.s32 $0xFFFFC000  }
0x1b6: {  	[tilespmem:s11], [sflag:$0x2] =	stream.indirect.gather [hbm4b:s3+s5], $0x20, s19, s5, $0xb8;
	[tilespmem:$0x16800] =	vst v63  }
0x1b7: {  	_ =	swait.ge [sflag:s12], $0x4000  }
0x1b8: {  	s19 =	sld [smem:$0x7FD]  }
0x1b9: {  	[sflag:s12] =	ssyncset.done $0x0  }
0x1ba: {  	[sflag:s12] =	ssyncadd.s32 $0xFFFFC000  }
0x1bb: {  	[hbm4b:s19+s2] =	stream.linear.scatter [tilespmem:s10], [sflag:$0x3], $0x4000, $0x38;
	[tilespmem:$0x16800] =	vst v63  }
0x1bc: {  	_ =	swait.ge [sflag:s13], $0x4000  }
0x1bd: {  	[sflag:s13] =	ssyncset.done $0x0  }
0x1be: {  	s19 =	simm.s32 $0x5400;
	[sflag:s13] =	ssyncadd.s32 $0xFFFFC000  }
0x1bf: {  	[tilespmem:s10], [sflag:$0x1] =	stream.indirect.gather [hbm4b:s3+s5], $0x20, s19, s5, $0xb8;
	[tilespmem:$0x16800] =	vst v63  }
0x1c0: {  	_ =	swait.ge [sflag:s14], $0x4000  }
0x1c1: {  	[sflag:s14] =	ssyncset.done $0x0  }
0x1c2: {  	[sflag:s14] =	ssyncadd.s32 $0xFFFFC000  }
0x1c3: {  	[hbm4b:s21+s2] =	stream.linear.scatter [tilespmem:s11], [sflag:$0x4], $0x4000, $0x38;
	[tilespmem:$0x16800] =	vst v63  }
0x1c4: {  	_ =	swait.ge [sflag:s15], $0x4000  }
0x1c5: {  	[sflag:s15] =	ssyncset.done $0x0  }
0x1c6: {  	s19 =	simm.s32 $0x5600;
	[sflag:s15] =	ssyncadd.s32 $0xFFFFC000  }
0x1c7: {  	[tilespmem:s11], [sflag:$0x2] =	stream.indirect.gather [hbm4b:s3+s5], $0x20, s19, s5, $0xb8;
	[tilespmem:$0x16800] =	vst v63  }
0x1c8: {  	_ =	swait.ge [sflag:s12], $0x4000  }
0x1c9: {  	[sflag:s12] =	ssyncset.done $0x0  }
0x1ca: {  	[sflag:s12] =	ssyncadd.s32 $0xFFFFC000  }
0x1cb: {  	[hbm4b:s22+s2] =	stream.linear.scatter [tilespmem:s10], [sflag:$0x3], $0x4000, $0x38;
	[tilespmem:$0x16800] =	vst v63  }
0x1cc: {  	_ =	swait.ge [sflag:s13], $0x4000  }
0x1cd: {  	[sflag:s13] =	ssyncset.done $0x0  }
0x1ce: {  	s19 =	simm.s32 $0x5800;
	[sflag:s13] =	ssyncadd.s32 $0xFFFFC000  }
0x1cf: {  	[tilespmem:s10], [sflag:$0x1] =	stream.indirect.gather [hbm4b:s3+s5], $0x20, s19, s5, $0xb8;
	[tilespmem:$0x16800] =	vst v63  }
0x1d0: {  	_ =	swait.ge [sflag:s14], $0x4000  }
0x1d1: {  	[sflag:s14] =	ssyncset.done $0x0  }
0x1d2: {  	[sflag:s14] =	ssyncadd.s32 $0xFFFFC000  }
0x1d3: {  	[hbm4b:s23+s2] =	stream.linear.scatter [tilespmem:s11], [sflag:$0x4], $0x4000, $0x38;
	[tilespmem:$0x16800] =	vst v63  }
0x1d4: {  	_ =	swait.ge [sflag:s15], $0x4000  }
0x1d5: {  	[sflag:s15] =	ssyncset.done $0x0  }
0x1d6: {  	s19 =	simm.s32 $0x5A00;
	[sflag:s15] =	ssyncadd.s32 $0xFFFFC000  }
0x1d7: {  	[tilespmem:s11], [sflag:$0x2] =	stream.indirect.gather [hbm4b:s3+s5], $0x20, s19, s5, $0xb8;
	[tilespmem:$0x16800] =	vst v63  }
0x1d8: {  	_ =	swait.ge [sflag:s12], $0x4000  }
0x1d9: {  	[sflag:s12] =	ssyncset.done $0x0  }
0x1da: {  	[sflag:s12] =	ssyncadd.s32 $0xFFFFC000  }
0x1db: {  	[hbm4b:s24+s2] =	stream.linear.scatter [tilespmem:s10], [sflag:$0x3], $0x4000, $0x38;
	[tilespmem:$0x16800] =	vst v63  }
0x1dc: {  	_ =	swait.ge [sflag:s13], $0x4000  }
0x1dd: {  	[sflag:s13] =	ssyncset.done $0x0  }
0x1de: {  	s19 =	simm.s32 $0x5C00;
	[sflag:s13] =	ssyncadd.s32 $0xFFFFC000  }
0x1df: {  	[tilespmem:s10], [sflag:$0x1] =	stream.indirect.gather [hbm4b:s3+s5], $0x20, s19, s5, $0xb8;
	[tilespmem:$0x16800] =	vst v63  }
0x1e0: {  	_ =	swait.ge [sflag:s14], $0x4000  }
0x1e1: {  	[sflag:s14] =	ssyncset.done $0x0  }
0x1e2: {  	[sflag:s14] =	ssyncadd.s32 $0xFFFFC000  }
0x1e3: {  	[hbm4b:s25+s2] =	stream.linear.scatter [tilespmem:s11], [sflag:$0x4], $0x4000, $0x38;
	[tilespmem:$0x16800] =	vst v63  }
0x1e4: {  	_ =	swait.ge [sflag:s15], $0x4000  }
0x1e5: {  	[sflag:s15] =	ssyncset.done $0x0  }
0x1e6: {  	s19 =	simm.s32 $0x5E00;
	[sflag:s15] =	ssyncadd.s32 $0xFFFFC000  }
0x1e7: {  	[tilespmem:s11], [sflag:$0x2] =	stream.indirect.gather [hbm4b:s3+s5], $0x20, s19, s5, $0xb8;
	[tilespmem:$0x16800] =	vst v63  }
0x1e8: {  	_ =	swait.ge [sflag:s12], $0x4000  }
0x1e9: {  	[sflag:s12] =	ssyncset.done $0x0  }
0x1ea: {  	[sflag:s12] =	ssyncadd.s32 $0xFFFFC000  }
0x1eb: {  	[hbm4b:s26+s2] =	stream.linear.scatter [tilespmem:s10], [sflag:$0x3], $0x4000, $0x38;
	[tilespmem:$0x16800] =	vst v63  }
0x1ec: {  	_ =	swait.ge [sflag:s13], $0x4000  }
0x1ed: {  	[sflag:s13] =	ssyncset.done $0x0  }
0x1ee: {  	s19 =	simm.s32 $0x6000;
	[sflag:s13] =	ssyncadd.s32 $0xFFFFC000  }
0x1ef: {  	[tilespmem:s10], [sflag:$0x1] =	stream.indirect.gather [hbm4b:s3+s5], $0x20, s19, s5, $0xb8;
	[tilespmem:$0x16800] =	vst v63  }
0x1f0: {  	_ =	swait.ge [sflag:s14], $0x4000  }
0x1f1: {  	[sflag:s14] =	ssyncset.done $0x0  }
0x1f2: {  	[sflag:s14] =	ssyncadd.s32 $0xFFFFC000  }
0x1f3: {  	[hbm4b:s9+s2] =	stream.linear.scatter [tilespmem:s11], [sflag:$0x4], $0x4000, $0x38;
	[tilespmem:$0x16800] =	vst v63  }
0x1f4: {  	_ =	swait.ge [sflag:s15], $0x4000  }
0x1f5: {  	[sflag:s15] =	ssyncset.done $0x0  }
0x1f6: {  	s19 =	simm.s32 $0x6200;
	[sflag:s15] =	ssyncadd.s32 $0xFFFFC000  }
0x1f7: {  	[tilespmem:s11], [sflag:$0x2] =	stream.indirect.gather [hbm4b:s3+s5], $0x20, s19, s5, $0xb8;
	[tilespmem:$0x16800] =	vst v63  }
0x1f8: {  	_ =	swait.ge [sflag:s12], $0x4000  }
0x1f9: {  	[sflag:s12] =	ssyncset.done $0x0  }
0x1fa: {  	[sflag:s12] =	ssyncadd.s32 $0xFFFFC000  }
0x1fb: {  	[hbm4b:s28+s2] =	stream.linear.scatter [tilespmem:s10], [sflag:$0x3], $0x4000, $0x38;
	[tilespmem:$0x16800] =	vst v63  }
0x1fc: {  	_ =	swait.ge [sflag:s14], $0x4000  }
0x1fd: {  	[sflag:s14] =	ssyncset.done $0x0  }
0x1fe: {  	[sflag:s14] =	ssyncadd.s32 $0xFFFFC000  }
0x1ff: {  	[hbm4b:s29+s2] =	stream.linear.scatter [tilespmem:s11], [sflag:$0x4], $0x4000, $0x38;
	[tilespmem:$0x16800] =	vst v63  }
0x200: {  	_ =	swait.ge [sflag:s15], $0x4000  }
0x201: {  	[sflag:s15] =	ssyncset.done $0x0  }
0x202: {  	s17 =	sadd.s32 $0x1, s17;
	[sflag:s15] =	ssyncadd.s32 $0xFFFFC000  }
0x203: {  	p0 =	sne.s32 s17, s30;
	_ =	swait.ge [sflag:s16], $0x4000  }
.Ltmp1:
0x204: {  	[sflag:s16] =	ssyncset.done $0x0;
	(pc) =	sbr.rel @p0 .LBB2_1-.Ltmp1, $4  }
0x205: {  	[sflag:s16] =	ssyncadd.s32 $0xFFFFC000  }
0x206: {  	_ =	swait.ge [sflag:s16], $0x4000  }
0x207: {  	[sflag:s16] =	ssyncset.done $0x0  }
0x208: {  	[sflag:s16] =	ssyncadd.s32 $0xFFFFC000  }
0x209: {  	_ =	sfence.sel $0x180000  }
0x20a: {  	[bflag:$0x0] =	sbarrier.arrive $0xFFFF  }
0x20b: {  	_ =	strace $0x90000047  }
0x20c: {  	s0 =	stileid.u32;
	[bflag:$0x2] =	sbarrier.arrive $0xFFFF  }
0x20d: {  	p0 =	sne.s32 s0, $0x0;
	s0 =	rddreg [dreg:$0x6]  }
0x20e: {  	s0 =	sadd.s32 @!p0 $0x100000, s0  }
0x20f: {  	[sflag:s0] =	ssyncadd.tile.s32 @!p0 $0x1;
	_ =	shalt  }
.Lfunc_end2:
_tile_overlayer_lowered:
.L_overlay_start_2:
0x210: {  	(tag) =	ssettag $0x2  }
0x211: {  	s0 =	rddreg [dreg:$0x0];
	s2 =	stileid.u32  }
0x212: {  	s1 =	rddreg [dreg:$0x1];
	p0 =	sne.s32 s2, $0x0  }
0x213: {  	s3 =	rddreg [dreg:$0x2];
	[bflag:$0x3] =	sbarrier.arrive $0xFFFF;
	s2 =	simm.s32 @!p0 $0x1C07  }
0x214: {  	[timem:s3], [sflag:s2] =	dma.local @!p0 [hbm:s0], s1  }
0x215: {  	s0 =	simm.s32 @!p0 $0x7  }
0x216: {  	_ =	swait.ge @!p0 [sflag:s0], s1  }
0x217: {  	s1 =	ssub.s32 @!p0 $0x0, s1;
	[sflag:s0] =	ssyncset.done @!p0 $0x0  }
0x218: {  	[sflag:s0] =	ssyncadd.s32 @!p0 s1  }
0x219: {  	[bflag:$0x3] =	sbarrier.arrive $0xFFFF  }
0x21a: {  	_ =	shalt  }

// kernel: sparse-core-data-format-call.cloned.1.call-start
scs
called_computation_lowered:
.L_overlay_start_0:
0x0: {  	s2 =	sld [smem:$0x3FD9]  }
0x1: {  	s3 =	sld [smem:$0x3FFE];
	_ =	sdelay $0x1  }
0x2: {  	s1 =	srdreg.scid  }
0x3: {  	s0 =	sand.u32 $0x1, s1  }
0x4: {  	s15 =	sshll.u32 s0, $0xA;
	s2 =	sadd.s32 s3, s2  }
0x5: {  	s2 =	sadd.s32 s2, s15  }
0x6: {  	[smem:$0x3FC4] =	sst s2  }
0x7: {  	_ = 	snop  }
0x8: {  	s2 =	sld [smem:$0x3FD0];
	_ =	sdelay $0x2  }
0x9: {  	s16 =	simm.s32 $0xA;
	s4 =	simm.s32 $0x10  }
0xa: {  	[smem:s4], [sflag:s16] =	dma.local [hbm:s2], $0x1  }
0xb: {  	_ =	swait.eq [sflag:s16], $0x1  }
0xc: {  	[sflag:s16] =	ssyncset.done $0x0  }
0xd: {  	[sflag:s16] =	ssyncadd.s32 $0xFFFFFFFF  }
0xe: {  	s17 =	sld [smem:$0x10];
	(tm) =	ssettm $0x1  }
0xf: {  	s18 =	sld [smem:$0x3FFB];
	_ =	sdelay $0x3  }
0x10: {  	_ =	strace s18  }
0x11: {  	s3 =	sld [smem:$0x3FFC];
	_ =	sdelay $0x3  }
0x12: {  	_ =	strace s3  }
0x13: {  	s3 =	sld [smem:$0x3FFD];
	_ =	sdelay $0x3  }
0x14: {  	_ =	strace s3  }
0x15: {  	_ =	strace $0x8FFFFFFF  }
0x16: {  	s19 =	sld [smem:$0x3FDB];
	_ =	sdelay $0x1  }
0x17: {  	s20 =	simm.s32 $_scs_section_size  }
0x18: {  	s5 =	simm.s32 $_size__tile_overlayer_lowered;
	s6 =	simm.s32 $_tile_overlayer_lowered  }
0x19: {  	s23 =	simm.s32 $0x1BFF;
	s22 =	sshll.u32 s6, $0x1;
	s3 =	sadd.s32 s20, s19  }
0x1a: {  	s7 =	simm.s32 $0x0;
	s21 =	sshll.u32 s5, $0x1;
	s5 =	sadd.s32 s22, s3  }
0x1b: {  	[timem:s7], [sflag:s23] =	dma.local [hbm:s5], s21  }
0x1c: {  	_ =	swait.ge [sflag:s23], s21  }
0x1d: {  	s4 =	ssub.s32 $0x0, s21;
	[sflag:s23] =	ssyncset.done $0x0  }
0x1e: {  	[sflag:s23] =	ssyncadd.s32 s4;
	_ =	sdelay $0x1  }
0x1f: {  	s24 =	simm.s32 $0x1B8B  }
0x20: {  	_ =	swait.ge [sflag:s24], $0x1  }
0x21: {  	[sflag:s24] =	ssyncset.done $0x0  }
0x22: {  	s26 =	simm.s32 $0x1B8E;
	s25 =	sld [smem:$0x3FFE];
	[sflag:s24] =	ssyncadd.s32 $0xFFFFFFFF  }
0x23: {  	s27 =	simm.s32 $execute0_lowered;
	[smem:$0x3FD2] =	sst s26  }
0x24: {  	s5 =	sshll.u32 s27, $0x1;
	_ =	strace $0x80000049;
	[dreg:$0x1] =	wrdreg $0xFFFFFFFF  }
0x25: {  	s28 =	simm.s32 $_size_execute0_lowered;
	s3 =	sadd.s32 s3, s5;
	[dreg:$0x0] =	wrdreg $0x0  }
0x26: {  	s5 =	sshll.u32 s28, $0x1;
	[dreg:$0x2] =	wrdreg s3  }
0x27: {  	[dreg:$0x3] =	wrdreg s5  }
0x28: {  	[dreg:$0x4] =	wrdreg $0xC0  }
0x29: {  	_ =	task [dreg:s7], $0x5FFFF  }
0x2a: {  	[dreg:$0x1] =	wrdreg $0xFFFFFFFF  }
0x2b: {  	[dreg:$0x0] =	wrdreg $0x60  }
0x2c: {  	[dreg:$0x2] =	wrdreg s25  }
0x2d: {  	[dreg:$0x3] =	wrdreg s17  }
0x2e: {  	[dreg:$0x4] =	wrdreg $0x9  }
0x2f: {  	_ =	task.clear_ibuf [dreg:s7], $0x5FFFF;
	_ =	strace $0x90000049  }
0x30: {  	s29 =	simm.s32 $0x9;
	_ =	strace $0x8000004B  }
0x31: {  	_ =	swait.ge [sflag:s29], $0x1  }
0x32: {  	[sflag:s29] =	ssyncadd.s32 $0xFFFFFFFF  }
0x33: {  	_ =	strace $0x9000004B  }
0x34: {  	_ =	sfence  }
0x35: {  	s30 =	sld [smem:$0x0];
	_ =	sdelay $0x2  }
0x36: {  	s31 =	sshll.u32 s1, $0xD;
	s1 =	sshrl.u32 s1, $0x2  }
0x37: {  	s3 =	sand.u32 $0x4000, s31;
	s1 =	sadd.s32 s1, s30  }
0x38: {  	s0 =	sor.u32 s3, s0;
	s1 =	sshll.u32 s1, $0x11  }
0x39: {  	s0 =	sor.u32 s1, s0  }
0x3a: {  	s0 =	sadd.s32 $0x8F2B, s0  }
0x3b: {  	[sflag:s0] =	ssyncadd.remote.s32 $0x1  }
0x3c: {  	_ =	sfence.sel $0xFFFF  }
0x3d: {  	[dreg:$0x0] =	wrdreg $0xFFFFFFFF;
	(pc) =	sbr.abs _section_cstart, $3  }
0x3e: {  	[dreg:$0x1] =	wrdreg $0xFFFFFFFF  }
0x3f: {  	_ =	task.clear_ibuf [dreg:s7], $0x2FFFF;
	_ =	strace $0x9FFFFFFF  }
0x40: {  	(tm) =	ssettm $0x7FFFFFFF  }
0x41: {  	_ =	shalt  }
tec
execute0_lowered:
.L_overlay_start_1:
0x0: {  	(tag) =	ssettag $0x1  }
0x1: {  	s0 =	srdreg.scid  }
0x2: {  	s1 =	sshll.u32 s0, $0x4  }
0x3: {  	s4 =	rddreg [dreg:$0x0];
	s0 =	stileid.u32;
	s1 =	sand.u32 $0x10, s1  }
0x4: {  	s2 =	rddreg [dreg:$0x1];
	s7 =	simm.s32 $0x1;
	s1 =	sor.u32 s0, s1  }
0x5: {  	s8 =	simm.s32 $0x2;
	s11 =	simm.s32 $0x0;
	s3 =	sshll.u32 s1, $0x7  }
0x6: {  	s10 =	simm.s32 $0x0;
	s4 =	sadd.s32 $0x11000, s4;
	s6 =	ssub.s32 $0xC8000, s3  }
.Ltmp0:
0x7: {  	s1 =	rddreg [dreg:$0x2];
	s5 =	sand.u32 $0xF80, s6;
	(pc) =	sbr.rel .LBB1_1-.Ltmp0, $4  }
0x8: {  	_ =	strace $0x8000004A;
	s9 =	smov.u32 s3;
	p0 =	sne.s32 s5, $0x0  }
0x9: {  	s6 =	sshrl.u32 s6, $0xC;
	s5 =	simm.s32 $0x1;
	s7 =	simm.s32 @!p0 $0x0  }
0xa: {  	[sflag:s5] =	ssyncpa.u1 $0x0;
	p0 =	por $0x0, $0x0;
	s6 =	sadd.s32 s7, s6  }
0xb: {  	[sflag:s8] =	ssyncpa.u1 $0x0;
	s8 =	simm.s32 $0x640000;
	s7 =	sadd.s32 $0x1, s6  }
.LBB1_4:
0xc: {  	s14 =	sshll.u32 s11, $0x3  }
0xd: {  	s30 =	sand.u32 $0x7F, s11;
	s15 =	sand.u32 $0xFFFFFC00, s14  }
0xe: {  	s11 =	sor.u32 s30, s15  }
0xf: {  	s15 =	smulhi.u32 $0x51EB851F, s11  }
0x10: {  	s14 =	smulhi.u32 $0x51EB851F, s14  }
0x11: {  	s15 =	sshrl.u32 s15, $0x12  }
0x12: {  	s14 =	sshrl.u32 s14, $0x12;
	s15 =	smul.u32 $0xC8000, s15  }
0x13: {  	s14 =	sand.u32 $0x1F, s14  }
0x14: {  	s14 =	smul.u32 $0x19000, s14;
	s11 =	ssub.s32 s11, s15  }
0x15: {  	s15 =	sand.u32 $0x7, s11  }
0x16: {  	s14 =	sadd.s32 s2, s14;
	s11 =	sshrl.u32 s11, $0x3;
	s15 =	sshll.u32 s15, $0x12  }
0x17: {  	[tilespmem:s13+$0x0 ss:$0x81] =	vst.msk $0xffff, v0;
	s11 =	sadd.s32 s11, s14;
	s31 =	sor.u32 $0x400, s15  }
0x18: {  	[hbm4b:s11+s31] =	stream.strided.scatter [tilespmem:s12], [sflag:$0x2], $0x1000, s8, s31, $0x20;
	[tilespmem:$0x4040] =	vst v63  }
.LBB1_5:
0x19: {  	s13 =	sadd.s32 $0x1000, s9  }
0x1a: {  	p2 =	sgt.s32 s13, $0xC7FFF  }
0x1b: {  	s13 =	smov.u32 @p2 s3;
	p2 =	sne.s32 s10, s7  }
.Ltmp1:
0x1c: {  	p1 =	slt.u32 s10, $0x2;
	(pc) =	sbr.rel @!p2 .LBB1_6-.Ltmp1, $4  }
0x1d: {  	s12 =	simm.s32 @!p1 $0x2  }
0x1e: {  	s14 =	sadd.s32 $0x1, s10;
	_ =	swait.ge @!p1 [sflag:s12], $0x1000  }
0x1f: {  	s11 =	smov.u32 s9;
	p0 =	por !p0, !p0;
	[sflag:s12] =	ssyncset.done @!p1 $0x0  }
0x20: {  	s10 =	smov.u32 s14;
	s9 =	smov.u32 s13;
	[sflag:s12] =	ssyncadd.s32 @!p1 $0xFFFFF000  }
.LBB1_1:
0x21: {  	p1 =	sge.u32 s10, s6  }
0x22: {  	s12 =	sand.u32 @!p1 $0x1FFFFFF, s9  }
0x23: {  	s13 =	smulhi.u32 @!p1 $0x147AE15, s12;
	_ =	sdelay $0x1  }
0x24: {  	s13 =	sshrl.u32 @!p1 s13, $0xC  }
0x25: {  	s13 =	smul.u32 @!p1 $0xC8000, s13;
	_ =	sdelay $0x1  }
0x26: {  	s31 =	sadd.s32 $0xFFFFFFFF, s10;
	s14 =	sxor.u32 @!p1 $0xFFFFFFFF, s10;
	s12 =	ssub.s32 @!p1 s12, s13  }
0x27: {  	s15 =	simm.s32 @!p1 $0x80;
	s14 =	sshll.u32 @!p1 s14, $0xC;
	s12 =	sshll.u32 @!p1 s12, $0x4  }
0x28: {  	s13 =	sand.u32 @!p1 $0x1000, s14;
	s14 =	simm.s32 @!p1 $0x20;
	s12 =	sadd.s32 @!p1 s4, s12  }
0x29: {  	[tilespmem:s13], [sflag:$0x1] =	stream.strided.gather @!p1 [hbm4b:s12+s14], $0x1000, s15, s14, $0x38;
	[tilespmem:$0x4040] =	vst v63  }
0x2a: {  	p1 =	sge.u32 s31, s6  }
.Ltmp2:
0x2b: {  	_ = 	snop;
	(pc) =	sbr.rel @p1 .LBB1_5-.Ltmp2, $1  }
0x2c: {  	_ =	sdelay $0x3  }
0x2d: {  	s12 =	simm.s32 $0x1  }
0x2e: {  	_ =	swait.ge [sflag:s5], $0x1000;
	s12 =	simm.s32 @!p0 $0x0  }
0x2f: {  	[sflag:s5] =	ssyncset.done $0x0;
	s13 =	sshll.u32 s12, $0xC  }
0x30: {  	[sflag:s5] =	ssyncadd.s32 $0xFFFFF000;
	s16 =	sor.u32 $0x10, s13  }
0x31: {  	s12 =	smul.u32 $0x4080, s12;
	v1 =	vld [tilespmem:s16+$0x0]  }
0x32: {  	s30 =	sand.u32 $0x1, s10;
	v0 =	vld [tilespmem:s16+$0xFFFFFFF0]  }
0x33: {  	s13 =	smul.u32 $0x4080, s30;
	s12 =	sshrl.u32 s12, $0x2  }
0x34: {  	s14 =	sor.u32 $0x2000, s12  }
0x35: {  	s31 =	sshrl.u32 s13, $0x2;
	s13 =	sadd.s32 $0x0, s14  }
0x36: {  	s15 =	simm.s32 $0x4;
	s16 =	sadd.s32 $0x20, s16;
	s12 =	sor.u32 $0x2000, s31;
	[tilespmem:s13+$0x810 ss:$0x81] =	vst.msk $0xffff, v1  }
.LBB1_3:
0x37: {  	v1 =	vld [tilespmem:s16+$0x0];
	p1 =	sne.s32 s15, $0x1FC;
	[tilespmem:s13+$0x0 ss:$0x81] =	vst.msk $0xffff, v0;
	s13 =	smov.u32 s15;
	s15 =	sadd.s32 $0x4, s15  }
.Ltmp3:
0x38: {  	v0 =	vld [tilespmem:s16+$0xFFFFFFF0];
	(pc) =	sbr.rel @p1 .LBB1_3-.Ltmp3, $4  }
0x39: {  	_ = 	snop  }
0x3a: {  	s13 =	sshra.s32 s13, $0x2  }
0x3b: {  	s13 =	sadd.s32 s13, s14  }
0x3c: {  	s16 =	sadd.s32 $0x20, s16;
	[tilespmem:s13+$0x810 ss:$0x81] =	vst.msk $0xffff, v1  }
.Ltmp4:
0x3d: {  	_ = 	snop;
	(pc) =	sbr.rel .LBB1_4-.Ltmp4, $1  }
0x3e: {  	_ =	sdelay $0x3  }
.LBB1_6:
0x3f: {  	_ =	sfence.sel $0x180000  }
0x40: {  	s2 =	simm.s32 $0x1;
	[bflag:$0x0] =	sbarrier.arrive $0xFFFF  }
0x41: {  	s31 =	simm.s32 $0x2;
	[sflag:s2] =	ssyncpa.u1 $0x1  }
0x42: {  	[sflag:s31] =	ssyncpa.u1 $0x1  }
0x43: {  	p0 =	sne.s32 s0, $0x0;
	_ =	strace $0x9000004A  }
0x44: {  	s0 =	sadd.s32 @!p0 $0x100000, s1;
	[bflag:$0x2] =	sbarrier.arrive $0xFFFF  }
0x45: {  	[sflag:s0] =	ssyncadd.tile.s32 @!p0 $0x1;
	_ =	shalt  }
.Lfunc_end1:
_tile_overlayer_lowered:
.L_overlay_start_2:
0x46: {  	(tag) =	ssettag $0x2  }
0x47: {  	s0 =	rddreg [dreg:$0x0];
	s2 =	stileid.u32  }
0x48: {  	s1 =	rddreg [dreg:$0x1];
	p0 =	sne.s32 s2, $0x0  }
0x49: {  	s3 =	rddreg [dreg:$0x2];
	[bflag:$0x3] =	sbarrier.arrive $0xFFFF;
	s2 =	simm.s32 @!p0 $0x1C01  }
0x4a: {  	[timem:s3], [sflag:s2] =	dma.local @!p0 [hbm:s0], s1  }
0x4b: {  	s0 =	simm.s32 @!p0 $0x1  }
0x4c: {  	_ =	swait.ge @!p0 [sflag:s0], s1  }
0x4d: {  	s1 =	ssub.s32 @!p0 $0x0, s1;
	[sflag:s0] =	ssyncset.done @!p0 $0x0  }
0x4e: {  	[sflag:s0] =	ssyncadd.s32 @!p0 s1  }
0x4f: {  	[bflag:$0x3] =	sbarrier.arrive $0xFFFF  }
0x50: {  	_ =	shalt  }

</sc_bundles>
